<compile_context>
chip_gen: v7x
topology: tpu7x:2x2x1
jax: 0.10.2.dev20260603
libtpu: 0.0.44.dev20260713+nightly
codegen_flags: <defaults>
</compile_context>

<pallas_src>
import functools

import jax
import jax.numpy as jnp
from jax import lax
from jax.experimental import pallas as pl
from jax.experimental.pallas import tpu as pltpu
from jax.experimental.pallas import tpu_sc as plsc

VOCAB = 1000000
EMBED_DIM = 32
BATCH = 16384

NUM_CORES = 2
NUM_SUBCORES = 16
NUM_WORKERS = NUM_CORES * NUM_SUBCORES
B_PER_W = BATCH // NUM_WORKERS
GRP = 8
NGRP = B_PER_W // GRP

_mesh = plsc.VectorSubcoreMesh(core_axis_name="c", subcore_axis_name="s")


@functools.partial(
    pl.kernel,
    mesh=_mesh,
    out_type=jax.ShapeDtypeStruct((EMBED_DIM * BATCH,), jnp.float32),
    scratch_types=[
        pltpu.VMEM((B_PER_W + 16,), jnp.int32),
        [pltpu.VMEM((EMBED_DIM, 128), jnp.float32) for _ in range(2 * GRP)],
        pltpu.VMEM((EMBED_DIM * B_PER_W,), jnp.float32),
        [pltpu.SemaphoreType.DMA for _ in range(2)],
        pltpu.SemaphoreType.DMA,
    ],
    compiler_params=pltpu.CompilerParams(
        use_tc_tiling_on_sc=True, needs_layout_passes=False
    ),
)
def _block_gather(idx_hbm, tab_hbm, out_hbm, idx_v, ring, cols, gsems, osem):
    wid = lax.axis_index("s") * NUM_CORES + lax.axis_index("c")
    base = wid * B_PER_W
    pltpu.sync_copy(idx_hbm.at[pl.ds(base, B_PER_W)], idx_v.at[pl.ds(0, B_PER_W)])

    rows0 = lax.iota(jnp.int32, 16)

    def fetch_group(g, bank):
        v16 = idx_v[pl.ds(g * GRP, 16)]
        for k in range(GRP):
            cb = pl.multiple_of(lax.div(v16[k], 128) * 128, 128)
            pltpu.async_copy(
                tab_hbm.at[:, pl.ds(cb, 128)], ring[bank * GRP + k], gsems[bank]
            )

    def extract_group(g, bank):
        for k in range(GRP):
            pltpu.make_async_copy(
                tab_hbm.at[:, pl.ds(0, 128)], ring[bank * GRP + k], gsems[bank]
            ).wait()
        v16 = idx_v[pl.ds(g * GRP, 16)]
        for k in range(GRP):
            lane = jnp.full((16,), v16[k] % 128, jnp.int32)
            top = plsc.load_gather(ring[bank * GRP + k], [rows0, lane])
            bot = plsc.load_gather(ring[bank * GRP + k], [rows0 + 16, lane])
            ci = jnp.full((16,), g * GRP + k, jnp.int32)
            plsc.store_scatter(cols, [rows0 * B_PER_W + ci], top)
            plsc.store_scatter(cols, [(rows0 + 16) * B_PER_W + ci], bot)

    fetch_group(0, 0)

    def body(ii, _):
        g0 = ii * 2
        fetch_group(g0 + 1, 1)
        extract_group(g0, 0)

        @pl.when(g0 + 2 < NGRP)
        def _():
            fetch_group(g0 + 2, 0)

        extract_group(g0 + 1, 1)
        return 0

    lax.fori_loop(0, NGRP // 2, body, 0)

    for d in range(EMBED_DIM):
        pltpu.async_copy(
            cols.at[pl.ds(d * B_PER_W, B_PER_W)],
            out_hbm.at[pl.ds(d * BATCH + base, B_PER_W)],
            osem,
        )
    for d in range(EMBED_DIM):
        pltpu.make_async_copy(
            cols.at[pl.ds(0, B_PER_W)], out_hbm.at[pl.ds(base, B_PER_W)], osem
        ).wait()


def kernel(input_words, in_embed):
    flat = _block_gather(input_words.astype(jnp.int32), in_embed.T)
    return flat.reshape(EMBED_DIM, BATCH).T

# --- scband reference (transcript-rebuilt; emitter-appended) ---
"""Pipeline reference for scband-skip-gram-neg-69947837383029 (READ-ONLY COPY).

The authoritative reference and input builder live on the scoring server;
editing this copy changes nothing except your own understanding.
"""

import jax, jax.numpy as jnp
import numpy as np

VOCAB = 1000000
EMBED_DIM = 32
BATCH = 16384


def setup_inputs(seed: int = 0) -> dict:
    key = jax.random.key(seed)
    k1, k2 = jax.random.split(key)
    input_words = jax.random.randint(k1, (BATCH,), 0, VOCAB)
    # in_embed weight initialized uniform(-1, 1) as in the torch module
    in_embed = jax.random.uniform(k2, (VOCAB, EMBED_DIM), dtype=jnp.float32, minval=-1.0, maxval=1.0)
    return {"input_words": input_words, "in_embed": in_embed}


def reference(input_words, in_embed):
    # SkipGramNeg.forward_input: embedding lookup of input words
    return jnp.take(in_embed, input_words, axis=0)

if __name__ == "__main__":
    import jax
    _d = setup_inputs()
    print(jax.jit(kernel)(*tuple(_d.values())))

</pallas_src>

<mosaic_0001>
#map = affine_map<(d0, d1) -> (0)>
#map1 = affine_map<(d0, d1) -> (0, 0)>
module attributes {stable_mosaic.version = 14 : i64} {
  func.func @_block_gather(%arg0: i32, %arg1: i32, %arg2: memref<16384xi32, #tpu.memory_space<hbm>>, %arg3: memref<32x1000000xf32, #tpu.memory_space<hbm>>, %arg4: memref<524288xf32, #tpu.memory_space<hbm>>, %arg5: memref<528xi32, #tpu.memory_space<vmem>>, %arg6: memref<32x128xf32, #tpu.memory_space<vmem>>, %arg7: memref<32x128xf32, #tpu.memory_space<vmem>>, %arg8: memref<32x128xf32, #tpu.memory_space<vmem>>, %arg9: memref<32x128xf32, #tpu.memory_space<vmem>>, %arg10: memref<32x128xf32, #tpu.memory_space<vmem>>, %arg11: memref<32x128xf32, #tpu.memory_space<vmem>>, %arg12: memref<32x128xf32, #tpu.memory_space<vmem>>, %arg13: memref<32x128xf32, #tpu.memory_space<vmem>>, %arg14: memref<32x128xf32, #tpu.memory_space<vmem>>, %arg15: memref<32x128xf32, #tpu.memory_space<vmem>>, %arg16: memref<32x128xf32, #tpu.memory_space<vmem>>, %arg17: memref<32x128xf32, #tpu.memory_space<vmem>>, %arg18: memref<32x128xf32, #tpu.memory_space<vmem>>, %arg19: memref<32x128xf32, #tpu.memory_space<vmem>>, %arg20: memref<32x128xf32, #tpu.memory_space<vmem>>, %arg21: memref<32x128xf32, #tpu.memory_space<vmem>>, %arg22: memref<16384xf32, #tpu.memory_space<vmem>>, %arg23: memref<!tpu.dma_semaphore, #tpu.memory_space<semaphore_mem>>, %arg24: memref<!tpu.dma_semaphore, #tpu.memory_space<semaphore_mem>>, %arg25: memref<!tpu.dma_semaphore, #tpu.memory_space<semaphore_mem>>) attributes {dimension_semantics = [#tpu.dimension_semantics<core_parallel>, #tpu.dimension_semantics<subcore_parallel>], iteration_bounds = array<i64: 2, 16>, scalar_prefetch = 0 : i64, scratch_operands = 21 : i64, tpu.core_type = #tpu.core_type<sc_vector_subcore>, window_params = [{transform_indices = #map}, {transform_indices = #map1}, {transform_indices = #map}]} {
    %mul3A = arith.constant 2 : i32
    %mul3A_0 = arith.muli %arg1, %mul3A : i32
    %add3A = arith.addi %mul3A_0, %arg0 : i32
    %mul3A_1 = arith.constant 512 : i32
    %mul3A_2 = arith.muli %add3A, %mul3A_1 : i32
    "tpu.region"() ({
      %run_scoped3A = tpu.sem_alloc : memref<!tpu.dma_semaphore, #tpu.memory_space<semaphore_mem>>
      %dma_start3A_540 = arith.constant 0 : i32
      %dma_start3A_541 = tpu.memref_slice %arg5[%dma_start3A_540] : memref<528xi32, #tpu.memory_space<vmem>> -> memref<512xi32, #tpu.memory_space<vmem>>
      %dma_start3A_542 = tpu.memref_slice %arg2[%mul3A_2] : memref<16384xi32, #tpu.memory_space<hbm>> -> memref<512xi32, #tpu.memory_space<hbm>>
      %dma_start3A_543 = arith.constant 0 : i32
      %dma_start3A_544 = tpu.memref_slice %arg5[%dma_start3A_543] : memref<528xi32, #tpu.memory_space<vmem>> -> memref<512xi32, #tpu.memory_space<vmem>>
      %dma_start3A_545 = tpu.memref_slice %arg2[%mul3A_2] : memref<16384xi32, #tpu.memory_space<hbm>> -> memref<512xi32, #tpu.memory_space<hbm>>
      tpu.enqueue_dma source(%dma_start3A_545 : memref<512xi32, #tpu.memory_space<hbm>>) target(%dma_start3A_544 : memref<512xi32, #tpu.memory_space<vmem>>) target_semaphore(%run_scoped3A : memref<!tpu.dma_semaphore, #tpu.memory_space<semaphore_mem>>)
      %dma_wait3A_546 = arith.constant 0 : i32
      %dma_wait3A_547 = tpu.memref_slice %arg5[%dma_wait3A_546] : memref<528xi32, #tpu.memory_space<vmem>> -> memref<512xi32, #tpu.memory_space<vmem>>
      %dma_wait3A_548 = tpu.memref_slice %arg2[%mul3A_2] : memref<16384xi32, #tpu.memory_space<hbm>> -> memref<512xi32, #tpu.memory_space<hbm>>
      %dma_wait3A_549 = arith.constant 0 : i32
      %dma_wait3A_550 = tpu.memref_slice %arg5[%dma_wait3A_549] : memref<528xi32, #tpu.memory_space<vmem>> -> memref<512xi32, #tpu.memory_space<vmem>>
      %dma_wait3A_551 = tpu.memref_slice %arg2[%mul3A_2] : memref<16384xi32, #tpu.memory_space<hbm>> -> memref<512xi32, #tpu.memory_space<hbm>>
      tpu.wait_dma2 semaphore(%run_scoped3A : memref<!tpu.dma_semaphore, #tpu.memory_space<semaphore_mem>>) src(%dma_wait3A_551 : memref<512xi32, #tpu.memory_space<hbm>>) dst(%dma_wait3A_550 : memref<512xi32, #tpu.memory_space<vmem>>)
      tpu.yield
    }) : () -> ()
    %iota3A = tpu.iota {dimensions = array<i32: 0>} : vector<16xi32>
    %get3A = arith.constant 0 : index
    %get3A_3 = tpu.vector_load %arg5[%get3A] {strides = array<i32>} : memref<528xi32, #tpu.memory_space<vmem>>, vector<16xi32>,
    %slice3A = vector.extract_strided_slice %get3A_3 {offsets = [0], sizes = [1], strides = [1]} : vector<16xi32> to vector<1xi32>
    %squeeze3A = vector.extract %slice3A[0] : i32 from vector<1xi32>
    %div3A = arith.constant 128 : i32
    %div3A_4 = arith.divsi %squeeze3A, %div3A : i32
    %mul3A_5 = arith.constant 128 : i32
    %mul3A_6 = arith.muli %div3A_4, %mul3A_5 : i32
    %multiple_of3A = tpu.assume_multiple %mul3A_6, 128 : i32
    %dma_start3A = arith.constant 0 : i32
    %dma_start3A_7 = tpu.memref_slice %arg3[%dma_start3A, %multiple_of3A] : memref<32x1000000xf32, #tpu.memory_space<hbm>> -> memref<32x128xf32, #tpu.memory_space<hbm>>
    %dma_start3A_8 = arith.constant 0 : i32
    %dma_start3A_9 = tpu.memref_slice %arg3[%dma_start3A_8, %multiple_of3A] : memref<32x1000000xf32, #tpu.memory_space<hbm>> -> memref<32x128xf32, #tpu.memory_space<hbm>>
    tpu.enqueue_dma source(%dma_start3A_9 : memref<32x128xf32, #tpu.memory_space<hbm>>) target(%arg6 : memref<32x128xf32, #tpu.memory_space<vmem>>) target_semaphore(%arg23 : memref<!tpu.dma_semaphore, #tpu.memory_space<semaphore_mem>>)
    %slice3A_10 = vector.extract_strided_slice %get3A_3 {offsets = [1], sizes = [1], strides = [1]} : vector<16xi32> to vector<1xi32>
    %squeeze3A_11 = vector.extract %slice3A_10[0] : i32 from vector<1xi32>
    %div3A_12 = arith.constant 128 : i32
    %div3A_13 = arith.divsi %squeeze3A_11, %div3A_12 : i32
    %mul3A_14 = arith.constant 128 : i32
    %mul3A_15 = arith.muli %div3A_13, %mul3A_14 : i32
    %multiple_of3A_16 = tpu.assume_multiple %mul3A_15, 128 : i32
    %dma_start3A_17 = arith.constant 0 : i32
    %dma_start3A_18 = tpu.memref_slice %arg3[%dma_start3A_17, %multiple_of3A_16] : memref<32x1000000xf32, #tpu.memory_space<hbm>> -> memref<32x128xf32, #tpu.memory_space<hbm>>
    %dma_start3A_19 = arith.constant 0 : i32
    %dma_start3A_20 = tpu.memref_slice %arg3[%dma_start3A_19, %multiple_of3A_16] : memref<32x1000000xf32, #tpu.memory_space<hbm>> -> memref<32x128xf32, #tpu.memory_space<hbm>>
    tpu.enqueue_dma source(%dma_start3A_20 : memref<32x128xf32, #tpu.memory_space<hbm>>) target(%arg7 : memref<32x128xf32, #tpu.memory_space<vmem>>) target_semaphore(%arg23 : memref<!tpu.dma_semaphore, #tpu.memory_space<semaphore_mem>>)
    %slice3A_21 = vector.extract_strided_slice %get3A_3 {offsets = [2], sizes = [1], strides = [1]} : vector<16xi32> to vector<1xi32>
    %squeeze3A_22 = vector.extract %slice3A_21[0] : i32 from vector<1xi32>
    %div3A_23 = arith.constant 128 : i32
    %div3A_24 = arith.divsi %squeeze3A_22, %div3A_23 : i32
    %mul3A_25 = arith.constant 128 : i32
    %mul3A_26 = arith.muli %div3A_24, %mul3A_25 : i32
    %multiple_of3A_27 = tpu.assume_multiple %mul3A_26, 128 : i32
    %dma_start3A_28 = arith.constant 0 : i32
    %dma_start3A_29 = tpu.memref_slice %arg3[%dma_start3A_28, %multiple_of3A_27] : memref<32x1000000xf32, #tpu.memory_space<hbm>> -> memref<32x128xf32, #tpu.memory_space<hbm>>
    %dma_start3A_30 = arith.constant 0 : i32
    %dma_start3A_31 = tpu.memref_slice %arg3[%dma_start3A_30, %multiple_of3A_27] : memref<32x1000000xf32, #tpu.memory_space<hbm>> -> memref<32x128xf32, #tpu.memory_space<hbm>>
    tpu.enqueue_dma source(%dma_start3A_31 : memref<32x128xf32, #tpu.memory_space<hbm>>) target(%arg8 : memref<32x128xf32, #tpu.memory_space<vmem>>) target_semaphore(%arg23 : memref<!tpu.dma_semaphore, #tpu.memory_space<semaphore_mem>>)
    %slice3A_32 = vector.extract_strided_slice %get3A_3 {offsets = [3], sizes = [1], strides = [1]} : vector<16xi32> to vector<1xi32>
    %squeeze3A_33 = vector.extract %slice3A_32[0] : i32 from vector<1xi32>
    %div3A_34 = arith.constant 128 : i32
    %div3A_35 = arith.divsi %squeeze3A_33, %div3A_34 : i32
    %mul3A_36 = arith.constant 128 : i32
    %mul3A_37 = arith.muli %div3A_35, %mul3A_36 : i32
    %multiple_of3A_38 = tpu.assume_multiple %mul3A_37, 128 : i32
    %dma_start3A_39 = arith.constant 0 : i32
    %dma_start3A_40 = tpu.memref_slice %arg3[%dma_start3A_39, %multiple_of3A_38] : memref<32x1000000xf32, #tpu.memory_space<hbm>> -> memref<32x128xf32, #tpu.memory_space<hbm>>
    %dma_start3A_41 = arith.constant 0 : i32
    %dma_start3A_42 = tpu.memref_slice %arg3[%dma_start3A_41, %multiple_of3A_38] : memref<32x1000000xf32, #tpu.memory_space<hbm>> -> memref<32x128xf32, #tpu.memory_space<hbm>>
    tpu.enqueue_dma source(%dma_start3A_42 : memref<32x128xf32, #tpu.memory_space<hbm>>) target(%arg9 : memref<32x128xf32, #tpu.memory_space<vmem>>) target_semaphore(%arg23 : memref<!tpu.dma_semaphore, #tpu.memory_space<semaphore_mem>>)
    %slice3A_43 = vector.extract_strided_slice %get3A_3 {offsets = [4], sizes = [1], strides = [1]} : vector<16xi32> to vector<1xi32>
    %squeeze3A_44 = vector.extract %slice3A_43[0] : i32 from vector<1xi32>
    %div3A_45 = arith.constant 128 : i32
    %div3A_46 = arith.divsi %squeeze3A_44, %div3A_45 : i32
    %mul3A_47 = arith.constant 128 : i32
    %mul3A_48 = arith.muli %div3A_46, %mul3A_47 : i32
    %multiple_of3A_49 = tpu.assume_multiple %mul3A_48, 128 : i32
    %dma_start3A_50 = arith.constant 0 : i32
    %dma_start3A_51 = tpu.memref_slice %arg3[%dma_start3A_50, %multiple_of3A_49] : memref<32x1000000xf32, #tpu.memory_space<hbm>> -> memref<32x128xf32, #tpu.memory_space<hbm>>
    %dma_start3A_52 = arith.constant 0 : i32
    %dma_start3A_53 = tpu.memref_slice %arg3[%dma_start3A_52, %multiple_of3A_49] : memref<32x1000000xf32, #tpu.memory_space<hbm>> -> memref<32x128xf32, #tpu.memory_space<hbm>>
    tpu.enqueue_dma source(%dma_start3A_53 : memref<32x128xf32, #tpu.memory_space<hbm>>) target(%arg10 : memref<32x128xf32, #tpu.memory_space<vmem>>) target_semaphore(%arg23 : memref<!tpu.dma_semaphore, #tpu.memory_space<semaphore_mem>>)
    %slice3A_54 = vector.extract_strided_slice %get3A_3 {offsets = [5], sizes = [1], strides = [1]} : vector<16xi32> to vector<1xi32>
    %squeeze3A_55 = vector.extract %slice3A_54[0] : i32 from vector<1xi32>
    %div3A_56 = arith.constant 128 : i32
    %div3A_57 = arith.divsi %squeeze3A_55, %div3A_56 : i32
    %mul3A_58 = arith.constant 128 : i32
    %mul3A_59 = arith.muli %div3A_57, %mul3A_58 : i32
    %multiple_of3A_60 = tpu.assume_multiple %mul3A_59, 128 : i32
    %dma_start3A_61 = arith.constant 0 : i32
    %dma_start3A_62 = tpu.memref_slice %arg3[%dma_start3A_61, %multiple_of3A_60] : memref<32x1000000xf32, #tpu.memory_space<hbm>> -> memref<32x128xf32, #tpu.memory_space<hbm>>
    %dma_start3A_63 = arith.constant 0 : i32
    %dma_start3A_64 = tpu.memref_slice %arg3[%dma_start3A_63, %multiple_of3A_60] : memref<32x1000000xf32, #tpu.memory_space<hbm>> -> memref<32x128xf32, #tpu.memory_space<hbm>>
    tpu.enqueue_dma source(%dma_start3A_64 : memref<32x128xf32, #tpu.memory_space<hbm>>) target(%arg11 : memref<32x128xf32, #tpu.memory_space<vmem>>) target_semaphore(%arg23 : memref<!tpu.dma_semaphore, #tpu.memory_space<semaphore_mem>>)
    %slice3A_65 = vector.extract_strided_slice %get3A_3 {offsets = [6], sizes = [1], strides = [1]} : vector<16xi32> to vector<1xi32>
    %squeeze3A_66 = vector.extract %slice3A_65[0] : i32 from vector<1xi32>
    %div3A_67 = arith.constant 128 : i32
    %div3A_68 = arith.divsi %squeeze3A_66, %div3A_67 : i32
    %mul3A_69 = arith.constant 128 : i32
    %mul3A_70 = arith.muli %div3A_68, %mul3A_69 : i32
    %multiple_of3A_71 = tpu.assume_multiple %mul3A_70, 128 : i32
    %dma_start3A_72 = arith.constant 0 : i32
    %dma_start3A_73 = tpu.memref_slice %arg3[%dma_start3A_72, %multiple_of3A_71] : memref<32x1000000xf32, #tpu.memory_space<hbm>> -> memref<32x128xf32, #tpu.memory_space<hbm>>
    %dma_start3A_74 = arith.constant 0 : i32
    %dma_start3A_75 = tpu.memref_slice %arg3[%dma_start3A_74, %multiple_of3A_71] : memref<32x1000000xf32, #tpu.memory_space<hbm>> -> memref<32x128xf32, #tpu.memory_space<hbm>>
    tpu.enqueue_dma source(%dma_start3A_75 : memref<32x128xf32, #tpu.memory_space<hbm>>) target(%arg12 : memref<32x128xf32, #tpu.memory_space<vmem>>) target_semaphore(%arg23 : memref<!tpu.dma_semaphore, #tpu.memory_space<semaphore_mem>>)
    %slice3A_76 = vector.extract_strided_slice %get3A_3 {offsets = [7], sizes = [1], strides = [1]} : vector<16xi32> to vector<1xi32>
    %squeeze3A_77 = vector.extract %slice3A_76[0] : i32 from vector<1xi32>
    %div3A_78 = arith.constant 128 : i32
    %div3A_79 = arith.divsi %squeeze3A_77, %div3A_78 : i32
    %mul3A_80 = arith.constant 128 : i32
    %mul3A_81 = arith.muli %div3A_79, %mul3A_80 : i32
    %multiple_of3A_82 = tpu.assume_multiple %mul3A_81, 128 : i32
    %dma_start3A_83 = arith.constant 0 : i32
    %dma_start3A_84 = tpu.memref_slice %arg3[%dma_start3A_83, %multiple_of3A_82] : memref<32x1000000xf32, #tpu.memory_space<hbm>> -> memref<32x128xf32, #tpu.memory_space<hbm>>
    %dma_start3A_85 = arith.constant 0 : i32
    %dma_start3A_86 = tpu.memref_slice %arg3[%dma_start3A_85, %multiple_of3A_82] : memref<32x1000000xf32, #tpu.memory_space<hbm>> -> memref<32x128xf32, #tpu.memory_space<hbm>>
    tpu.enqueue_dma source(%dma_start3A_86 : memref<32x128xf32, #tpu.memory_space<hbm>>) target(%arg13 : memref<32x128xf32, #tpu.memory_space<vmem>>) target_semaphore(%arg23 : memref<!tpu.dma_semaphore, #tpu.memory_space<semaphore_mem>>)
    %scan3A = arith.constant 0 : i32
    %scan3A_87 = arith.constant 0 : i32
    %scan3A_88 = arith.constant 32 : i32
    %scan3A_89 = arith.addi %scan3A_87, %scan3A_88 : i32
    %scan3A_90 = arith.constant 1 : i32
    %scan3A_91 = scf.for %scan3A_540 = %scan3A_87 to %scan3A_89 step %scan3A_90 iter_args(%scan3A_541 = %scan3A) -> (i32)  : i32 {
      %mul3A_542 = arith.constant 2 : i32
      %mul3A_543 = arith.muli %scan3A_540, %mul3A_542 : i32
      %add3A_544 = arith.constant 1 : i32
      %add3A_545 = arith.addi %mul3A_543, %add3A_544 : i32
      %mul3A_546 = arith.constant 8 : i32
      %mul3A_547 = arith.muli %add3A_545, %mul3A_546 : i32
      %get3A_548 = arith.index_cast %mul3A_547 : i32 to index
      %get3A_549 = tpu.vector_load %arg5[%get3A_548] {strides = array<i32>} : memref<528xi32, #tpu.memory_space<vmem>>, vector<16xi32>,
      %slice3A_550 = vector.extract_strided_slice %get3A_549 {offsets = [0], sizes = [1], strides = [1]} : vector<16xi32> to vector<1xi32>
      %squeeze3A_551 = vector.extract %slice3A_550[0] : i32 from vector<1xi32>
      %div3A_552 = arith.constant 128 : i32
      %div3A_553 = arith.divsi %squeeze3A_551, %div3A_552 : i32
      %mul3A_554 = arith.constant 128 : i32
      %mul3A_555 = arith.muli %div3A_553, %mul3A_554 : i32
      %multiple_of3A_556 = tpu.assume_multiple %mul3A_555, 128 : i32
      %dma_start3A_557 = arith.constant 0 : i32
      %dma_start3A_558 = tpu.memref_slice %arg3[%dma_start3A_557, %multiple_of3A_556] : memref<32x1000000xf32, #tpu.memory_space<hbm>> -> memref<32x128xf32, #tpu.memory_space<hbm>>
      %dma_start3A_559 = arith.constant 0 : i32
      %dma_start3A_560 = tpu.memref_slice %arg3[%dma_start3A_559, %multiple_of3A_556] : memref<32x1000000xf32, #tpu.memory_space<hbm>> -> memref<32x128xf32, #tpu.memory_space<hbm>>
      tpu.enqueue_dma source(%dma_start3A_560 : memref<32x128xf32, #tpu.memory_space<hbm>>) target(%arg14 : memref<32x128xf32, #tpu.memory_space<vmem>>) target_semaphore(%arg24 : memref<!tpu.dma_semaphore, #tpu.memory_space<semaphore_mem>>)
      %slice3A_561 = vector.extract_strided_slice %get3A_549 {offsets = [1], sizes = [1], strides = [1]} : vector<16xi32> to vector<1xi32>
      %squeeze3A_562 = vector.extract %slice3A_561[0] : i32 from vector<1xi32>
      %div3A_563 = arith.constant 128 : i32
      %div3A_564 = arith.divsi %squeeze3A_562, %div3A_563 : i32
      %mul3A_565 = arith.constant 128 : i32
      %mul3A_566 = arith.muli %div3A_564, %mul3A_565 : i32
      %multiple_of3A_567 = tpu.assume_multiple %mul3A_566, 128 : i32
      %dma_start3A_568 = arith.constant 0 : i32
      %dma_start3A_569 = tpu.memref_slice %arg3[%dma_start3A_568, %multiple_of3A_567] : memref<32x1000000xf32, #tpu.memory_space<hbm>> -> memref<32x128xf32, #tpu.memory_space<hbm>>
      %dma_start3A_570 = arith.constant 0 : i32
      %dma_start3A_571 = tpu.memref_slice %arg3[%dma_start3A_570, %multiple_of3A_567] : memref<32x1000000xf32, #tpu.memory_space<hbm>> -> memref<32x128xf32, #tpu.memory_space<hbm>>
      tpu.enqueue_dma source(%dma_start3A_571 : memref<32x128xf32, #tpu.memory_space<hbm>>) target(%arg15 : memref<32x128xf32, #tpu.memory_space<vmem>>) target_semaphore(%arg24 : memref<!tpu.dma_semaphore, #tpu.memory_space<semaphore_mem>>)
      %slice3A_572 = vector.extract_strided_slice %get3A_549 {offsets = [2], sizes = [1], strides = [1]} : vector<16xi32> to vector<1xi32>
      %squeeze3A_573 = vector.extract %slice3A_572[0] : i32 from vector<1xi32>
      %div3A_574 = arith.constant 128 : i32
      %div3A_575 = arith.divsi %squeeze3A_573, %div3A_574 : i32
      %mul3A_576 = arith.constant 128 : i32
      %mul3A_577 = arith.muli %div3A_575, %mul3A_576 : i32
      %multiple_of3A_578 = tpu.assume_multiple %mul3A_577, 128 : i32
      %dma_start3A_579 = arith.constant 0 : i32
      %dma_start3A_580 = tpu.memref_slice %arg3[%dma_start3A_579, %multiple_of3A_578] : memref<32x1000000xf32, #tpu.memory_space<hbm>> -> memref<32x128xf32, #tpu.memory_space<hbm>>
      %dma_start3A_581 = arith.constant 0 : i32
      %dma_start3A_582 = tpu.memref_slice %arg3[%dma_start3A_581, %multiple_of3A_578] : memref<32x1000000xf32, #tpu.memory_space<hbm>> -> memref<32x128xf32, #tpu.memory_space<hbm>>
      tpu.enqueue_dma source(%dma_start3A_582 : memref<32x128xf32, #tpu.memory_space<hbm>>) target(%arg16 : memref<32x128xf32, #tpu.memory_space<vmem>>) target_semaphore(%arg24 : memref<!tpu.dma_semaphore, #tpu.memory_space<semaphore_mem>>)
      %slice3A_583 = vector.extract_strided_slice %get3A_549 {offsets = [3], sizes = [1], strides = [1]} : vector<16xi32> to vector<1xi32>
      %squeeze3A_584 = vector.extract %slice3A_583[0] : i32 from vector<1xi32>
      %div3A_585 = arith.constant 128 : i32
      %div3A_586 = arith.divsi %squeeze3A_584, %div3A_585 : i32
      %mul3A_587 = arith.constant 128 : i32
      %mul3A_588 = arith.muli %div3A_586, %mul3A_587 : i32
      %multiple_of3A_589 = tpu.assume_multiple %mul3A_588, 128 : i32
      %dma_start3A_590 = arith.constant 0 : i32
      %dma_start3A_591 = tpu.memref_slice %arg3[%dma_start3A_590, %multiple_of3A_589] : memref<32x1000000xf32, #tpu.memory_space<hbm>> -> memref<32x128xf32, #tpu.memory_space<hbm>>
      %dma_start3A_592 = arith.constant 0 : i32
      %dma_start3A_593 = tpu.memref_slice %arg3[%dma_start3A_592, %multiple_of3A_589] : memref<32x1000000xf32, #tpu.memory_space<hbm>> -> memref<32x128xf32, #tpu.memory_space<hbm>>
      tpu.enqueue_dma source(%dma_start3A_593 : memref<32x128xf32, #tpu.memory_space<hbm>>) target(%arg17 : memref<32x128xf32, #tpu.memory_space<vmem>>) target_semaphore(%arg24 : memref<!tpu.dma_semaphore, #tpu.memory_space<semaphore_mem>>)
      %slice3A_594 = vector.extract_strided_slice %get3A_549 {offsets = [4], sizes = [1], strides = [1]} : vector<16xi32> to vector<1xi32>
      %squeeze3A_595 = vector.extract %slice3A_594[0] : i32 from vector<1xi32>
      %div3A_596 = arith.constant 128 : i32
      %div3A_597 = arith.divsi %squeeze3A_595, %div3A_596 : i32
      %mul3A_598 = arith.constant 128 : i32
      %mul3A_599 = arith.muli %div3A_597, %mul3A_598 : i32
      %multiple_of3A_600 = tpu.assume_multiple %mul3A_599, 128 : i32
      %dma_start3A_601 = arith.constant 0 : i32
      %dma_start3A_602 = tpu.memref_slice %arg3[%dma_start3A_601, %multiple_of3A_600] : memref<32x1000000xf32, #tpu.memory_space<hbm>> -> memref<32x128xf32, #tpu.memory_space<hbm>>
      %dma_start3A_603 = arith.constant 0 : i32
      %dma_start3A_604 = tpu.memref_slice %arg3[%dma_start3A_603, %multiple_of3A_600] : memref<32x1000000xf32, #tpu.memory_space<hbm>> -> memref<32x128xf32, #tpu.memory_space<hbm>>
      tpu.enqueue_dma source(%dma_start3A_604 : memref<32x128xf32, #tpu.memory_space<hbm>>) target(%arg18 : memref<32x128xf32, #tpu.memory_space<vmem>>) target_semaphore(%arg24 : memref<!tpu.dma_semaphore, #tpu.memory_space<semaphore_mem>>)
      %slice3A_605 = vector.extract_strided_slice %get3A_549 {offsets = [5], sizes = [1], strides = [1]} : vector<16xi32> to vector<1xi32>
      %squeeze3A_606 = vector.extract %slice3A_605[0] : i32 from vector<1xi32>
      %div3A_607 = arith.constant 128 : i32
      %div3A_608 = arith.divsi %squeeze3A_606, %div3A_607 : i32
      %mul3A_609 = arith.constant 128 : i32
      %mul3A_610 = arith.muli %div3A_608, %mul3A_609 : i32
      %multiple_of3A_611 = tpu.assume_multiple %mul3A_610, 128 : i32
      %dma_start3A_612 = arith.constant 0 : i32
      %dma_start3A_613 = tpu.memref_slice %arg3[%dma_start3A_612, %multiple_of3A_611] : memref<32x1000000xf32, #tpu.memory_space<hbm>> -> memref<32x128xf32, #tpu.memory_space<hbm>>
      %dma_start3A_614 = arith.constant 0 : i32
      %dma_start3A_615 = tpu.memref_slice %arg3[%dma_start3A_614, %multiple_of3A_611] : memref<32x1000000xf32, #tpu.memory_space<hbm>> -> memref<32x128xf32, #tpu.memory_space<hbm>>
      tpu.enqueue_dma source(%dma_start3A_615 : memref<32x128xf32, #tpu.memory_space<hbm>>) target(%arg19 : memref<32x128xf32, #tpu.memory_space<vmem>>) target_semaphore(%arg24 : memref<!tpu.dma_semaphore, #tpu.memory_space<semaphore_mem>>)
      %slice3A_616 = vector.extract_strided_slice %get3A_549 {offsets = [6], sizes = [1], strides = [1]} : vector<16xi32> to vector<1xi32>
      %squeeze3A_617 = vector.extract %slice3A_616[0] : i32 from vector<1xi32>
      %div3A_618 = arith.constant 128 : i32
      %div3A_619 = arith.divsi %squeeze3A_617, %div3A_618 : i32
      %mul3A_620 = arith.constant 128 : i32
      %mul3A_621 = arith.muli %div3A_619, %mul3A_620 : i32
      %multiple_of3A_622 = tpu.assume_multiple %mul3A_621, 128 : i32
      %dma_start3A_623 = arith.constant 0 : i32
      %dma_start3A_624 = tpu.memref_slice %arg3[%dma_start3A_623, %multiple_of3A_622] : memref<32x1000000xf32, #tpu.memory_space<hbm>> -> memref<32x128xf32, #tpu.memory_space<hbm>>
      %dma_start3A_625 = arith.constant 0 : i32
      %dma_start3A_626 = tpu.memref_slice %arg3[%dma_start3A_625, %multiple_of3A_622] : memref<32x1000000xf32, #tpu.memory_space<hbm>> -> memref<32x128xf32, #tpu.memory_space<hbm>>
      tpu.enqueue_dma source(%dma_start3A_626 : memref<32x128xf32, #tpu.memory_space<hbm>>) target(%arg20 : memref<32x128xf32, #tpu.memory_space<vmem>>) target_semaphore(%arg24 : memref<!tpu.dma_semaphore, #tpu.memory_space<semaphore_mem>>)
      %slice3A_627 = vector.extract_strided_slice %get3A_549 {offsets = [7], sizes = [1], strides = [1]} : vector<16xi32> to vector<1xi32>
      %squeeze3A_628 = vector.extract %slice3A_627[0] : i32 from vector<1xi32>
      %div3A_629 = arith.constant 128 : i32
      %div3A_630 = arith.divsi %squeeze3A_628, %div3A_629 : i32
      %mul3A_631 = arith.constant 128 : i32
      %mul3A_632 = arith.muli %div3A_630, %mul3A_631 : i32
      %multiple_of3A_633 = tpu.assume_multiple %mul3A_632, 128 : i32
      %dma_start3A_634 = arith.constant 0 : i32
      %dma_start3A_635 = tpu.memref_slice %arg3[%dma_start3A_634, %multiple_of3A_633] : memref<32x1000000xf32, #tpu.memory_space<hbm>> -> memref<32x128xf32, #tpu.memory_space<hbm>>
      %dma_start3A_636 = arith.constant 0 : i32
      %dma_start3A_637 = tpu.memref_slice %arg3[%dma_start3A_636, %multiple_of3A_633] : memref<32x1000000xf32, #tpu.memory_space<hbm>> -> memref<32x128xf32, #tpu.memory_space<hbm>>
      tpu.enqueue_dma source(%dma_start3A_637 : memref<32x128xf32, #tpu.memory_space<hbm>>) target(%arg21 : memref<32x128xf32, #tpu.memory_space<vmem>>) target_semaphore(%arg24 : memref<!tpu.dma_semaphore, #tpu.memory_space<semaphore_mem>>)
      %dma_wait3A_638 = arith.constant 0 : i32
      %dma_wait3A_639 = arith.constant 0 : i32
      %dma_wait3A_640 = tpu.memref_slice %arg3[%dma_wait3A_638, %dma_wait3A_639] : memref<32x1000000xf32, #tpu.memory_space<hbm>> -> memref<32x128xf32, #tpu.memory_space<hbm>>
      %dma_wait3A_641 = arith.constant 0 : i32
      %dma_wait3A_642 = arith.constant 0 : i32
      %dma_wait3A_643 = tpu.memref_slice %arg3[%dma_wait3A_641, %dma_wait3A_642] : memref<32x1000000xf32, #tpu.memory_space<hbm>> -> memref<32x128xf32, #tpu.memory_space<hbm>>
      tpu.wait_dma2 semaphore(%arg23 : memref<!tpu.dma_semaphore, #tpu.memory_space<semaphore_mem>>) src(%dma_wait3A_643 : memref<32x128xf32, #tpu.memory_space<hbm>>) dst(%arg6 : memref<32x128xf32, #tpu.memory_space<vmem>>)
      %dma_wait3A_644 = arith.constant 0 : i32
      %dma_wait3A_645 = arith.constant 0 : i32
      %dma_wait3A_646 = tpu.memref_slice %arg3[%dma_wait3A_644, %dma_wait3A_645] : memref<32x1000000xf32, #tpu.memory_space<hbm>> -> memref<32x128xf32, #tpu.memory_space<hbm>>
      %dma_wait3A_647 = arith.constant 0 : i32
      %dma_wait3A_648 = arith.constant 0 : i32
      %dma_wait3A_649 = tpu.memref_slice %arg3[%dma_wait3A_647, %dma_wait3A_648] : memref<32x1000000xf32, #tpu.memory_space<hbm>> -> memref<32x128xf32, #tpu.memory_space<hbm>>
      tpu.wait_dma2 semaphore(%arg23 : memref<!tpu.dma_semaphore, #tpu.memory_space<semaphore_mem>>) src(%dma_wait3A_649 : memref<32x128xf32, #tpu.memory_space<hbm>>) dst(%arg7 : memref<32x128xf32, #tpu.memory_space<vmem>>)
      %dma_wait3A_650 = arith.constant 0 : i32
      %dma_wait3A_651 = arith.constant 0 : i32
      %dma_wait3A_652 = tpu.memref_slice %arg3[%dma_wait3A_650, %dma_wait3A_651] : memref<32x1000000xf32, #tpu.memory_space<hbm>> -> memref<32x128xf32, #tpu.memory_space<hbm>>
      %dma_wait3A_653 = arith.constant 0 : i32
      %dma_wait3A_654 = arith.constant 0 : i32
      %dma_wait3A_655 = tpu.memref_slice %arg3[%dma_wait3A_653, %dma_wait3A_654] : memref<32x1000000xf32, #tpu.memory_space<hbm>> -> memref<32x128xf32, #tpu.memory_space<hbm>>
      tpu.wait_dma2 semaphore(%arg23 : memref<!tpu.dma_semaphore, #tpu.memory_space<semaphore_mem>>) src(%dma_wait3A_655 : memref<32x128xf32, #tpu.memory_space<hbm>>) dst(%arg8 : memref<32x128xf32, #tpu.memory_space<vmem>>)
      %dma_wait3A_656 = arith.constant 0 : i32
      %dma_wait3A_657 = arith.constant 0 : i32
      %dma_wait3A_658 = tpu.memref_slice %arg3[%dma_wait3A_656, %dma_wait3A_657] : memref<32x1000000xf32, #tpu.memory_space<hbm>> -> memref<32x128xf32, #tpu.memory_space<hbm>>
      %dma_wait3A_659 = arith.constant 0 : i32
      %dma_wait3A_660 = arith.constant 0 : i32
      %dma_wait3A_661 = tpu.memref_slice %arg3[%dma_wait3A_659, %dma_wait3A_660] : memref<32x1000000xf32, #tpu.memory_space<hbm>> -> memref<32x128xf32, #tpu.memory_space<hbm>>
      tpu.wait_dma2 semaphore(%arg23 : memref<!tpu.dma_semaphore, #tpu.memory_space<semaphore_mem>>) src(%dma_wait3A_661 : memref<32x128xf32, #tpu.memory_space<hbm>>) dst(%arg9 : memref<32x128xf32, #tpu.memory_space<vmem>>)
      %dma_wait3A_662 = arith.constant 0 : i32
      %dma_wait3A_663 = arith.constant 0 : i32
      %dma_wait3A_664 = tpu.memref_slice %arg3[%dma_wait3A_662, %dma_wait3A_663] : memref<32x1000000xf32, #tpu.memory_space<hbm>> -> memref<32x128xf32, #tpu.memory_space<hbm>>
      %dma_wait3A_665 = arith.constant 0 : i32
      %dma_wait3A_666 = arith.constant 0 : i32
      %dma_wait3A_667 = tpu.memref_slice %arg3[%dma_wait3A_665, %dma_wait3A_666] : memref<32x1000000xf32, #tpu.memory_space<hbm>> -> memref<32x128xf32, #tpu.memory_space<hbm>>
      tpu.wait_dma2 semaphore(%arg23 : memref<!tpu.dma_semaphore, #tpu.memory_space<semaphore_mem>>) src(%dma_wait3A_667 : memref<32x128xf32, #tpu.memory_space<hbm>>) dst(%arg10 : memref<32x128xf32, #tpu.memory_space<vmem>>)
      %dma_wait3A_668 = arith.constant 0 : i32
      %dma_wait3A_669 = arith.constant 0 : i32
      %dma_wait3A_670 = tpu.memref_slice %arg3[%dma_wait3A_668, %dma_wait3A_669] : memref<32x1000000xf32, #tpu.memory_space<hbm>> -> memref<32x128xf32, #tpu.memory_space<hbm>>
      %dma_wait3A_671 = arith.constant 0 : i32
      %dma_wait3A_672 = arith.constant 0 : i32
      %dma_wait3A_673 = tpu.memref_slice %arg3[%dma_wait3A_671, %dma_wait3A_672] : memref<32x1000000xf32, #tpu.memory_space<hbm>> -> memref<32x128xf32, #tpu.memory_space<hbm>>
      tpu.wait_dma2 semaphore(%arg23 : memref<!tpu.dma_semaphore, #tpu.memory_space<semaphore_mem>>) src(%dma_wait3A_673 : memref<32x128xf32, #tpu.memory_space<hbm>>) dst(%arg11 : memref<32x128xf32, #tpu.memory_space<vmem>>)
      %dma_wait3A_674 = arith.constant 0 : i32
      %dma_wait3A_675 = arith.constant 0 : i32
      %dma_wait3A_676 = tpu.memref_slice %arg3[%dma_wait3A_674, %dma_wait3A_675] : memref<32x1000000xf32, #tpu.memory_space<hbm>> -> memref<32x128xf32, #tpu.memory_space<hbm>>
      %dma_wait3A_677 = arith.constant 0 : i32
      %dma_wait3A_678 = arith.constant 0 : i32
      %dma_wait3A_679 = tpu.memref_slice %arg3[%dma_wait3A_677, %dma_wait3A_678] : memref<32x1000000xf32, #tpu.memory_space<hbm>> -> memref<32x128xf32, #tpu.memory_space<hbm>>
      tpu.wait_dma2 semaphore(%arg23 : memref<!tpu.dma_semaphore, #tpu.memory_space<semaphore_mem>>) src(%dma_wait3A_679 : memref<32x128xf32, #tpu.memory_space<hbm>>) dst(%arg12 : memref<32x128xf32, #tpu.memory_space<vmem>>)
      %dma_wait3A_680 = arith.constant 0 : i32
      %dma_wait3A_681 = arith.constant 0 : i32
      %dma_wait3A_682 = tpu.memref_slice %arg3[%dma_wait3A_680, %dma_wait3A_681] : memref<32x1000000xf32, #tpu.memory_space<hbm>> -> memref<32x128xf32, #tpu.memory_space<hbm>>
      %dma_wait3A_683 = arith.constant 0 : i32
      %dma_wait3A_684 = arith.constant 0 : i32
      %dma_wait3A_685 = tpu.memref_slice %arg3[%dma_wait3A_683, %dma_wait3A_684] : memref<32x1000000xf32, #tpu.memory_space<hbm>> -> memref<32x128xf32, #tpu.memory_space<hbm>>
      tpu.wait_dma2 semaphore(%arg23 : memref<!tpu.dma_semaphore, #tpu.memory_space<semaphore_mem>>) src(%dma_wait3A_685 : memref<32x128xf32, #tpu.memory_space<hbm>>) dst(%arg13 : memref<32x128xf32, #tpu.memory_space<vmem>>)
      %mul3A_686 = arith.constant 8 : i32
      %mul3A_687 = arith.muli %mul3A_543, %mul3A_686 : i32
      %get3A_688 = arith.index_cast %mul3A_687 : i32 to index
      %get3A_689 = tpu.vector_load %arg5[%get3A_688] {strides = array<i32>} : memref<528xi32, #tpu.memory_space<vmem>>, vector<16xi32>,
      %slice3A_690 = vector.extract_strided_slice %get3A_689 {offsets = [0], sizes = [1], strides = [1]} : vector<16xi32> to vector<1xi32>
      %squeeze3A_691 = vector.extract %slice3A_690[0] : i32 from vector<1xi32>
      %jit3A = arith.constant 128 : i32
      %eq3A = arith.constant 0 : i32
      %eq3A_692 = arith.cmpi eq, %jit3A, %eq3A : i32
      %jit3A_693 = arith.constant 1 : i32
      %select_n3A = arith.select %eq3A_692, %jit3A_693, %jit3A : i32
      %rem3A = arith.remsi %squeeze3A_691, %select_n3A : i32
      %ne3A = arith.constant 0 : i32
      %ne3A_694 = arith.cmpi ne, %rem3A, %ne3A : i32
      %lt3A = arith.constant 0 : i32
      %lt3A_695 = arith.cmpi slt, %rem3A, %lt3A : i32
      %lt3A_696 = arith.constant 0 : i32
      %lt3A_697 = arith.cmpi slt, %select_n3A, %lt3A_696 : i32
      %ne3A_698 = arith.xori %lt3A_695, %lt3A_697 : i1
      %and3A = arith.andi %ne3A_698, %ne3A_694 : i1
      %add3A_699 = arith.addi %rem3A, %select_n3A : i32
      %select_n3A_700 = arith.select %and3A, %add3A_699, %rem3A : i32
      %broadcast_in_dim3A = vector.broadcast %select_n3A_700 : i32 to vector<16xi32>
      %gather3A = tpu.vector_load_idx %arg6[%iota3A, %broadcast_in_dim3A] : memref<32x128xf32, #tpu.memory_space<vmem>>[vector<16xi32>, vector<16xi32>], vector<16xf32>,
      %add3A_701 = arith.constant 16 : i32
      %add3A_702 = vector.broadcast %add3A_701 : i32 to vector<16xi32>
      %add3A_703 = arith.addi %iota3A, %add3A_702 : vector<16xi32>
      %gather3A_704 = tpu.vector_load_idx %arg6[%add3A_703, %broadcast_in_dim3A] : memref<32x128xf32, #tpu.memory_space<vmem>>[vector<16xi32>, vector<16xi32>], vector<16xf32>,
      %mul3A_705 = arith.constant 8 : i32
      %mul3A_706 = arith.muli %mul3A_543, %mul3A_705 : i32
      %add3A_707 = arith.constant 0 : i32
      %add3A_708 = arith.addi %mul3A_706, %add3A_707 : i32
      %broadcast_in_dim3A_709 = vector.broadcast %add3A_708 : i32 to vector<16xi32>
      %mul3A_710 = arith.constant 512 : i32
      %mul3A_711 = vector.broadcast %mul3A_710 : i32 to vector<16xi32>
      %mul3A_712 = arith.muli %iota3A, %mul3A_711 : vector<16xi32>
      %add3A_713 = arith.addi %mul3A_712, %broadcast_in_dim3A_709 : vector<16xi32>
      tpu.vector_store_idx %arg22[%add3A_713], %gather3A : memref<16384xf32, #tpu.memory_space<vmem>>[vector<16xi32>], vector<16xf32>,
      %add3A_714 = arith.constant 16 : i32
      %add3A_715 = vector.broadcast %add3A_714 : i32 to vector<16xi32>
      %add3A_716 = arith.addi %iota3A, %add3A_715 : vector<16xi32>
      %mul3A_717 = arith.constant 512 : i32
      %mul3A_718 = vector.broadcast %mul3A_717 : i32 to vector<16xi32>
      %mul3A_719 = arith.muli %add3A_716, %mul3A_718 : vector<16xi32>
      %add3A_720 = arith.addi %mul3A_719, %broadcast_in_dim3A_709 : vector<16xi32>
      tpu.vector_store_idx %arg22[%add3A_720], %gather3A_704 : memref<16384xf32, #tpu.memory_space<vmem>>[vector<16xi32>], vector<16xf32>,
      %slice3A_721 = vector.extract_strided_slice %get3A_689 {offsets = [1], sizes = [1], strides = [1]} : vector<16xi32> to vector<1xi32>
      %squeeze3A_722 = vector.extract %slice3A_721[0] : i32 from vector<1xi32>
      %jit3A_723 = arith.constant 128 : i32
      %eq3A_724 = arith.constant 0 : i32
      %eq3A_725 = arith.cmpi eq, %jit3A_723, %eq3A_724 : i32
      %jit3A_726 = arith.constant 1 : i32
      %select_n3A_727 = arith.select %eq3A_725, %jit3A_726, %jit3A_723 : i32
      %rem3A_728 = arith.remsi %squeeze3A_722, %select_n3A_727 : i32
      %ne3A_729 = arith.constant 0 : i32
      %ne3A_730 = arith.cmpi ne, %rem3A_728, %ne3A_729 : i32
      %lt3A_731 = arith.constant 0 : i32
      %lt3A_732 = arith.cmpi slt, %rem3A_728, %lt3A_731 : i32
      %lt3A_733 = arith.constant 0 : i32
      %lt3A_734 = arith.cmpi slt, %select_n3A_727, %lt3A_733 : i32
      %ne3A_735 = arith.xori %lt3A_732, %lt3A_734 : i1
      %and3A_736 = arith.andi %ne3A_735, %ne3A_730 : i1
      %add3A_737 = arith.addi %rem3A_728, %select_n3A_727 : i32
      %select_n3A_738 = arith.select %and3A_736, %add3A_737, %rem3A_728 : i32
      %broadcast_in_dim3A_739 = vector.broadcast %select_n3A_738 : i32 to vector<16xi32>
      %gather3A_740 = tpu.vector_load_idx %arg7[%iota3A, %broadcast_in_dim3A_739] : memref<32x128xf32, #tpu.memory_space<vmem>>[vector<16xi32>, vector<16xi32>], vector<16xf32>,
      %add3A_741 = arith.constant 16 : i32
      %add3A_742 = vector.broadcast %add3A_741 : i32 to vector<16xi32>
      %add3A_743 = arith.addi %iota3A, %add3A_742 : vector<16xi32>
      %gather3A_744 = tpu.vector_load_idx %arg7[%add3A_743, %broadcast_in_dim3A_739] : memref<32x128xf32, #tpu.memory_space<vmem>>[vector<16xi32>, vector<16xi32>], vector<16xf32>,
      %mul3A_745 = arith.constant 8 : i32
      %mul3A_746 = arith.muli %mul3A_543, %mul3A_745 : i32
      %add3A_747 = arith.constant 1 : i32
      %add3A_748 = arith.addi %mul3A_746, %add3A_747 : i32
      %broadcast_in_dim3A_749 = vector.broadcast %add3A_748 : i32 to vector<16xi32>
      %mul3A_750 = arith.constant 512 : i32
      %mul3A_751 = vector.broadcast %mul3A_750 : i32 to vector<16xi32>
      %mul3A_752 = arith.muli %iota3A, %mul3A_751 : vector<16xi32>
      %add3A_753 = arith.addi %mul3A_752, %broadcast_in_dim3A_749 : vector<16xi32>
      tpu.vector_store_idx %arg22[%add3A_753], %gather3A_740 : memref<16384xf32, #tpu.memory_space<vmem>>[vector<16xi32>], vector<16xf32>,
      %add3A_754 = arith.constant 16 : i32
      %add3A_755 = vector.broadcast %add3A_754 : i32 to vector<16xi32>
      %add3A_756 = arith.addi %iota3A, %add3A_755 : vector<16xi32>
      %mul3A_757 = arith.constant 512 : i32
      %mul3A_758 = vector.broadcast %mul3A_757 : i32 to vector<16xi32>
      %mul3A_759 = arith.muli %add3A_756, %mul3A_758 : vector<16xi32>
      %add3A_760 = arith.addi %mul3A_759, %broadcast_in_dim3A_749 : vector<16xi32>
      tpu.vector_store_idx %arg22[%add3A_760], %gather3A_744 : memref<16384xf32, #tpu.memory_space<vmem>>[vector<16xi32>], vector<16xf32>,
      %slice3A_761 = vector.extract_strided_slice %get3A_689 {offsets = [2], sizes = [1], strides = [1]} : vector<16xi32> to vector<1xi32>
      %squeeze3A_762 = vector.extract %slice3A_761[0] : i32 from vector<1xi32>
      %jit3A_763 = arith.constant 128 : i32
      %eq3A_764 = arith.constant 0 : i32
      %eq3A_765 = arith.cmpi eq, %jit3A_763, %eq3A_764 : i32
      %jit3A_766 = arith.constant 1 : i32
      %select_n3A_767 = arith.select %eq3A_765, %jit3A_766, %jit3A_763 : i32
      %rem3A_768 = arith.remsi %squeeze3A_762, %select_n3A_767 : i32
      %ne3A_769 = arith.constant 0 : i32
      %ne3A_770 = arith.cmpi ne, %rem3A_768, %ne3A_769 : i32
      %lt3A_771 = arith.constant 0 : i32
      %lt3A_772 = arith.cmpi slt, %rem3A_768, %lt3A_771 : i32
      %lt3A_773 = arith.constant 0 : i32
      %lt3A_774 = arith.cmpi slt, %select_n3A_767, %lt3A_773 : i32
      %ne3A_775 = arith.xori %lt3A_772, %lt3A_774 : i1
      %and3A_776 = arith.andi %ne3A_775, %ne3A_770 : i1
      %add3A_777 = arith.addi %rem3A_768, %select_n3A_767 : i32
      %select_n3A_778 = arith.select %and3A_776, %add3A_777, %rem3A_768 : i32
      %broadcast_in_dim3A_779 = vector.broadcast %select_n3A_778 : i32 to vector<16xi32>
      %gather3A_780 = tpu.vector_load_idx %arg8[%iota3A, %broadcast_in_dim3A_779] : memref<32x128xf32, #tpu.memory_space<vmem>>[vector<16xi32>, vector<16xi32>], vector<16xf32>,
      %add3A_781 = arith.constant 16 : i32
      %add3A_782 = vector.broadcast %add3A_781 : i32 to vector<16xi32>
      %add3A_783 = arith.addi %iota3A, %add3A_782 : vector<16xi32>
      %gather3A_784 = tpu.vector_load_idx %arg8[%add3A_783, %broadcast_in_dim3A_779] : memref<32x128xf32, #tpu.memory_space<vmem>>[vector<16xi32>, vector<16xi32>], vector<16xf32>,
      %mul3A_785 = arith.constant 8 : i32
      %mul3A_786 = arith.muli %mul3A_543, %mul3A_785 : i32
      %add3A_787 = arith.constant 2 : i32
      %add3A_788 = arith.addi %mul3A_786, %add3A_787 : i32
      %broadcast_in_dim3A_789 = vector.broadcast %add3A_788 : i32 to vector<16xi32>
      %mul3A_790 = arith.constant 512 : i32
      %mul3A_791 = vector.broadcast %mul3A_790 : i32 to vector<16xi32>
      %mul3A_792 = arith.muli %iota3A, %mul3A_791 : vector<16xi32>
      %add3A_793 = arith.addi %mul3A_792, %broadcast_in_dim3A_789 : vector<16xi32>
      tpu.vector_store_idx %arg22[%add3A_793], %gather3A_780 : memref<16384xf32, #tpu.memory_space<vmem>>[vector<16xi32>], vector<16xf32>,
      %add3A_794 = arith.constant 16 : i32
      %add3A_795 = vector.broadcast %add3A_794 : i32 to vector<16xi32>
      %add3A_796 = arith.addi %iota3A, %add3A_795 : vector<16xi32>
      %mul3A_797 = arith.constant 512 : i32
      %mul3A_798 = vector.broadcast %mul3A_797 : i32 to vector<16xi32>
      %mul3A_799 = arith.muli %add3A_796, %mul3A_798 : vector<16xi32>
      %add3A_800 = arith.addi %mul3A_799, %broadcast_in_dim3A_789 : vector<16xi32>
      tpu.vector_store_idx %arg22[%add3A_800], %gather3A_784 : memref<16384xf32, #tpu.memory_space<vmem>>[vector<16xi32>], vector<16xf32>,
      %slice3A_801 = vector.extract_strided_slice %get3A_689 {offsets = [3], sizes = [1], strides = [1]} : vector<16xi32> to vector<1xi32>
      %squeeze3A_802 = vector.extract %slice3A_801[0] : i32 from vector<1xi32>
      %jit3A_803 = arith.constant 128 : i32
      %eq3A_804 = arith.constant 0 : i32
      %eq3A_805 = arith.cmpi eq, %jit3A_803, %eq3A_804 : i32
      %jit3A_806 = arith.constant 1 : i32
      %select_n3A_807 = arith.select %eq3A_805, %jit3A_806, %jit3A_803 : i32
      %rem3A_808 = arith.remsi %squeeze3A_802, %select_n3A_807 : i32
      %ne3A_809 = arith.constant 0 : i32
      %ne3A_810 = arith.cmpi ne, %rem3A_808, %ne3A_809 : i32
      %lt3A_811 = arith.constant 0 : i32
      %lt3A_812 = arith.cmpi slt, %rem3A_808, %lt3A_811 : i32
      %lt3A_813 = arith.constant 0 : i32
      %lt3A_814 = arith.cmpi slt, %select_n3A_807, %lt3A_813 : i32
      %ne3A_815 = arith.xori %lt3A_812, %lt3A_814 : i1
      %and3A_816 = arith.andi %ne3A_815, %ne3A_810 : i1
      %add3A_817 = arith.addi %rem3A_808, %select_n3A_807 : i32
      %select_n3A_818 = arith.select %and3A_816, %add3A_817, %rem3A_808 : i32
      %broadcast_in_dim3A_819 = vector.broadcast %select_n3A_818 : i32 to vector<16xi32>
      %gather3A_820 = tpu.vector_load_idx %arg9[%iota3A, %broadcast_in_dim3A_819] : memref<32x128xf32, #tpu.memory_space<vmem>>[vector<16xi32>, vector<16xi32>], vector<16xf32>,
      %add3A_821 = arith.constant 16 : i32
      %add3A_822 = vector.broadcast %add3A_821 : i32 to vector<16xi32>
      %add3A_823 = arith.addi %iota3A, %add3A_822 : vector<16xi32>
      %gather3A_824 = tpu.vector_load_idx %arg9[%add3A_823, %broadcast_in_dim3A_819] : memref<32x128xf32, #tpu.memory_space<vmem>>[vector<16xi32>, vector<16xi32>], vector<16xf32>,
      %mul3A_825 = arith.constant 8 : i32
      %mul3A_826 = arith.muli %mul3A_543, %mul3A_825 : i32
      %add3A_827 = arith.constant 3 : i32
      %add3A_828 = arith.addi %mul3A_826, %add3A_827 : i32
      %broadcast_in_dim3A_829 = vector.broadcast %add3A_828 : i32 to vector<16xi32>
      %mul3A_830 = arith.constant 512 : i32
      %mul3A_831 = vector.broadcast %mul3A_830 : i32 to vector<16xi32>
      %mul3A_832 = arith.muli %iota3A, %mul3A_831 : vector<16xi32>
      %add3A_833 = arith.addi %mul3A_832, %broadcast_in_dim3A_829 : vector<16xi32>
      tpu.vector_store_idx %arg22[%add3A_833], %gather3A_820 : memref<16384xf32, #tpu.memory_space<vmem>>[vector<16xi32>], vector<16xf32>,
      %add3A_834 = arith.constant 16 : i32
      %add3A_835 = vector.broadcast %add3A_834 : i32 to vector<16xi32>
      %add3A_836 = arith.addi %iota3A, %add3A_835 : vector<16xi32>
      %mul3A_837 = arith.constant 512 : i32
      %mul3A_838 = vector.broadcast %mul3A_837 : i32 to vector<16xi32>
      %mul3A_839 = arith.muli %add3A_836, %mul3A_838 : vector<16xi32>
      %add3A_840 = arith.addi %mul3A_839, %broadcast_in_dim3A_829 : vector<16xi32>
      tpu.vector_store_idx %arg22[%add3A_840], %gather3A_824 : memref<16384xf32, #tpu.memory_space<vmem>>[vector<16xi32>], vector<16xf32>,
      %slice3A_841 = vector.extract_strided_slice %get3A_689 {offsets = [4], sizes = [1], strides = [1]} : vector<16xi32> to vector<1xi32>
      %squeeze3A_842 = vector.extract %slice3A_841[0] : i32 from vector<1xi32>
      %jit3A_843 = arith.constant 128 : i32
      %eq3A_844 = arith.constant 0 : i32
      %eq3A_845 = arith.cmpi eq, %jit3A_843, %eq3A_844 : i32
      %jit3A_846 = arith.constant 1 : i32
      %select_n3A_847 = arith.select %eq3A_845, %jit3A_846, %jit3A_843 : i32
      %rem3A_848 = arith.remsi %squeeze3A_842, %select_n3A_847 : i32
      %ne3A_849 = arith.constant 0 : i32
      %ne3A_850 = arith.cmpi ne, %rem3A_848, %ne3A_849 : i32
      %lt3A_851 = arith.constant 0 : i32
      %lt3A_852 = arith.cmpi slt, %rem3A_848, %lt3A_851 : i32
      %lt3A_853 = arith.constant 0 : i32
      %lt3A_854 = arith.cmpi slt, %select_n3A_847, %lt3A_853 : i32
      %ne3A_855 = arith.xori %lt3A_852, %lt3A_854 : i1
      %and3A_856 = arith.andi %ne3A_855, %ne3A_850 : i1
      %add3A_857 = arith.addi %rem3A_848, %select_n3A_847 : i32
      %select_n3A_858 = arith.select %and3A_856, %add3A_857, %rem3A_848 : i32
      %broadcast_in_dim3A_859 = vector.broadcast %select_n3A_858 : i32 to vector<16xi32>
      %gather3A_860 = tpu.vector_load_idx %arg10[%iota3A, %broadcast_in_dim3A_859] : memref<32x128xf32, #tpu.memory_space<vmem>>[vector<16xi32>, vector<16xi32>], vector<16xf32>,
      %add3A_861 = arith.constant 16 : i32
      %add3A_862 = vector.broadcast %add3A_861 : i32 to vector<16xi32>
      %add3A_863 = arith.addi %iota3A, %add3A_862 : vector<16xi32>
      %gather3A_864 = tpu.vector_load_idx %arg10[%add3A_863, %broadcast_in_dim3A_859] : memref<32x128xf32, #tpu.memory_space<vmem>>[vector<16xi32>, vector<16xi32>], vector<16xf32>,
      %mul3A_865 = arith.constant 8 : i32
      %mul3A_866 = arith.muli %mul3A_543, %mul3A_865 : i32
      %add3A_867 = arith.constant 4 : i32
      %add3A_868 = arith.addi %mul3A_866, %add3A_867 : i32
      %broadcast_in_dim3A_869 = vector.broadcast %add3A_868 : i32 to vector<16xi32>
      %mul3A_870 = arith.constant 512 : i32
      %mul3A_871 = vector.broadcast %mul3A_870 : i32 to vector<16xi32>
      %mul3A_872 = arith.muli %iota3A, %mul3A_871 : vector<16xi32>
      %add3A_873 = arith.addi %mul3A_872, %broadcast_in_dim3A_869 : vector<16xi32>
      tpu.vector_store_idx %arg22[%add3A_873], %gather3A_860 : memref<16384xf32, #tpu.memory_space<vmem>>[vector<16xi32>], vector<16xf32>,
      %add3A_874 = arith.constant 16 : i32
      %add3A_875 = vector.broadcast %add3A_874 : i32 to vector<16xi32>
      %add3A_876 = arith.addi %iota3A, %add3A_875 : vector<16xi32>
      %mul3A_877 = arith.constant 512 : i32
      %mul3A_878 = vector.broadcast %mul3A_877 : i32 to vector<16xi32>
      %mul3A_879 = arith.muli %add3A_876, %mul3A_878 : vector<16xi32>
      %add3A_880 = arith.addi %mul3A_879, %broadcast_in_dim3A_869 : vector<16xi32>
      tpu.vector_store_idx %arg22[%add3A_880], %gather3A_864 : memref<16384xf32, #tpu.memory_space<vmem>>[vector<16xi32>], vector<16xf32>,
      %slice3A_881 = vector.extract_strided_slice %get3A_689 {offsets = [5], sizes = [1], strides = [1]} : vector<16xi32> to vector<1xi32>
      %squeeze3A_882 = vector.extract %slice3A_881[0] : i32 from vector<1xi32>
      %jit3A_883 = arith.constant 128 : i32
      %eq3A_884 = arith.constant 0 : i32
      %eq3A_885 = arith.cmpi eq, %jit3A_883, %eq3A_884 : i32
      %jit3A_886 = arith.constant 1 : i32
      %select_n3A_887 = arith.select %eq3A_885, %jit3A_886, %jit3A_883 : i32
      %rem3A_888 = arith.remsi %squeeze3A_882, %select_n3A_887 : i32
      %ne3A_889 = arith.constant 0 : i32
      %ne3A_890 = arith.cmpi ne, %rem3A_888, %ne3A_889 : i32
      %lt3A_891 = arith.constant 0 : i32
      %lt3A_892 = arith.cmpi slt, %rem3A_888, %lt3A_891 : i32
      %lt3A_893 = arith.constant 0 : i32
      %lt3A_894 = arith.cmpi slt, %select_n3A_887, %lt3A_893 : i32
      %ne3A_895 = arith.xori %lt3A_892, %lt3A_894 : i1
      %and3A_896 = arith.andi %ne3A_895, %ne3A_890 : i1
      %add3A_897 = arith.addi %rem3A_888, %select_n3A_887 : i32
      %select_n3A_898 = arith.select %and3A_896, %add3A_897, %rem3A_888 : i32
      %broadcast_in_dim3A_899 = vector.broadcast %select_n3A_898 : i32 to vector<16xi32>
      %gather3A_900 = tpu.vector_load_idx %arg11[%iota3A, %broadcast_in_dim3A_899] : memref<32x128xf32, #tpu.memory_space<vmem>>[vector<16xi32>, vector<16xi32>], vector<16xf32>,
      %add3A_901 = arith.constant 16 : i32
      %add3A_902 = vector.broadcast %add3A_901 : i32 to vector<16xi32>
      %add3A_903 = arith.addi %iota3A, %add3A_902 : vector<16xi32>
      %gather3A_904 = tpu.vector_load_idx %arg11[%add3A_903, %broadcast_in_dim3A_899] : memref<32x128xf32, #tpu.memory_space<vmem>>[vector<16xi32>, vector<16xi32>], vector<16xf32>,
      %mul3A_905 = arith.constant 8 : i32
      %mul3A_906 = arith.muli %mul3A_543, %mul3A_905 : i32
      %add3A_907 = arith.constant 5 : i32
      %add3A_908 = arith.addi %mul3A_906, %add3A_907 : i32
      %broadcast_in_dim3A_909 = vector.broadcast %add3A_908 : i32 to vector<16xi32>
      %mul3A_910 = arith.constant 512 : i32
      %mul3A_911 = vector.broadcast %mul3A_910 : i32 to vector<16xi32>
      %mul3A_912 = arith.muli %iota3A, %mul3A_911 : vector<16xi32>
      %add3A_913 = arith.addi %mul3A_912, %broadcast_in_dim3A_909 : vector<16xi32>
      tpu.vector_store_idx %arg22[%add3A_913], %gather3A_900 : memref<16384xf32, #tpu.memory_space<vmem>>[vector<16xi32>], vector<16xf32>,
      %add3A_914 = arith.constant 16 : i32
      %add3A_915 = vector.broadcast %add3A_914 : i32 to vector<16xi32>
      %add3A_916 = arith.addi %iota3A, %add3A_915 : vector<16xi32>
      %mul3A_917 = arith.constant 512 : i32
      %mul3A_918 = vector.broadcast %mul3A_917 : i32 to vector<16xi32>
      %mul3A_919 = arith.muli %add3A_916, %mul3A_918 : vector<16xi32>
      %add3A_920 = arith.addi %mul3A_919, %broadcast_in_dim3A_909 : vector<16xi32>
      tpu.vector_store_idx %arg22[%add3A_920], %gather3A_904 : memref<16384xf32, #tpu.memory_space<vmem>>[vector<16xi32>], vector<16xf32>,
      %slice3A_921 = vector.extract_strided_slice %get3A_689 {offsets = [6], sizes = [1], strides = [1]} : vector<16xi32> to vector<1xi32>
      %squeeze3A_922 = vector.extract %slice3A_921[0] : i32 from vector<1xi32>
      %jit3A_923 = arith.constant 128 : i32
      %eq3A_924 = arith.constant 0 : i32
      %eq3A_925 = arith.cmpi eq, %jit3A_923, %eq3A_924 : i32
      %jit3A_926 = arith.constant 1 : i32
      %select_n3A_927 = arith.select %eq3A_925, %jit3A_926, %jit3A_923 : i32
      %rem3A_928 = arith.remsi %squeeze3A_922, %select_n3A_927 : i32
      %ne3A_929 = arith.constant 0 : i32
      %ne3A_930 = arith.cmpi ne, %rem3A_928, %ne3A_929 : i32
      %lt3A_931 = arith.constant 0 : i32
      %lt3A_932 = arith.cmpi slt, %rem3A_928, %lt3A_931 : i32
      %lt3A_933 = arith.constant 0 : i32
      %lt3A_934 = arith.cmpi slt, %select_n3A_927, %lt3A_933 : i32
      %ne3A_935 = arith.xori %lt3A_932, %lt3A_934 : i1
      %and3A_936 = arith.andi %ne3A_935, %ne3A_930 : i1
      %add3A_937 = arith.addi %rem3A_928, %select_n3A_927 : i32
      %select_n3A_938 = arith.select %and3A_936, %add3A_937, %rem3A_928 : i32
      %broadcast_in_dim3A_939 = vector.broadcast %select_n3A_938 : i32 to vector<16xi32>
      %gather3A_940 = tpu.vector_load_idx %arg12[%iota3A, %broadcast_in_dim3A_939] : memref<32x128xf32, #tpu.memory_space<vmem>>[vector<16xi32>, vector<16xi32>], vector<16xf32>,
      %add3A_941 = arith.constant 16 : i32
      %add3A_942 = vector.broadcast %add3A_941 : i32 to vector<16xi32>
      %add3A_943 = arith.addi %iota3A, %add3A_942 : vector<16xi32>
      %gather3A_944 = tpu.vector_load_idx %arg12[%add3A_943, %broadcast_in_dim3A_939] : memref<32x128xf32, #tpu.memory_space<vmem>>[vector<16xi32>, vector<16xi32>], vector<16xf32>,
      %mul3A_945 = arith.constant 8 : i32
      %mul3A_946 = arith.muli %mul3A_543, %mul3A_945 : i32
      %add3A_947 = arith.constant 6 : i32
      %add3A_948 = arith.addi %mul3A_946, %add3A_947 : i32
      %broadcast_in_dim3A_949 = vector.broadcast %add3A_948 : i32 to vector<16xi32>
      %mul3A_950 = arith.constant 512 : i32
      %mul3A_951 = vector.broadcast %mul3A_950 : i32 to vector<16xi32>
      %mul3A_952 = arith.muli %iota3A, %mul3A_951 : vector<16xi32>
      %add3A_953 = arith.addi %mul3A_952, %broadcast_in_dim3A_949 : vector<16xi32>
      tpu.vector_store_idx %arg22[%add3A_953], %gather3A_940 : memref<16384xf32, #tpu.memory_space<vmem>>[vector<16xi32>], vector<16xf32>,
      %add3A_954 = arith.constant 16 : i32
      %add3A_955 = vector.broadcast %add3A_954 : i32 to vector<16xi32>
      %add3A_956 = arith.addi %iota3A, %add3A_955 : vector<16xi32>
      %mul3A_957 = arith.constant 512 : i32
      %mul3A_958 = vector.broadcast %mul3A_957 : i32 to vector<16xi32>
      %mul3A_959 = arith.muli %add3A_956, %mul3A_958 : vector<16xi32>
      %add3A_960 = arith.addi %mul3A_959, %broadcast_in_dim3A_949 : vector<16xi32>
      tpu.vector_store_idx %arg22[%add3A_960], %gather3A_944 : memref<16384xf32, #tpu.memory_space<vmem>>[vector<16xi32>], vector<16xf32>,
      %slice3A_961 = vector.extract_strided_slice %get3A_689 {offsets = [7], sizes = [1], strides = [1]} : vector<16xi32> to vector<1xi32>
      %squeeze3A_962 = vector.extract %slice3A_961[0] : i32 from vector<1xi32>
      %jit3A_963 = arith.constant 128 : i32
      %eq3A_964 = arith.constant 0 : i32
      %eq3A_965 = arith.cmpi eq, %jit3A_963, %eq3A_964 : i32
      %jit3A_966 = arith.constant 1 : i32
      %select_n3A_967 = arith.select %eq3A_965, %jit3A_966, %jit3A_963 : i32
      %rem3A_968 = arith.remsi %squeeze3A_962, %select_n3A_967 : i32
      %ne3A_969 = arith.constant 0 : i32
      %ne3A_970 = arith.cmpi ne, %rem3A_968, %ne3A_969 : i32
      %lt3A_971 = arith.constant 0 : i32
      %lt3A_972 = arith.cmpi slt, %rem3A_968, %lt3A_971 : i32
      %lt3A_973 = arith.constant 0 : i32
      %lt3A_974 = arith.cmpi slt, %select_n3A_967, %lt3A_973 : i32
      %ne3A_975 = arith.xori %lt3A_972, %lt3A_974 : i1
      %and3A_976 = arith.andi %ne3A_975, %ne3A_970 : i1
      %add3A_977 = arith.addi %rem3A_968, %select_n3A_967 : i32
      %select_n3A_978 = arith.select %and3A_976, %add3A_977, %rem3A_968 : i32
      %broadcast_in_dim3A_979 = vector.broadcast %select_n3A_978 : i32 to vector<16xi32>
      %gather3A_980 = tpu.vector_load_idx %arg13[%iota3A, %broadcast_in_dim3A_979] : memref<32x128xf32, #tpu.memory_space<vmem>>[vector<16xi32>, vector<16xi32>], vector<16xf32>,
      %add3A_981 = arith.constant 16 : i32
      %add3A_982 = vector.broadcast %add3A_981 : i32 to vector<16xi32>
      %add3A_983 = arith.addi %iota3A, %add3A_982 : vector<16xi32>
      %gather3A_984 = tpu.vector_load_idx %arg13[%add3A_983, %broadcast_in_dim3A_979] : memref<32x128xf32, #tpu.memory_space<vmem>>[vector<16xi32>, vector<16xi32>], vector<16xf32>,
      %mul3A_985 = arith.constant 8 : i32
      %mul3A_986 = arith.muli %mul3A_543, %mul3A_985 : i32
      %add3A_987 = arith.constant 7 : i32
      %add3A_988 = arith.addi %mul3A_986, %add3A_987 : i32
      %broadcast_in_dim3A_989 = vector.broadcast %add3A_988 : i32 to vector<16xi32>
      %mul3A_990 = arith.constant 512 : i32
      %mul3A_991 = vector.broadcast %mul3A_990 : i32 to vector<16xi32>
      %mul3A_992 = arith.muli %iota3A, %mul3A_991 : vector<16xi32>
      %add3A_993 = arith.addi %mul3A_992, %broadcast_in_dim3A_989 : vector<16xi32>
      tpu.vector_store_idx %arg22[%add3A_993], %gather3A_980 : memref<16384xf32, #tpu.memory_space<vmem>>[vector<16xi32>], vector<16xf32>,
      %add3A_994 = arith.constant 16 : i32
      %add3A_995 = vector.broadcast %add3A_994 : i32 to vector<16xi32>
      %add3A_996 = arith.addi %iota3A, %add3A_995 : vector<16xi32>
      %mul3A_997 = arith.constant 512 : i32
      %mul3A_998 = vector.broadcast %mul3A_997 : i32 to vector<16xi32>
      %mul3A_999 = arith.muli %add3A_996, %mul3A_998 : vector<16xi32>
      %add3A_1000 = arith.addi %mul3A_999, %broadcast_in_dim3A_989 : vector<16xi32>
      tpu.vector_store_idx %arg22[%add3A_1000], %gather3A_984 : memref<16384xf32, #tpu.memory_space<vmem>>[vector<16xi32>], vector<16xf32>,
      %add3A_1001 = arith.constant 2 : i32
      %add3A_1002 = arith.addi %mul3A_543, %add3A_1001 : i32
      %lt3A_1003 = arith.constant 64 : i32
      %lt3A_1004 = arith.cmpi slt, %add3A_1002, %lt3A_1003 : i32
      %convert_element_type3A = arith.extui %lt3A_1004 : i1 to i32
      %cond3A = arith.constant 0 : i32
      %cond3A_1005 = arith.cmpi ne, %convert_element_type3A, %cond3A : i32
      scf.if %cond3A_1005 {
        %add3A_1381 = arith.constant 2 : i32
        %add3A_1382 = arith.addi %mul3A_543, %add3A_1381 : i32
        %mul3A_1383 = arith.constant 8 : i32
        %mul3A_1384 = arith.muli %add3A_1382, %mul3A_1383 : i32
        %get3A_1385 = arith.index_cast %mul3A_1384 : i32 to index
        %get3A_1386 = tpu.vector_load %arg5[%get3A_1385] {strides = array<i32>} : memref<528xi32, #tpu.memory_space<vmem>>, vector<16xi32>,
        %slice3A_1387 = vector.extract_strided_slice %get3A_1386 {offsets = [0], sizes = [1], strides = [1]} : vector<16xi32> to vector<1xi32>
        %squeeze3A_1388 = vector.extract %slice3A_1387[0] : i32 from vector<1xi32>
        %div3A_1389 = arith.constant 128 : i32
        %div3A_1390 = arith.divsi %squeeze3A_1388, %div3A_1389 : i32
        %mul3A_1391 = arith.constant 128 : i32
        %mul3A_1392 = arith.muli %div3A_1390, %mul3A_1391 : i32
        %multiple_of3A_1393 = tpu.assume_multiple %mul3A_1392, 128 : i32
        %dma_start3A_1394 = arith.constant 0 : i32
        %dma_start3A_1395 = tpu.memref_slice %arg3[%dma_start3A_1394, %multiple_of3A_1393] : memref<32x1000000xf32, #tpu.memory_space<hbm>> -> memref<32x128xf32, #tpu.memory_space<hbm>>
        %dma_start3A_1396 = arith.constant 0 : i32
        %dma_start3A_1397 = tpu.memref_slice %arg3[%dma_start3A_1396, %multiple_of3A_1393] : memref<32x1000000xf32, #tpu.memory_space<hbm>> -> memref<32x128xf32, #tpu.memory_space<hbm>>
        tpu.enqueue_dma source(%dma_start3A_1397 : memref<32x128xf32, #tpu.memory_space<hbm>>) target(%arg6 : memref<32x128xf32, #tpu.memory_space<vmem>>) target_semaphore(%arg23 : memref<!tpu.dma_semaphore, #tpu.memory_space<semaphore_mem>>)
        %slice3A_1398 = vector.extract_strided_slice %get3A_1386 {offsets = [1], sizes = [1], strides = [1]} : vector<16xi32> to vector<1xi32>
        %squeeze3A_1399 = vector.extract %slice3A_1398[0] : i32 from vector<1xi32>
        %div3A_1400 = arith.constant 128 : i32
        %div3A_1401 = arith.divsi %squeeze3A_1399, %div3A_1400 : i32
        %mul3A_1402 = arith.constant 128 : i32
        %mul3A_1403 = arith.muli %div3A_1401, %mul3A_1402 : i32
        %multiple_of3A_1404 = tpu.assume_multiple %mul3A_1403, 128 : i32
        %dma_start3A_1405 = arith.constant 0 : i32
        %dma_start3A_1406 = tpu.memref_slice %arg3[%dma_start3A_1405, %multiple_of3A_1404] : memref<32x1000000xf32, #tpu.memory_space<hbm>> -> memref<32x128xf32, #tpu.memory_space<hbm>>
        %dma_start3A_1407 = arith.constant 0 : i32
        %dma_start3A_1408 = tpu.memref_slice %arg3[%dma_start3A_1407, %multiple_of3A_1404] : memref<32x1000000xf32, #tpu.memory_space<hbm>> -> memref<32x128xf32, #tpu.memory_space<hbm>>
        tpu.enqueue_dma source(%dma_start3A_1408 : memref<32x128xf32, #tpu.memory_space<hbm>>) target(%arg7 : memref<32x128xf32, #tpu.memory_space<vmem>>) target_semaphore(%arg23 : memref<!tpu.dma_semaphore, #tpu.memory_space<semaphore_mem>>)
        %slice3A_1409 = vector.extract_strided_slice %get3A_1386 {offsets = [2], sizes = [1], strides = [1]} : vector<16xi32> to vector<1xi32>
        %squeeze3A_1410 = vector.extract %slice3A_1409[0] : i32 from vector<1xi32>
        %div3A_1411 = arith.constant 128 : i32
        %div3A_1412 = arith.divsi %squeeze3A_1410, %div3A_1411 : i32
        %mul3A_1413 = arith.constant 128 : i32
        %mul3A_1414 = arith.muli %div3A_1412, %mul3A_1413 : i32
        %multiple_of3A_1415 = tpu.assume_multiple %mul3A_1414, 128 : i32
        %dma_start3A_1416 = arith.constant 0 : i32
        %dma_start3A_1417 = tpu.memref_slice %arg3[%dma_start3A_1416, %multiple_of3A_1415] : memref<32x1000000xf32, #tpu.memory_space<hbm>> -> memref<32x128xf32, #tpu.memory_space<hbm>>
        %dma_start3A_1418 = arith.constant 0 : i32
        %dma_start3A_1419 = tpu.memref_slice %arg3[%dma_start3A_1418, %multiple_of3A_1415] : memref<32x1000000xf32, #tpu.memory_space<hbm>> -> memref<32x128xf32, #tpu.memory_space<hbm>>
        tpu.enqueue_dma source(%dma_start3A_1419 : memref<32x128xf32, #tpu.memory_space<hbm>>) target(%arg8 : memref<32x128xf32, #tpu.memory_space<vmem>>) target_semaphore(%arg23 : memref<!tpu.dma_semaphore, #tpu.memory_space<semaphore_mem>>)
        %slice3A_1420 = vector.extract_strided_slice %get3A_1386 {offsets = [3], sizes = [1], strides = [1]} : vector<16xi32> to vector<1xi32>
        %squeeze3A_1421 = vector.extract %slice3A_1420[0] : i32 from vector<1xi32>
        %div3A_1422 = arith.constant 128 : i32
        %div3A_1423 = arith.divsi %squeeze3A_1421, %div3A_1422 : i32
        %mul3A_1424 = arith.constant 128 : i32
        %mul3A_1425 = arith.muli %div3A_1423, %mul3A_1424 : i32
        %multiple_of3A_1426 = tpu.assume_multiple %mul3A_1425, 128 : i32
        %dma_start3A_1427 = arith.constant 0 : i32
        %dma_start3A_1428 = tpu.memref_slice %arg3[%dma_start3A_1427, %multiple_of3A_1426] : memref<32x1000000xf32, #tpu.memory_space<hbm>> -> memref<32x128xf32, #tpu.memory_space<hbm>>
        %dma_start3A_1429 = arith.constant 0 : i32
        %dma_start3A_1430 = tpu.memref_slice %arg3[%dma_start3A_1429, %multiple_of3A_1426] : memref<32x1000000xf32, #tpu.memory_space<hbm>> -> memref<32x128xf32, #tpu.memory_space<hbm>>
        tpu.enqueue_dma source(%dma_start3A_1430 : memref<32x128xf32, #tpu.memory_space<hbm>>) target(%arg9 : memref<32x128xf32, #tpu.memory_space<vmem>>) target_semaphore(%arg23 : memref<!tpu.dma_semaphore, #tpu.memory_space<semaphore_mem>>)
        %slice3A_1431 = vector.extract_strided_slice %get3A_1386 {offsets = [4], sizes = [1], strides = [1]} : vector<16xi32> to vector<1xi32>
        %squeeze3A_1432 = vector.extract %slice3A_1431[0] : i32 from vector<1xi32>
        %div3A_1433 = arith.constant 128 : i32
        %div3A_1434 = arith.divsi %squeeze3A_1432, %div3A_1433 : i32
        %mul3A_1435 = arith.constant 128 : i32
        %mul3A_1436 = arith.muli %div3A_1434, %mul3A_1435 : i32
        %multiple_of3A_1437 = tpu.assume_multiple %mul3A_1436, 128 : i32
        %dma_start3A_1438 = arith.constant 0 : i32
        %dma_start3A_1439 = tpu.memref_slice %arg3[%dma_start3A_1438, %multiple_of3A_1437] : memref<32x1000000xf32, #tpu.memory_space<hbm>> -> memref<32x128xf32, #tpu.memory_space<hbm>>
        %dma_start3A_1440 = arith.constant 0 : i32
        %dma_start3A_1441 = tpu.memref_slice %arg3[%dma_start3A_1440, %multiple_of3A_1437] : memref<32x1000000xf32, #tpu.memory_space<hbm>> -> memref<32x128xf32, #tpu.memory_space<hbm>>
        tpu.enqueue_dma source(%dma_start3A_1441 : memref<32x128xf32, #tpu.memory_space<hbm>>) target(%arg10 : memref<32x128xf32, #tpu.memory_space<vmem>>) target_semaphore(%arg23 : memref<!tpu.dma_semaphore, #tpu.memory_space<semaphore_mem>>)
        %slice3A_1442 = vector.extract_strided_slice %get3A_1386 {offsets = [5], sizes = [1], strides = [1]} : vector<16xi32> to vector<1xi32>
        %squeeze3A_1443 = vector.extract %slice3A_1442[0] : i32 from vector<1xi32>
        %div3A_1444 = arith.constant 128 : i32
        %div3A_1445 = arith.divsi %squeeze3A_1443, %div3A_1444 : i32
        %mul3A_1446 = arith.constant 128 : i32
        %mul3A_1447 = arith.muli %div3A_1445, %mul3A_1446 : i32
        %multiple_of3A_1448 = tpu.assume_multiple %mul3A_1447, 128 : i32
        %dma_start3A_1449 = arith.constant 0 : i32
        %dma_start3A_1450 = tpu.memref_slice %arg3[%dma_start3A_1449, %multiple_of3A_1448] : memref<32x1000000xf32, #tpu.memory_space<hbm>> -> memref<32x128xf32, #tpu.memory_space<hbm>>
        %dma_start3A_1451 = arith.constant 0 : i32
        %dma_start3A_1452 = tpu.memref_slice %arg3[%dma_start3A_1451, %multiple_of3A_1448] : memref<32x1000000xf32, #tpu.memory_space<hbm>> -> memref<32x128xf32, #tpu.memory_space<hbm>>
        tpu.enqueue_dma source(%dma_start3A_1452 : memref<32x128xf32, #tpu.memory_space<hbm>>) target(%arg11 : memref<32x128xf32, #tpu.memory_space<vmem>>) target_semaphore(%arg23 : memref<!tpu.dma_semaphore, #tpu.memory_space<semaphore_mem>>)
        %slice3A_1453 = vector.extract_strided_slice %get3A_1386 {offsets = [6], sizes = [1], strides = [1]} : vector<16xi32> to vector<1xi32>
        %squeeze3A_1454 = vector.extract %slice3A_1453[0] : i32 from vector<1xi32>
        %div3A_1455 = arith.constant 128 : i32
        %div3A_1456 = arith.divsi %squeeze3A_1454, %div3A_1455 : i32
        %mul3A_1457 = arith.constant 128 : i32
        %mul3A_1458 = arith.muli %div3A_1456, %mul3A_1457 : i32
        %multiple_of3A_1459 = tpu.assume_multiple %mul3A_1458, 128 : i32
        %dma_start3A_1460 = arith.constant 0 : i32
        %dma_start3A_1461 = tpu.memref_slice %arg3[%dma_start3A_1460, %multiple_of3A_1459] : memref<32x1000000xf32, #tpu.memory_space<hbm>> -> memref<32x128xf32, #tpu.memory_space<hbm>>
        %dma_start3A_1462 = arith.constant 0 : i32
        %dma_start3A_1463 = tpu.memref_slice %arg3[%dma_start3A_1462, %multiple_of3A_1459] : memref<32x1000000xf32, #tpu.memory_space<hbm>> -> memref<32x128xf32, #tpu.memory_space<hbm>>
        tpu.enqueue_dma source(%dma_start3A_1463 : memref<32x128xf32, #tpu.memory_space<hbm>>) target(%arg12 : memref<32x128xf32, #tpu.memory_space<vmem>>) target_semaphore(%arg23 : memref<!tpu.dma_semaphore, #tpu.memory_space<semaphore_mem>>)
        %slice3A_1464 = vector.extract_strided_slice %get3A_1386 {offsets = [7], sizes = [1], strides = [1]} : vector<16xi32> to vector<1xi32>
        %squeeze3A_1465 = vector.extract %slice3A_1464[0] : i32 from vector<1xi32>
        %div3A_1466 = arith.constant 128 : i32
        %div3A_1467 = arith.divsi %squeeze3A_1465, %div3A_1466 : i32
        %mul3A_1468 = arith.constant 128 : i32
        %mul3A_1469 = arith.muli %div3A_1467, %mul3A_1468 : i32
        %multiple_of3A_1470 = tpu.assume_multiple %mul3A_1469, 128 : i32
        %dma_start3A_1471 = arith.constant 0 : i32
        %dma_start3A_1472 = tpu.memref_slice %arg3[%dma_start3A_1471, %multiple_of3A_1470] : memref<32x1000000xf32, #tpu.memory_space<hbm>> -> memref<32x128xf32, #tpu.memory_space<hbm>>
        %dma_start3A_1473 = arith.constant 0 : i32
        %dma_start3A_1474 = tpu.memref_slice %arg3[%dma_start3A_1473, %multiple_of3A_1470] : memref<32x1000000xf32, #tpu.memory_space<hbm>> -> memref<32x128xf32, #tpu.memory_space<hbm>>
        tpu.enqueue_dma source(%dma_start3A_1474 : memref<32x128xf32, #tpu.memory_space<hbm>>) target(%arg13 : memref<32x128xf32, #tpu.memory_space<vmem>>) target_semaphore(%arg23 : memref<!tpu.dma_semaphore, #tpu.memory_space<semaphore_mem>>)
      } else {
      }
      %add3A_1006 = arith.constant 1 : i32
      %add3A_1007 = arith.addi %mul3A_543, %add3A_1006 : i32
      %dma_wait3A_1008 = arith.constant 0 : i32
      %dma_wait3A_1009 = arith.constant 0 : i32
      %dma_wait3A_1010 = tpu.memref_slice %arg3[%dma_wait3A_1008, %dma_wait3A_1009] : memref<32x1000000xf32, #tpu.memory_space<hbm>> -> memref<32x128xf32, #tpu.memory_space<hbm>>
      %dma_wait3A_1011 = arith.constant 0 : i32
      %dma_wait3A_1012 = arith.constant 0 : i32
      %dma_wait3A_1013 = tpu.memref_slice %arg3[%dma_wait3A_1011, %dma_wait3A_1012] : memref<32x1000000xf32, #tpu.memory_space<hbm>> -> memref<32x128xf32, #tpu.memory_space<hbm>>
      tpu.wait_dma2 semaphore(%arg24 : memref<!tpu.dma_semaphore, #tpu.memory_space<semaphore_mem>>) src(%dma_wait3A_1013 : memref<32x128xf32, #tpu.memory_space<hbm>>) dst(%arg14 : memref<32x128xf32, #tpu.memory_space<vmem>>)
      %dma_wait3A_1014 = arith.constant 0 : i32
      %dma_wait3A_1015 = arith.constant 0 : i32
      %dma_wait3A_1016 = tpu.memref_slice %arg3[%dma_wait3A_1014, %dma_wait3A_1015] : memref<32x1000000xf32, #tpu.memory_space<hbm>> -> memref<32x128xf32, #tpu.memory_space<hbm>>
      %dma_wait3A_1017 = arith.constant 0 : i32
      %dma_wait3A_1018 = arith.constant 0 : i32
      %dma_wait3A_1019 = tpu.memref_slice %arg3[%dma_wait3A_1017, %dma_wait3A_1018] : memref<32x1000000xf32, #tpu.memory_space<hbm>> -> memref<32x128xf32, #tpu.memory_space<hbm>>
      tpu.wait_dma2 semaphore(%arg24 : memref<!tpu.dma_semaphore, #tpu.memory_space<semaphore_mem>>) src(%dma_wait3A_1019 : memref<32x128xf32, #tpu.memory_space<hbm>>) dst(%arg15 : memref<32x128xf32, #tpu.memory_space<vmem>>)
      %dma_wait3A_1020 = arith.constant 0 : i32
      %dma_wait3A_1021 = arith.constant 0 : i32
      %dma_wait3A_1022 = tpu.memref_slice %arg3[%dma_wait3A_1020, %dma_wait3A_1021] : memref<32x1000000xf32, #tpu.memory_space<hbm>> -> memref<32x128xf32, #tpu.memory_space<hbm>>
      %dma_wait3A_1023 = arith.constant 0 : i32
      %dma_wait3A_1024 = arith.constant 0 : i32
      %dma_wait3A_1025 = tpu.memref_slice %arg3[%dma_wait3A_1023, %dma_wait3A_1024] : memref<32x1000000xf32, #tpu.memory_space<hbm>> -> memref<32x128xf32, #tpu.memory_space<hbm>>
      tpu.wait_dma2 semaphore(%arg24 : memref<!tpu.dma_semaphore, #tpu.memory_space<semaphore_mem>>) src(%dma_wait3A_1025 : memref<32x128xf32, #tpu.memory_space<hbm>>) dst(%arg16 : memref<32x128xf32, #tpu.memory_space<vmem>>)
      %dma_wait3A_1026 = arith.constant 0 : i32
      %dma_wait3A_1027 = arith.constant 0 : i32
      %dma_wait3A_1028 = tpu.memref_slice %arg3[%dma_wait3A_1026, %dma_wait3A_1027] : memref<32x1000000xf32, #tpu.memory_space<hbm>> -> memref<32x128xf32, #tpu.memory_space<hbm>>
      %dma_wait3A_1029 = arith.constant 0 : i32
      %dma_wait3A_1030 = arith.constant 0 : i32
      %dma_wait3A_1031 = tpu.memref_slice %arg3[%dma_wait3A_1029, %dma_wait3A_1030] : memref<32x1000000xf32, #tpu.memory_space<hbm>> -> memref<32x128xf32, #tpu.memory_space<hbm>>
      tpu.wait_dma2 semaphore(%arg24 : memref<!tpu.dma_semaphore, #tpu.memory_space<semaphore_mem>>) src(%dma_wait3A_1031 : memref<32x128xf32, #tpu.memory_space<hbm>>) dst(%arg17 : memref<32x128xf32, #tpu.memory_space<vmem>>)
      %dma_wait3A_1032 = arith.constant 0 : i32
      %dma_wait3A_1033 = arith.constant 0 : i32
      %dma_wait3A_1034 = tpu.memref_slice %arg3[%dma_wait3A_1032, %dma_wait3A_1033] : memref<32x1000000xf32, #tpu.memory_space<hbm>> -> memref<32x128xf32, #tpu.memory_space<hbm>>
      %dma_wait3A_1035 = arith.constant 0 : i32
      %dma_wait3A_1036 = arith.constant 0 : i32
      %dma_wait3A_1037 = tpu.memref_slice %arg3[%dma_wait3A_1035, %dma_wait3A_1036] : memref<32x1000000xf32, #tpu.memory_space<hbm>> -> memref<32x128xf32, #tpu.memory_space<hbm>>
      tpu.wait_dma2 semaphore(%arg24 : memref<!tpu.dma_semaphore, #tpu.memory_space<semaphore_mem>>) src(%dma_wait3A_1037 : memref<32x128xf32, #tpu.memory_space<hbm>>) dst(%arg18 : memref<32x128xf32, #tpu.memory_space<vmem>>)
      %dma_wait3A_1038 = arith.constant 0 : i32
      %dma_wait3A_1039 = arith.constant 0 : i32
      %dma_wait3A_1040 = tpu.memref_slice %arg3[%dma_wait3A_1038, %dma_wait3A_1039] : memref<32x1000000xf32, #tpu.memory_space<hbm>> -> memref<32x128xf32, #tpu.memory_space<hbm>>
      %dma_wait3A_1041 = arith.constant 0 : i32
      %dma_wait3A_1042 = arith.constant 0 : i32
      %dma_wait3A_1043 = tpu.memref_slice %arg3[%dma_wait3A_1041, %dma_wait3A_1042] : memref<32x1000000xf32, #tpu.memory_space<hbm>> -> memref<32x128xf32, #tpu.memory_space<hbm>>
      tpu.wait_dma2 semaphore(%arg24 : memref<!tpu.dma_semaphore, #tpu.memory_space<semaphore_mem>>) src(%dma_wait3A_1043 : memref<32x128xf32, #tpu.memory_space<hbm>>) dst(%arg19 : memref<32x128xf32, #tpu.memory_space<vmem>>)
      %dma_wait3A_1044 = arith.constant 0 : i32
      %dma_wait3A_1045 = arith.constant 0 : i32
      %dma_wait3A_1046 = tpu.memref_slice %arg3[%dma_wait3A_1044, %dma_wait3A_1045] : memref<32x1000000xf32, #tpu.memory_space<hbm>> -> memref<32x128xf32, #tpu.memory_space<hbm>>
      %dma_wait3A_1047 = arith.constant 0 : i32
      %dma_wait3A_1048 = arith.constant 0 : i32
      %dma_wait3A_1049 = tpu.memref_slice %arg3[%dma_wait3A_1047, %dma_wait3A_1048] : memref<32x1000000xf32, #tpu.memory_space<hbm>> -> memref<32x128xf32, #tpu.memory_space<hbm>>
      tpu.wait_dma2 semaphore(%arg24 : memref<!tpu.dma_semaphore, #tpu.memory_space<semaphore_mem>>) src(%dma_wait3A_1049 : memref<32x128xf32, #tpu.memory_space<hbm>>) dst(%arg20 : memref<32x128xf32, #tpu.memory_space<vmem>>)
      %dma_wait3A_1050 = arith.constant 0 : i32
      %dma_wait3A_1051 = arith.constant 0 : i32
      %dma_wait3A_1052 = tpu.memref_slice %arg3[%dma_wait3A_1050, %dma_wait3A_1051] : memref<32x1000000xf32, #tpu.memory_space<hbm>> -> memref<32x128xf32, #tpu.memory_space<hbm>>
      %dma_wait3A_1053 = arith.constant 0 : i32
      %dma_wait3A_1054 = arith.constant 0 : i32
      %dma_wait3A_1055 = tpu.memref_slice %arg3[%dma_wait3A_1053, %dma_wait3A_1054] : memref<32x1000000xf32, #tpu.memory_space<hbm>> -> memref<32x128xf32, #tpu.memory_space<hbm>>
      tpu.wait_dma2 semaphore(%arg24 : memref<!tpu.dma_semaphore, #tpu.memory_space<semaphore_mem>>) src(%dma_wait3A_1055 : memref<32x128xf32, #tpu.memory_space<hbm>>) dst(%arg21 : memref<32x128xf32, #tpu.memory_space<vmem>>)
      %mul3A_1056 = arith.constant 8 : i32
      %mul3A_1057 = arith.muli %add3A_1007, %mul3A_1056 : i32
      %get3A_1058 = arith.index_cast %mul3A_1057 : i32 to index
      %get3A_1059 = tpu.vector_load %arg5[%get3A_1058] {strides = array<i32>} : memref<528xi32, #tpu.memory_space<vmem>>, vector<16xi32>,
      %slice3A_1060 = vector.extract_strided_slice %get3A_1059 {offsets = [0], sizes = [1], strides = [1]} : vector<16xi32> to vector<1xi32>
      %squeeze3A_1061 = vector.extract %slice3A_1060[0] : i32 from vector<1xi32>
      %jit3A_1062 = arith.constant 128 : i32
      %eq3A_1063 = arith.constant 0 : i32
      %eq3A_1064 = arith.cmpi eq, %jit3A_1062, %eq3A_1063 : i32
      %jit3A_1065 = arith.constant 1 : i32
      %select_n3A_1066 = arith.select %eq3A_1064, %jit3A_1065, %jit3A_1062 : i32
      %rem3A_1067 = arith.remsi %squeeze3A_1061, %select_n3A_1066 : i32
      %ne3A_1068 = arith.constant 0 : i32
      %ne3A_1069 = arith.cmpi ne, %rem3A_1067, %ne3A_1068 : i32
      %lt3A_1070 = arith.constant 0 : i32
      %lt3A_1071 = arith.cmpi slt, %rem3A_1067, %lt3A_1070 : i32
      %lt3A_1072 = arith.constant 0 : i32
      %lt3A_1073 = arith.cmpi slt, %select_n3A_1066, %lt3A_1072 : i32
      %ne3A_1074 = arith.xori %lt3A_1071, %lt3A_1073 : i1
      %and3A_1075 = arith.andi %ne3A_1074, %ne3A_1069 : i1
      %add3A_1076 = arith.addi %rem3A_1067, %select_n3A_1066 : i32
      %select_n3A_1077 = arith.select %and3A_1075, %add3A_1076, %rem3A_1067 : i32
      %broadcast_in_dim3A_1078 = vector.broadcast %select_n3A_1077 : i32 to vector<16xi32>
      %gather3A_1079 = tpu.vector_load_idx %arg14[%iota3A, %broadcast_in_dim3A_1078] : memref<32x128xf32, #tpu.memory_space<vmem>>[vector<16xi32>, vector<16xi32>], vector<16xf32>,
      %add3A_1080 = arith.constant 16 : i32
      %add3A_1081 = vector.broadcast %add3A_1080 : i32 to vector<16xi32>
      %add3A_1082 = arith.addi %iota3A, %add3A_1081 : vector<16xi32>
      %gather3A_1083 = tpu.vector_load_idx %arg14[%add3A_1082, %broadcast_in_dim3A_1078] : memref<32x128xf32, #tpu.memory_space<vmem>>[vector<16xi32>, vector<16xi32>], vector<16xf32>,
      %mul3A_1084 = arith.constant 8 : i32
      %mul3A_1085 = arith.muli %add3A_1007, %mul3A_1084 : i32
      %add3A_1086 = arith.constant 0 : i32
      %add3A_1087 = arith.addi %mul3A_1085, %add3A_1086 : i32
      %broadcast_in_dim3A_1088 = vector.broadcast %add3A_1087 : i32 to vector<16xi32>
      %mul3A_1089 = arith.constant 512 : i32
      %mul3A_1090 = vector.broadcast %mul3A_1089 : i32 to vector<16xi32>
      %mul3A_1091 = arith.muli %iota3A, %mul3A_1090 : vector<16xi32>
      %add3A_1092 = arith.addi %mul3A_1091, %broadcast_in_dim3A_1088 : vector<16xi32>
      tpu.vector_store_idx %arg22[%add3A_1092], %gather3A_1079 : memref<16384xf32, #tpu.memory_space<vmem>>[vector<16xi32>], vector<16xf32>,
      %add3A_1093 = arith.constant 16 : i32
      %add3A_1094 = vector.broadcast %add3A_1093 : i32 to vector<16xi32>
      %add3A_1095 = arith.addi %iota3A, %add3A_1094 : vector<16xi32>
      %mul3A_1096 = arith.constant 512 : i32
      %mul3A_1097 = vector.broadcast %mul3A_1096 : i32 to vector<16xi32>
      %mul3A_1098 = arith.muli %add3A_1095, %mul3A_1097 : vector<16xi32>
      %add3A_1099 = arith.addi %mul3A_1098, %broadcast_in_dim3A_1088 : vector<16xi32>
      tpu.vector_store_idx %arg22[%add3A_1099], %gather3A_1083 : memref<16384xf32, #tpu.memory_space<vmem>>[vector<16xi32>], vector<16xf32>,
      %slice3A_1100 = vector.extract_strided_slice %get3A_1059 {offsets = [1], sizes = [1], strides = [1]} : vector<16xi32> to vector<1xi32>
      %squeeze3A_1101 = vector.extract %slice3A_1100[0] : i32 from vector<1xi32>
      %jit3A_1102 = arith.constant 128 : i32
      %eq3A_1103 = arith.constant 0 : i32
      %eq3A_1104 = arith.cmpi eq, %jit3A_1102, %eq3A_1103 : i32
      %jit3A_1105 = arith.constant 1 : i32
      %select_n3A_1106 = arith.select %eq3A_1104, %jit3A_1105, %jit3A_1102 : i32
      %rem3A_1107 = arith.remsi %squeeze3A_1101, %select_n3A_1106 : i32
      %ne3A_1108 = arith.constant 0 : i32
      %ne3A_1109 = arith.cmpi ne, %rem3A_1107, %ne3A_1108 : i32
      %lt3A_1110 = arith.constant 0 : i32
      %lt3A_1111 = arith.cmpi slt, %rem3A_1107, %lt3A_1110 : i32
      %lt3A_1112 = arith.constant 0 : i32
      %lt3A_1113 = arith.cmpi slt, %select_n3A_1106, %lt3A_1112 : i32
      %ne3A_1114 = arith.xori %lt3A_1111, %lt3A_1113 : i1
      %and3A_1115 = arith.andi %ne3A_1114, %ne3A_1109 : i1
      %add3A_1116 = arith.addi %rem3A_1107, %select_n3A_1106 : i32
      %select_n3A_1117 = arith.select %and3A_1115, %add3A_1116, %rem3A_1107 : i32
      %broadcast_in_dim3A_1118 = vector.broadcast %select_n3A_1117 : i32 to vector<16xi32>
      %gather3A_1119 = tpu.vector_load_idx %arg15[%iota3A, %broadcast_in_dim3A_1118] : memref<32x128xf32, #tpu.memory_space<vmem>>[vector<16xi32>, vector<16xi32>], vector<16xf32>,
      %add3A_1120 = arith.constant 16 : i32
      %add3A_1121 = vector.broadcast %add3A_1120 : i32 to vector<16xi32>
      %add3A_1122 = arith.addi %iota3A, %add3A_1121 : vector<16xi32>
      %gather3A_1123 = tpu.vector_load_idx %arg15[%add3A_1122, %broadcast_in_dim3A_1118] : memref<32x128xf32, #tpu.memory_space<vmem>>[vector<16xi32>, vector<16xi32>], vector<16xf32>,
      %mul3A_1124 = arith.constant 8 : i32
      %mul3A_1125 = arith.muli %add3A_1007, %mul3A_1124 : i32
      %add3A_1126 = arith.constant 1 : i32
      %add3A_1127 = arith.addi %mul3A_1125, %add3A_1126 : i32
      %broadcast_in_dim3A_1128 = vector.broadcast %add3A_1127 : i32 to vector<16xi32>
      %mul3A_1129 = arith.constant 512 : i32
      %mul3A_1130 = vector.broadcast %mul3A_1129 : i32 to vector<16xi32>
      %mul3A_1131 = arith.muli %iota3A, %mul3A_1130 : vector<16xi32>
      %add3A_1132 = arith.addi %mul3A_1131, %broadcast_in_dim3A_1128 : vector<16xi32>
      tpu.vector_store_idx %arg22[%add3A_1132], %gather3A_1119 : memref<16384xf32, #tpu.memory_space<vmem>>[vector<16xi32>], vector<16xf32>,
      %add3A_1133 = arith.constant 16 : i32
      %add3A_1134 = vector.broadcast %add3A_1133 : i32 to vector<16xi32>
      %add3A_1135 = arith.addi %iota3A, %add3A_1134 : vector<16xi32>
      %mul3A_1136 = arith.constant 512 : i32
      %mul3A_1137 = vector.broadcast %mul3A_1136 : i32 to vector<16xi32>
      %mul3A_1138 = arith.muli %add3A_1135, %mul3A_1137 : vector<16xi32>
      %add3A_1139 = arith.addi %mul3A_1138, %broadcast_in_dim3A_1128 : vector<16xi32>
      tpu.vector_store_idx %arg22[%add3A_1139], %gather3A_1123 : memref<16384xf32, #tpu.memory_space<vmem>>[vector<16xi32>], vector<16xf32>,
      %slice3A_1140 = vector.extract_strided_slice %get3A_1059 {offsets = [2], sizes = [1], strides = [1]} : vector<16xi32> to vector<1xi32>
      %squeeze3A_1141 = vector.extract %slice3A_1140[0] : i32 from vector<1xi32>
      %jit3A_1142 = arith.constant 128 : i32
      %eq3A_1143 = arith.constant 0 : i32
      %eq3A_1144 = arith.cmpi eq, %jit3A_1142, %eq3A_1143 : i32
      %jit3A_1145 = arith.constant 1 : i32
      %select_n3A_1146 = arith.select %eq3A_1144, %jit3A_1145, %jit3A_1142 : i32
      %rem3A_1147 = arith.remsi %squeeze3A_1141, %select_n3A_1146 : i32
      %ne3A_1148 = arith.constant 0 : i32
      %ne3A_1149 = arith.cmpi ne, %rem3A_1147, %ne3A_1148 : i32
      %lt3A_1150 = arith.constant 0 : i32
      %lt3A_1151 = arith.cmpi slt, %rem3A_1147, %lt3A_1150 : i32
      %lt3A_1152 = arith.constant 0 : i32
      %lt3A_1153 = arith.cmpi slt, %select_n3A_1146, %lt3A_1152 : i32
      %ne3A_1154 = arith.xori %lt3A_1151, %lt3A_1153 : i1
      %and3A_1155 = arith.andi %ne3A_1154, %ne3A_1149 : i1
      %add3A_1156 = arith.addi %rem3A_1147, %select_n3A_1146 : i32
      %select_n3A_1157 = arith.select %and3A_1155, %add3A_1156, %rem3A_1147 : i32
      %broadcast_in_dim3A_1158 = vector.broadcast %select_n3A_1157 : i32 to vector<16xi32>
      %gather3A_1159 = tpu.vector_load_idx %arg16[%iota3A, %broadcast_in_dim3A_1158] : memref<32x128xf32, #tpu.memory_space<vmem>>[vector<16xi32>, vector<16xi32>], vector<16xf32>,
      %add3A_1160 = arith.constant 16 : i32
      %add3A_1161 = vector.broadcast %add3A_1160 : i32 to vector<16xi32>
      %add3A_1162 = arith.addi %iota3A, %add3A_1161 : vector<16xi32>
      %gather3A_1163 = tpu.vector_load_idx %arg16[%add3A_1162, %broadcast_in_dim3A_1158] : memref<32x128xf32, #tpu.memory_space<vmem>>[vector<16xi32>, vector<16xi32>], vector<16xf32>,
      %mul3A_1164 = arith.constant 8 : i32
      %mul3A_1165 = arith.muli %add3A_1007, %mul3A_1164 : i32
      %add3A_1166 = arith.constant 2 : i32
      %add3A_1167 = arith.addi %mul3A_1165, %add3A_1166 : i32
      %broadcast_in_dim3A_1168 = vector.broadcast %add3A_1167 : i32 to vector<16xi32>
      %mul3A_1169 = arith.constant 512 : i32
      %mul3A_1170 = vector.broadcast %mul3A_1169 : i32 to vector<16xi32>
      %mul3A_1171 = arith.muli %iota3A, %mul3A_1170 : vector<16xi32>
      %add3A_1172 = arith.addi %mul3A_1171, %broadcast_in_dim3A_1168 : vector<16xi32>
      tpu.vector_store_idx %arg22[%add3A_1172], %gather3A_1159 : memref<16384xf32, #tpu.memory_space<vmem>>[vector<16xi32>], vector<16xf32>,
      %add3A_1173 = arith.constant 16 : i32
      %add3A_1174 = vector.broadcast %add3A_1173 : i32 to vector<16xi32>
      %add3A_1175 = arith.addi %iota3A, %add3A_1174 : vector<16xi32>
      %mul3A_1176 = arith.constant 512 : i32
      %mul3A_1177 = vector.broadcast %mul3A_1176 : i32 to vector<16xi32>
      %mul3A_1178 = arith.muli %add3A_1175, %mul3A_1177 : vector<16xi32>
      %add3A_1179 = arith.addi %mul3A_1178, %broadcast_in_dim3A_1168 : vector<16xi32>
      tpu.vector_store_idx %arg22[%add3A_1179], %gather3A_1163 : memref<16384xf32, #tpu.memory_space<vmem>>[vector<16xi32>], vector<16xf32>,
      %slice3A_1180 = vector.extract_strided_slice %get3A_1059 {offsets = [3], sizes = [1], strides = [1]} : vector<16xi32> to vector<1xi32>
      %squeeze3A_1181 = vector.extract %slice3A_1180[0] : i32 from vector<1xi32>
      %jit3A_1182 = arith.constant 128 : i32
      %eq3A_1183 = arith.constant 0 : i32
      %eq3A_1184 = arith.cmpi eq, %jit3A_1182, %eq3A_1183 : i32
      %jit3A_1185 = arith.constant 1 : i32
      %select_n3A_1186 = arith.select %eq3A_1184, %jit3A_1185, %jit3A_1182 : i32
      %rem3A_1187 = arith.remsi %squeeze3A_1181, %select_n3A_1186 : i32
      %ne3A_1188 = arith.constant 0 : i32
      %ne3A_1189 = arith.cmpi ne, %rem3A_1187, %ne3A_1188 : i32
      %lt3A_1190 = arith.constant 0 : i32
      %lt3A_1191 = arith.cmpi slt, %rem3A_1187, %lt3A_1190 : i32
      %lt3A_1192 = arith.constant 0 : i32
      %lt3A_1193 = arith.cmpi slt, %select_n3A_1186, %lt3A_1192 : i32
      %ne3A_1194 = arith.xori %lt3A_1191, %lt3A_1193 : i1
      %and3A_1195 = arith.andi %ne3A_1194, %ne3A_1189 : i1
      %add3A_1196 = arith.addi %rem3A_1187, %select_n3A_1186 : i32
      %select_n3A_1197 = arith.select %and3A_1195, %add3A_1196, %rem3A_1187 : i32
      %broadcast_in_dim3A_1198 = vector.broadcast %select_n3A_1197 : i32 to vector<16xi32>
      %gather3A_1199 = tpu.vector_load_idx %arg17[%iota3A, %broadcast_in_dim3A_1198] : memref<32x128xf32, #tpu.memory_space<vmem>>[vector<16xi32>, vector<16xi32>], vector<16xf32>,
      %add3A_1200 = arith.constant 16 : i32
      %add3A_1201 = vector.broadcast %add3A_1200 : i32 to vector<16xi32>
      %add3A_1202 = arith.addi %iota3A, %add3A_1201 : vector<16xi32>
      %gather3A_1203 = tpu.vector_load_idx %arg17[%add3A_1202, %broadcast_in_dim3A_1198] : memref<32x128xf32, #tpu.memory_space<vmem>>[vector<16xi32>, vector<16xi32>], vector<16xf32>,
      %mul3A_1204 = arith.constant 8 : i32
      %mul3A_1205 = arith.muli %add3A_1007, %mul3A_1204 : i32
      %add3A_1206 = arith.constant 3 : i32
      %add3A_1207 = arith.addi %mul3A_1205, %add3A_1206 : i32
      %broadcast_in_dim3A_1208 = vector.broadcast %add3A_1207 : i32 to vector<16xi32>
      %mul3A_1209 = arith.constant 512 : i32
      %mul3A_1210 = vector.broadcast %mul3A_1209 : i32 to vector<16xi32>
      %mul3A_1211 = arith.muli %iota3A, %mul3A_1210 : vector<16xi32>
      %add3A_1212 = arith.addi %mul3A_1211, %broadcast_in_dim3A_1208 : vector<16xi32>
      tpu.vector_store_idx %arg22[%add3A_1212], %gather3A_1199 : memref<16384xf32, #tpu.memory_space<vmem>>[vector<16xi32>], vector<16xf32>,
      %add3A_1213 = arith.constant 16 : i32
      %add3A_1214 = vector.broadcast %add3A_1213 : i32 to vector<16xi32>
      %add3A_1215 = arith.addi %iota3A, %add3A_1214 : vector<16xi32>
      %mul3A_1216 = arith.constant 512 : i32
      %mul3A_1217 = vector.broadcast %mul3A_1216 : i32 to vector<16xi32>
      %mul3A_1218 = arith.muli %add3A_1215, %mul3A_1217 : vector<16xi32>
      %add3A_1219 = arith.addi %mul3A_1218, %broadcast_in_dim3A_1208 : vector<16xi32>
      tpu.vector_store_idx %arg22[%add3A_1219], %gather3A_1203 : memref<16384xf32, #tpu.memory_space<vmem>>[vector<16xi32>], vector<16xf32>,
      %slice3A_1220 = vector.extract_strided_slice %get3A_1059 {offsets = [4], sizes = [1], strides = [1]} : vector<16xi32> to vector<1xi32>
      %squeeze3A_1221 = vector.extract %slice3A_1220[0] : i32 from vector<1xi32>
      %jit3A_1222 = arith.constant 128 : i32
      %eq3A_1223 = arith.constant 0 : i32
      %eq3A_1224 = arith.cmpi eq, %jit3A_1222, %eq3A_1223 : i32
      %jit3A_1225 = arith.constant 1 : i32
      %select_n3A_1226 = arith.select %eq3A_1224, %jit3A_1225, %jit3A_1222 : i32
      %rem3A_1227 = arith.remsi %squeeze3A_1221, %select_n3A_1226 : i32
      %ne3A_1228 = arith.constant 0 : i32
      %ne3A_1229 = arith.cmpi ne, %rem3A_1227, %ne3A_1228 : i32
      %lt3A_1230 = arith.constant 0 : i32
      %lt3A_1231 = arith.cmpi slt, %rem3A_1227, %lt3A_1230 : i32
      %lt3A_1232 = arith.constant 0 : i32
      %lt3A_1233 = arith.cmpi slt, %select_n3A_1226, %lt3A_1232 : i32
      %ne3A_1234 = arith.xori %lt3A_1231, %lt3A_1233 : i1
      %and3A_1235 = arith.andi %ne3A_1234, %ne3A_1229 : i1
      %add3A_1236 = arith.addi %rem3A_1227, %select_n3A_1226 : i32
      %select_n3A_1237 = arith.select %and3A_1235, %add3A_1236, %rem3A_1227 : i32
      %broadcast_in_dim3A_1238 = vector.broadcast %select_n3A_1237 : i32 to vector<16xi32>
      %gather3A_1239 = tpu.vector_load_idx %arg18[%iota3A, %broadcast_in_dim3A_1238] : memref<32x128xf32, #tpu.memory_space<vmem>>[vector<16xi32>, vector<16xi32>], vector<16xf32>,
      %add3A_1240 = arith.constant 16 : i32
      %add3A_1241 = vector.broadcast %add3A_1240 : i32 to vector<16xi32>
      %add3A_1242 = arith.addi %iota3A, %add3A_1241 : vector<16xi32>
      %gather3A_1243 = tpu.vector_load_idx %arg18[%add3A_1242, %broadcast_in_dim3A_1238] : memref<32x128xf32, #tpu.memory_space<vmem>>[vector<16xi32>, vector<16xi32>], vector<16xf32>,
      %mul3A_1244 = arith.constant 8 : i32
      %mul3A_1245 = arith.muli %add3A_1007, %mul3A_1244 : i32
      %add3A_1246 = arith.constant 4 : i32
      %add3A_1247 = arith.addi %mul3A_1245, %add3A_1246 : i32
      %broadcast_in_dim3A_1248 = vector.broadcast %add3A_1247 : i32 to vector<16xi32>
      %mul3A_1249 = arith.constant 512 : i32
      %mul3A_1250 = vector.broadcast %mul3A_1249 : i32 to vector<16xi32>
      %mul3A_1251 = arith.muli %iota3A, %mul3A_1250 : vector<16xi32>
      %add3A_1252 = arith.addi %mul3A_1251, %broadcast_in_dim3A_1248 : vector<16xi32>
      tpu.vector_store_idx %arg22[%add3A_1252], %gather3A_1239 : memref<16384xf32, #tpu.memory_space<vmem>>[vector<16xi32>], vector<16xf32>,
      %add3A_1253 = arith.constant 16 : i32
      %add3A_1254 = vector.broadcast %add3A_1253 : i32 to vector<16xi32>
      %add3A_1255 = arith.addi %iota3A, %add3A_1254 : vector<16xi32>
      %mul3A_1256 = arith.constant 512 : i32
      %mul3A_1257 = vector.broadcast %mul3A_1256 : i32 to vector<16xi32>
      %mul3A_1258 = arith.muli %add3A_1255, %mul3A_1257 : vector<16xi32>
      %add3A_1259 = arith.addi %mul3A_1258, %broadcast_in_dim3A_1248 : vector<16xi32>
      tpu.vector_store_idx %arg22[%add3A_1259], %gather3A_1243 : memref<16384xf32, #tpu.memory_space<vmem>>[vector<16xi32>], vector<16xf32>,
      %slice3A_1260 = vector.extract_strided_slice %get3A_1059 {offsets = [5], sizes = [1], strides = [1]} : vector<16xi32> to vector<1xi32>
      %squeeze3A_1261 = vector.extract %slice3A_1260[0] : i32 from vector<1xi32>
      %jit3A_1262 = arith.constant 128 : i32
      %eq3A_1263 = arith.constant 0 : i32
      %eq3A_1264 = arith.cmpi eq, %jit3A_1262, %eq3A_1263 : i32
      %jit3A_1265 = arith.constant 1 : i32
      %select_n3A_1266 = arith.select %eq3A_1264, %jit3A_1265, %jit3A_1262 : i32
      %rem3A_1267 = arith.remsi %squeeze3A_1261, %select_n3A_1266 : i32
      %ne3A_1268 = arith.constant 0 : i32
      %ne3A_1269 = arith.cmpi ne, %rem3A_1267, %ne3A_1268 : i32
      %lt3A_1270 = arith.constant 0 : i32
      %lt3A_1271 = arith.cmpi slt, %rem3A_1267, %lt3A_1270 : i32
      %lt3A_1272 = arith.constant 0 : i32
      %lt3A_1273 = arith.cmpi slt, %select_n3A_1266, %lt3A_1272 : i32
      %ne3A_1274 = arith.xori %lt3A_1271, %lt3A_1273 : i1
      %and3A_1275 = arith.andi %ne3A_1274, %ne3A_1269 : i1
      %add3A_1276 = arith.addi %rem3A_1267, %select_n3A_1266 : i32
      %select_n3A_1277 = arith.select %and3A_1275, %add3A_1276, %rem3A_1267 : i32
      %broadcast_in_dim3A_1278 = vector.broadcast %select_n3A_1277 : i32 to vector<16xi32>
      %gather3A_1279 = tpu.vector_load_idx %arg19[%iota3A, %broadcast_in_dim3A_1278] : memref<32x128xf32, #tpu.memory_space<vmem>>[vector<16xi32>, vector<16xi32>], vector<16xf32>,
      %add3A_1280 = arith.constant 16 : i32
      %add3A_1281 = vector.broadcast %add3A_1280 : i32 to vector<16xi32>
      %add3A_1282 = arith.addi %iota3A, %add3A_1281 : vector<16xi32>
      %gather3A_1283 = tpu.vector_load_idx %arg19[%add3A_1282, %broadcast_in_dim3A_1278] : memref<32x128xf32, #tpu.memory_space<vmem>>[vector<16xi32>, vector<16xi32>], vector<16xf32>,
      %mul3A_1284 = arith.constant 8 : i32
      %mul3A_1285 = arith.muli %add3A_1007, %mul3A_1284 : i32
      %add3A_1286 = arith.constant 5 : i32
      %add3A_1287 = arith.addi %mul3A_1285, %add3A_1286 : i32
      %broadcast_in_dim3A_1288 = vector.broadcast %add3A_1287 : i32 to vector<16xi32>
      %mul3A_1289 = arith.constant 512 : i32
      %mul3A_1290 = vector.broadcast %mul3A_1289 : i32 to vector<16xi32>
      %mul3A_1291 = arith.muli %iota3A, %mul3A_1290 : vector<16xi32>
      %add3A_1292 = arith.addi %mul3A_1291, %broadcast_in_dim3A_1288 : vector<16xi32>
      tpu.vector_store_idx %arg22[%add3A_1292], %gather3A_1279 : memref<16384xf32, #tpu.memory_space<vmem>>[vector<16xi32>], vector<16xf32>,
      %add3A_1293 = arith.constant 16 : i32
      %add3A_1294 = vector.broadcast %add3A_1293 : i32 to vector<16xi32>
      %add3A_1295 = arith.addi %iota3A, %add3A_1294 : vector<16xi32>
      %mul3A_1296 = arith.constant 512 : i32
      %mul3A_1297 = vector.broadcast %mul3A_1296 : i32 to vector<16xi32>
      %mul3A_1298 = arith.muli %add3A_1295, %mul3A_1297 : vector<16xi32>
      %add3A_1299 = arith.addi %mul3A_1298, %broadcast_in_dim3A_1288 : vector<16xi32>
      tpu.vector_store_idx %arg22[%add3A_1299], %gather3A_1283 : memref<16384xf32, #tpu.memory_space<vmem>>[vector<16xi32>], vector<16xf32>,
      %slice3A_1300 = vector.extract_strided_slice %get3A_1059 {offsets = [6], sizes = [1], strides = [1]} : vector<16xi32> to vector<1xi32>
      %squeeze3A_1301 = vector.extract %slice3A_1300[0] : i32 from vector<1xi32>
      %jit3A_1302 = arith.constant 128 : i32
      %eq3A_1303 = arith.constant 0 : i32
      %eq3A_1304 = arith.cmpi eq, %jit3A_1302, %eq3A_1303 : i32
      %jit3A_1305 = arith.constant 1 : i32
      %select_n3A_1306 = arith.select %eq3A_1304, %jit3A_1305, %jit3A_1302 : i32
      %rem3A_1307 = arith.remsi %squeeze3A_1301, %select_n3A_1306 : i32
      %ne3A_1308 = arith.constant 0 : i32
      %ne3A_1309 = arith.cmpi ne, %rem3A_1307, %ne3A_1308 : i32
      %lt3A_1310 = arith.constant 0 : i32
      %lt3A_1311 = arith.cmpi slt, %rem3A_1307, %lt3A_1310 : i32
      %lt3A_1312 = arith.constant 0 : i32
      %lt3A_1313 = arith.cmpi slt, %select_n3A_1306, %lt3A_1312 : i32
      %ne3A_1314 = arith.xori %lt3A_1311, %lt3A_1313 : i1
      %and3A_1315 = arith.andi %ne3A_1314, %ne3A_1309 : i1
      %add3A_1316 = arith.addi %rem3A_1307, %select_n3A_1306 : i32
      %select_n3A_1317 = arith.select %and3A_1315, %add3A_1316, %rem3A_1307 : i32
      %broadcast_in_dim3A_1318 = vector.broadcast %select_n3A_1317 : i32 to vector<16xi32>
      %gather3A_1319 = tpu.vector_load_idx %arg20[%iota3A, %broadcast_in_dim3A_1318] : memref<32x128xf32, #tpu.memory_space<vmem>>[vector<16xi32>, vector<16xi32>], vector<16xf32>,
      %add3A_1320 = arith.constant 16 : i32
      %add3A_1321 = vector.broadcast %add3A_1320 : i32 to vector<16xi32>
      %add3A_1322 = arith.addi %iota3A, %add3A_1321 : vector<16xi32>
      %gather3A_1323 = tpu.vector_load_idx %arg20[%add3A_1322, %broadcast_in_dim3A_1318] : memref<32x128xf32, #tpu.memory_space<vmem>>[vector<16xi32>, vector<16xi32>], vector<16xf32>,
      %mul3A_1324 = arith.constant 8 : i32
      %mul3A_1325 = arith.muli %add3A_1007, %mul3A_1324 : i32
      %add3A_1326 = arith.constant 6 : i32
      %add3A_1327 = arith.addi %mul3A_1325, %add3A_1326 : i32
      %broadcast_in_dim3A_1328 = vector.broadcast %add3A_1327 : i32 to vector<16xi32>
      %mul3A_1329 = arith.constant 512 : i32
      %mul3A_1330 = vector.broadcast %mul3A_1329 : i32 to vector<16xi32>
      %mul3A_1331 = arith.muli %iota3A, %mul3A_1330 : vector<16xi32>
      %add3A_1332 = arith.addi %mul3A_1331, %broadcast_in_dim3A_1328 : vector<16xi32>
      tpu.vector_store_idx %arg22[%add3A_1332], %gather3A_1319 : memref<16384xf32, #tpu.memory_space<vmem>>[vector<16xi32>], vector<16xf32>,
      %add3A_1333 = arith.constant 16 : i32
      %add3A_1334 = vector.broadcast %add3A_1333 : i32 to vector<16xi32>
      %add3A_1335 = arith.addi %iota3A, %add3A_1334 : vector<16xi32>
      %mul3A_1336 = arith.constant 512 : i32
      %mul3A_1337 = vector.broadcast %mul3A_1336 : i32 to vector<16xi32>
      %mul3A_1338 = arith.muli %add3A_1335, %mul3A_1337 : vector<16xi32>
      %add3A_1339 = arith.addi %mul3A_1338, %broadcast_in_dim3A_1328 : vector<16xi32>
      tpu.vector_store_idx %arg22[%add3A_1339], %gather3A_1323 : memref<16384xf32, #tpu.memory_space<vmem>>[vector<16xi32>], vector<16xf32>,
      %slice3A_1340 = vector.extract_strided_slice %get3A_1059 {offsets = [7], sizes = [1], strides = [1]} : vector<16xi32> to vector<1xi32>
      %squeeze3A_1341 = vector.extract %slice3A_1340[0] : i32 from vector<1xi32>
      %jit3A_1342 = arith.constant 128 : i32
      %eq3A_1343 = arith.constant 0 : i32
      %eq3A_1344 = arith.cmpi eq, %jit3A_1342, %eq3A_1343 : i32
      %jit3A_1345 = arith.constant 1 : i32
      %select_n3A_1346 = arith.select %eq3A_1344, %jit3A_1345, %jit3A_1342 : i32
      %rem3A_1347 = arith.remsi %squeeze3A_1341, %select_n3A_1346 : i32
      %ne3A_1348 = arith.constant 0 : i32
      %ne3A_1349 = arith.cmpi ne, %rem3A_1347, %ne3A_1348 : i32
      %lt3A_1350 = arith.constant 0 : i32
      %lt3A_1351 = arith.cmpi slt, %rem3A_1347, %lt3A_1350 : i32
      %lt3A_1352 = arith.constant 0 : i32
      %lt3A_1353 = arith.cmpi slt, %select_n3A_1346, %lt3A_1352 : i32
      %ne3A_1354 = arith.xori %lt3A_1351, %lt3A_1353 : i1
      %and3A_1355 = arith.andi %ne3A_1354, %ne3A_1349 : i1
      %add3A_1356 = arith.addi %rem3A_1347, %select_n3A_1346 : i32
      %select_n3A_1357 = arith.select %and3A_1355, %add3A_1356, %rem3A_1347 : i32
      %broadcast_in_dim3A_1358 = vector.broadcast %select_n3A_1357 : i32 to vector<16xi32>
      %gather3A_1359 = tpu.vector_load_idx %arg21[%iota3A, %broadcast_in_dim3A_1358] : memref<32x128xf32, #tpu.memory_space<vmem>>[vector<16xi32>, vector<16xi32>], vector<16xf32>,
      %add3A_1360 = arith.constant 16 : i32
      %add3A_1361 = vector.broadcast %add3A_1360 : i32 to vector<16xi32>
      %add3A_1362 = arith.addi %iota3A, %add3A_1361 : vector<16xi32>
      %gather3A_1363 = tpu.vector_load_idx %arg21[%add3A_1362, %broadcast_in_dim3A_1358] : memref<32x128xf32, #tpu.memory_space<vmem>>[vector<16xi32>, vector<16xi32>], vector<16xf32>,
      %mul3A_1364 = arith.constant 8 : i32
      %mul3A_1365 = arith.muli %add3A_1007, %mul3A_1364 : i32
      %add3A_1366 = arith.constant 7 : i32
      %add3A_1367 = arith.addi %mul3A_1365, %add3A_1366 : i32
      %broadcast_in_dim3A_1368 = vector.broadcast %add3A_1367 : i32 to vector<16xi32>
      %mul3A_1369 = arith.constant 512 : i32
      %mul3A_1370 = vector.broadcast %mul3A_1369 : i32 to vector<16xi32>
      %mul3A_1371 = arith.muli %iota3A, %mul3A_1370 : vector<16xi32>
      %add3A_1372 = arith.addi %mul3A_1371, %broadcast_in_dim3A_1368 : vector<16xi32>
      tpu.vector_store_idx %arg22[%add3A_1372], %gather3A_1359 : memref<16384xf32, #tpu.memory_space<vmem>>[vector<16xi32>], vector<16xf32>,
      %add3A_1373 = arith.constant 16 : i32
      %add3A_1374 = vector.broadcast %add3A_1373 : i32 to vector<16xi32>
      %add3A_1375 = arith.addi %iota3A, %add3A_1374 : vector<16xi32>
      %mul3A_1376 = arith.constant 512 : i32
      %mul3A_1377 = vector.broadcast %mul3A_1376 : i32 to vector<16xi32>
      %mul3A_1378 = arith.muli %add3A_1375, %mul3A_1377 : vector<16xi32>
      %add3A_1379 = arith.addi %mul3A_1378, %broadcast_in_dim3A_1368 : vector<16xi32>
      tpu.vector_store_idx %arg22[%add3A_1379], %gather3A_1363 : memref<16384xf32, #tpu.memory_space<vmem>>[vector<16xi32>], vector<16xf32>,
      %scan3A_1380 = arith.constant 0 : i32
      scf.yield %scan3A_1380 : i32
    }
    %scan3A_92 = arith.constant 32 : i32
    %add3A_93 = arith.constant 0 : i32
    %add3A_94 = arith.addi %add3A_93, %mul3A_2 : i32
    %dma_start3A_95 = arith.constant 0 : i32
    %dma_start3A_96 = tpu.memref_slice %arg22[%dma_start3A_95] : memref<16384xf32, #tpu.memory_space<vmem>> -> memref<512xf32, #tpu.memory_space<vmem>>
    %dma_start3A_97 = tpu.memref_slice %arg4[%add3A_94] : memref<524288xf32, #tpu.memory_space<hbm>> -> memref<512xf32, #tpu.memory_space<hbm>>
    %dma_start3A_98 = tpu.memref_slice %arg4[%add3A_94] : memref<524288xf32, #tpu.memory_space<hbm>> -> memref<512xf32, #tpu.memory_space<hbm>>
    %dma_start3A_99 = arith.constant 0 : i32
    %dma_start3A_100 = tpu.memref_slice %arg22[%dma_start3A_99] : memref<16384xf32, #tpu.memory_space<vmem>> -> memref<512xf32, #tpu.memory_space<vmem>>
    tpu.enqueue_dma source(%dma_start3A_100 : memref<512xf32, #tpu.memory_space<vmem>>) target(%dma_start3A_98 : memref<512xf32, #tpu.memory_space<hbm>>) target_semaphore(%arg25 : memref<!tpu.dma_semaphore, #tpu.memory_space<semaphore_mem>>)
    %add3A_101 = arith.constant 16384 : i32
    %add3A_102 = arith.addi %add3A_101, %mul3A_2 : i32
    %dma_start3A_103 = arith.constant 512 : i32
    %dma_start3A_104 = tpu.memref_slice %arg22[%dma_start3A_103] : memref<16384xf32, #tpu.memory_space<vmem>> -> memref<512xf32, #tpu.memory_space<vmem>>
    %dma_start3A_105 = tpu.memref_slice %arg4[%add3A_102] : memref<524288xf32, #tpu.memory_space<hbm>> -> memref<512xf32, #tpu.memory_space<hbm>>
    %dma_start3A_106 = tpu.memref_slice %arg4[%add3A_102] : memref<524288xf32, #tpu.memory_space<hbm>> -> memref<512xf32, #tpu.memory_space<hbm>>
    %dma_start3A_107 = arith.constant 512 : i32
    %dma_start3A_108 = tpu.memref_slice %arg22[%dma_start3A_107] : memref<16384xf32, #tpu.memory_space<vmem>> -> memref<512xf32, #tpu.memory_space<vmem>>
    tpu.enqueue_dma source(%dma_start3A_108 : memref<512xf32, #tpu.memory_space<vmem>>) target(%dma_start3A_106 : memref<512xf32, #tpu.memory_space<hbm>>) target_semaphore(%arg25 : memref<!tpu.dma_semaphore, #tpu.memory_space<semaphore_mem>>)
    %add3A_109 = arith.constant 32768 : i32
    %add3A_110 = arith.addi %add3A_109, %mul3A_2 : i32
    %dma_start3A_111 = arith.constant 1024 : i32
    %dma_start3A_112 = tpu.memref_slice %arg22[%dma_start3A_111] : memref<16384xf32, #tpu.memory_space<vmem>> -> memref<512xf32, #tpu.memory_space<vmem>>
    %dma_start3A_113 = tpu.memref_slice %arg4[%add3A_110] : memref<524288xf32, #tpu.memory_space<hbm>> -> memref<512xf32, #tpu.memory_space<hbm>>
    %dma_start3A_114 = tpu.memref_slice %arg4[%add3A_110] : memref<524288xf32, #tpu.memory_space<hbm>> -> memref<512xf32, #tpu.memory_space<hbm>>
    %dma_start3A_115 = arith.constant 1024 : i32
    %dma_start3A_116 = tpu.memref_slice %arg22[%dma_start3A_115] : memref<16384xf32, #tpu.memory_space<vmem>> -> memref<512xf32, #tpu.memory_space<vmem>>
    tpu.enqueue_dma source(%dma_start3A_116 : memref<512xf32, #tpu.memory_space<vmem>>) target(%dma_start3A_114 : memref<512xf32, #tpu.memory_space<hbm>>) target_semaphore(%arg25 : memref<!tpu.dma_semaphore, #tpu.memory_space<semaphore_mem>>)
    %add3A_117 = arith.constant 49152 : i32
    %add3A_118 = arith.addi %add3A_117, %mul3A_2 : i32
    %dma_start3A_119 = arith.constant 1536 : i32
    %dma_start3A_120 = tpu.memref_slice %arg22[%dma_start3A_119] : memref<16384xf32, #tpu.memory_space<vmem>> -> memref<512xf32, #tpu.memory_space<vmem>>
    %dma_start3A_121 = tpu.memref_slice %arg4[%add3A_118] : memref<524288xf32, #tpu.memory_space<hbm>> -> memref<512xf32, #tpu.memory_space<hbm>>
    %dma_start3A_122 = tpu.memref_slice %arg4[%add3A_118] : memref<524288xf32, #tpu.memory_space<hbm>> -> memref<512xf32, #tpu.memory_space<hbm>>
    %dma_start3A_123 = arith.constant 1536 : i32
    %dma_start3A_124 = tpu.memref_slice %arg22[%dma_start3A_123] : memref<16384xf32, #tpu.memory_space<vmem>> -> memref<512xf32, #tpu.memory_space<vmem>>
    tpu.enqueue_dma source(%dma_start3A_124 : memref<512xf32, #tpu.memory_space<vmem>>) target(%dma_start3A_122 : memref<512xf32, #tpu.memory_space<hbm>>) target_semaphore(%arg25 : memref<!tpu.dma_semaphore, #tpu.memory_space<semaphore_mem>>)
    %add3A_125 = arith.constant 65536 : i32
    %add3A_126 = arith.addi %add3A_125, %mul3A_2 : i32
    %dma_start3A_127 = arith.constant 2048 : i32
    %dma_start3A_128 = tpu.memref_slice %arg22[%dma_start3A_127] : memref<16384xf32, #tpu.memory_space<vmem>> -> memref<512xf32, #tpu.memory_space<vmem>>
    %dma_start3A_129 = tpu.memref_slice %arg4[%add3A_126] : memref<524288xf32, #tpu.memory_space<hbm>> -> memref<512xf32, #tpu.memory_space<hbm>>
    %dma_start3A_130 = tpu.memref_slice %arg4[%add3A_126] : memref<524288xf32, #tpu.memory_space<hbm>> -> memref<512xf32, #tpu.memory_space<hbm>>
    %dma_start3A_131 = arith.constant 2048 : i32
    %dma_start3A_132 = tpu.memref_slice %arg22[%dma_start3A_131] : memref<16384xf32, #tpu.memory_space<vmem>> -> memref<512xf32, #tpu.memory_space<vmem>>
    tpu.enqueue_dma source(%dma_start3A_132 : memref<512xf32, #tpu.memory_space<vmem>>) target(%dma_start3A_130 : memref<512xf32, #tpu.memory_space<hbm>>) target_semaphore(%arg25 : memref<!tpu.dma_semaphore, #tpu.memory_space<semaphore_mem>>)
    %add3A_133 = arith.constant 81920 : i32
    %add3A_134 = arith.addi %add3A_133, %mul3A_2 : i32
    %dma_start3A_135 = arith.constant 2560 : i32
    %dma_start3A_136 = tpu.memref_slice %arg22[%dma_start3A_135] : memref<16384xf32, #tpu.memory_space<vmem>> -> memref<512xf32, #tpu.memory_space<vmem>>
    %dma_start3A_137 = tpu.memref_slice %arg4[%add3A_134] : memref<524288xf32, #tpu.memory_space<hbm>> -> memref<512xf32, #tpu.memory_space<hbm>>
    %dma_start3A_138 = tpu.memref_slice %arg4[%add3A_134] : memref<524288xf32, #tpu.memory_space<hbm>> -> memref<512xf32, #tpu.memory_space<hbm>>
    %dma_start3A_139 = arith.constant 2560 : i32
    %dma_start3A_140 = tpu.memref_slice %arg22[%dma_start3A_139] : memref<16384xf32, #tpu.memory_space<vmem>> -> memref<512xf32, #tpu.memory_space<vmem>>
    tpu.enqueue_dma source(%dma_start3A_140 : memref<512xf32, #tpu.memory_space<vmem>>) target(%dma_start3A_138 : memref<512xf32, #tpu.memory_space<hbm>>) target_semaphore(%arg25 : memref<!tpu.dma_semaphore, #tpu.memory_space<semaphore_mem>>)
    %add3A_141 = arith.constant 98304 : i32
    %add3A_142 = arith.addi %add3A_141, %mul3A_2 : i32
    %dma_start3A_143 = arith.constant 3072 : i32
    %dma_start3A_144 = tpu.memref_slice %arg22[%dma_start3A_143] : memref<16384xf32, #tpu.memory_space<vmem>> -> memref<512xf32, #tpu.memory_space<vmem>>
    %dma_start3A_145 = tpu.memref_slice %arg4[%add3A_142] : memref<524288xf32, #tpu.memory_space<hbm>> -> memref<512xf32, #tpu.memory_space<hbm>>
    %dma_start3A_146 = tpu.memref_slice %arg4[%add3A_142] : memref<524288xf32, #tpu.memory_space<hbm>> -> memref<512xf32, #tpu.memory_space<hbm>>
    %dma_start3A_147 = arith.constant 3072 : i32
    %dma_start3A_148 = tpu.memref_slice %arg22[%dma_start3A_147] : memref<16384xf32, #tpu.memory_space<vmem>> -> memref<512xf32, #tpu.memory_space<vmem>>
    tpu.enqueue_dma source(%dma_start3A_148 : memref<512xf32, #tpu.memory_space<vmem>>) target(%dma_start3A_146 : memref<512xf32, #tpu.memory_space<hbm>>) target_semaphore(%arg25 : memref<!tpu.dma_semaphore, #tpu.memory_space<semaphore_mem>>)
    %add3A_149 = arith.constant 114688 : i32
    %add3A_150 = arith.addi %add3A_149, %mul3A_2 : i32
    %dma_start3A_151 = arith.constant 3584 : i32
    %dma_start3A_152 = tpu.memref_slice %arg22[%dma_start3A_151] : memref<16384xf32, #tpu.memory_space<vmem>> -> memref<512xf32, #tpu.memory_space<vmem>>
    %dma_start3A_153 = tpu.memref_slice %arg4[%add3A_150] : memref<524288xf32, #tpu.memory_space<hbm>> -> memref<512xf32, #tpu.memory_space<hbm>>
    %dma_start3A_154 = tpu.memref_slice %arg4[%add3A_150] : memref<524288xf32, #tpu.memory_space<hbm>> -> memref<512xf32, #tpu.memory_space<hbm>>
    %dma_start3A_155 = arith.constant 3584 : i32
    %dma_start3A_156 = tpu.memref_slice %arg22[%dma_start3A_155] : memref<16384xf32, #tpu.memory_space<vmem>> -> memref<512xf32, #tpu.memory_space<vmem>>
    tpu.enqueue_dma source(%dma_start3A_156 : memref<512xf32, #tpu.memory_space<vmem>>) target(%dma_start3A_154 : memref<512xf32, #tpu.memory_space<hbm>>) target_semaphore(%arg25 : memref<!tpu.dma_semaphore, #tpu.memory_space<semaphore_mem>>)
    %add3A_157 = arith.constant 131072 : i32
    %add3A_158 = arith.addi %add3A_157, %mul3A_2 : i32
    %dma_start3A_159 = arith.constant 4096 : i32
    %dma_start3A_160 = tpu.memref_slice %arg22[%dma_start3A_159] : memref<16384xf32, #tpu.memory_space<vmem>> -> memref<512xf32, #tpu.memory_space<vmem>>
    %dma_start3A_161 = tpu.memref_slice %arg4[%add3A_158] : memref<524288xf32, #tpu.memory_space<hbm>> -> memref<512xf32, #tpu.memory_space<hbm>>
    %dma_start3A_162 = tpu.memref_slice %arg4[%add3A_158] : memref<524288xf32, #tpu.memory_space<hbm>> -> memref<512xf32, #tpu.memory_space<hbm>>
    %dma_start3A_163 = arith.constant 4096 : i32
    %dma_start3A_164 = tpu.memref_slice %arg22[%dma_start3A_163] : memref<16384xf32, #tpu.memory_space<vmem>> -> memref<512xf32, #tpu.memory_space<vmem>>
    tpu.enqueue_dma source(%dma_start3A_164 : memref<512xf32, #tpu.memory_space<vmem>>) target(%dma_start3A_162 : memref<512xf32, #tpu.memory_space<hbm>>) target_semaphore(%arg25 : memref<!tpu.dma_semaphore, #tpu.memory_space<semaphore_mem>>)
    %add3A_165 = arith.constant 147456 : i32
    %add3A_166 = arith.addi %add3A_165, %mul3A_2 : i32
    %dma_start3A_167 = arith.constant 4608 : i32
    %dma_start3A_168 = tpu.memref_slice %arg22[%dma_start3A_167] : memref<16384xf32, #tpu.memory_space<vmem>> -> memref<512xf32, #tpu.memory_space<vmem>>
    %dma_start3A_169 = tpu.memref_slice %arg4[%add3A_166] : memref<524288xf32, #tpu.memory_space<hbm>> -> memref<512xf32, #tpu.memory_space<hbm>>
    %dma_start3A_170 = tpu.memref_slice %arg4[%add3A_166] : memref<524288xf32, #tpu.memory_space<hbm>> -> memref<512xf32, #tpu.memory_space<hbm>>
    %dma_start3A_171 = arith.constant 4608 : i32
    %dma_start3A_172 = tpu.memref_slice %arg22[%dma_start3A_171] : memref<16384xf32, #tpu.memory_space<vmem>> -> memref<512xf32, #tpu.memory_space<vmem>>
    tpu.enqueue_dma source(%dma_start3A_172 : memref<512xf32, #tpu.memory_space<vmem>>) target(%dma_start3A_170 : memref<512xf32, #tpu.memory_space<hbm>>) target_semaphore(%arg25 : memref<!tpu.dma_semaphore, #tpu.memory_space<semaphore_mem>>)
    %add3A_173 = arith.constant 163840 : i32
    %add3A_174 = arith.addi %add3A_173, %mul3A_2 : i32
    %dma_start3A_175 = arith.constant 5120 : i32
    %dma_start3A_176 = tpu.memref_slice %arg22[%dma_start3A_175] : memref<16384xf32, #tpu.memory_space<vmem>> -> memref<512xf32, #tpu.memory_space<vmem>>
    %dma_start3A_177 = tpu.memref_slice %arg4[%add3A_174] : memref<524288xf32, #tpu.memory_space<hbm>> -> memref<512xf32, #tpu.memory_space<hbm>>
    %dma_start3A_178 = tpu.memref_slice %arg4[%add3A_174] : memref<524288xf32, #tpu.memory_space<hbm>> -> memref<512xf32, #tpu.memory_space<hbm>>
    %dma_start3A_179 = arith.constant 5120 : i32
    %dma_start3A_180 = tpu.memref_slice %arg22[%dma_start3A_179] : memref<16384xf32, #tpu.memory_space<vmem>> -> memref<512xf32, #tpu.memory_space<vmem>>
    tpu.enqueue_dma source(%dma_start3A_180 : memref<512xf32, #tpu.memory_space<vmem>>) target(%dma_start3A_178 : memref<512xf32, #tpu.memory_space<hbm>>) target_semaphore(%arg25 : memref<!tpu.dma_semaphore, #tpu.memory_space<semaphore_mem>>)
    %add3A_181 = arith.constant 180224 : i32
    %add3A_182 = arith.addi %add3A_181, %mul3A_2 : i32
    %dma_start3A_183 = arith.constant 5632 : i32
    %dma_start3A_184 = tpu.memref_slice %arg22[%dma_start3A_183] : memref<16384xf32, #tpu.memory_space<vmem>> -> memref<512xf32, #tpu.memory_space<vmem>>
    %dma_start3A_185 = tpu.memref_slice %arg4[%add3A_182] : memref<524288xf32, #tpu.memory_space<hbm>> -> memref<512xf32, #tpu.memory_space<hbm>>
    %dma_start3A_186 = tpu.memref_slice %arg4[%add3A_182] : memref<524288xf32, #tpu.memory_space<hbm>> -> memref<512xf32, #tpu.memory_space<hbm>>
    %dma_start3A_187 = arith.constant 5632 : i32
    %dma_start3A_188 = tpu.memref_slice %arg22[%dma_start3A_187] : memref<16384xf32, #tpu.memory_space<vmem>> -> memref<512xf32, #tpu.memory_space<vmem>>
    tpu.enqueue_dma source(%dma_start3A_188 : memref<512xf32, #tpu.memory_space<vmem>>) target(%dma_start3A_186 : memref<512xf32, #tpu.memory_space<hbm>>) target_semaphore(%arg25 : memref<!tpu.dma_semaphore, #tpu.memory_space<semaphore_mem>>)
    %add3A_189 = arith.constant 196608 : i32
    %add3A_190 = arith.addi %add3A_189, %mul3A_2 : i32
    %dma_start3A_191 = arith.constant 6144 : i32
    %dma_start3A_192 = tpu.memref_slice %arg22[%dma_start3A_191] : memref<16384xf32, #tpu.memory_space<vmem>> -> memref<512xf32, #tpu.memory_space<vmem>>
    %dma_start3A_193 = tpu.memref_slice %arg4[%add3A_190] : memref<524288xf32, #tpu.memory_space<hbm>> -> memref<512xf32, #tpu.memory_space<hbm>>
    %dma_start3A_194 = tpu.memref_slice %arg4[%add3A_190] : memref<524288xf32, #tpu.memory_space<hbm>> -> memref<512xf32, #tpu.memory_space<hbm>>
    %dma_start3A_195 = arith.constant 6144 : i32
    %dma_start3A_196 = tpu.memref_slice %arg22[%dma_start3A_195] : memref<16384xf32, #tpu.memory_space<vmem>> -> memref<512xf32, #tpu.memory_space<vmem>>
    tpu.enqueue_dma source(%dma_start3A_196 : memref<512xf32, #tpu.memory_space<vmem>>) target(%dma_start3A_194 : memref<512xf32, #tpu.memory_space<hbm>>) target_semaphore(%arg25 : memref<!tpu.dma_semaphore, #tpu.memory_space<semaphore_mem>>)
    %add3A_197 = arith.constant 212992 : i32
    %add3A_198 = arith.addi %add3A_197, %mul3A_2 : i32
    %dma_start3A_199 = arith.constant 6656 : i32
    %dma_start3A_200 = tpu.memref_slice %arg22[%dma_start3A_199] : memref<16384xf32, #tpu.memory_space<vmem>> -> memref<512xf32, #tpu.memory_space<vmem>>
    %dma_start3A_201 = tpu.memref_slice %arg4[%add3A_198] : memref<524288xf32, #tpu.memory_space<hbm>> -> memref<512xf32, #tpu.memory_space<hbm>>
    %dma_start3A_202 = tpu.memref_slice %arg4[%add3A_198] : memref<524288xf32, #tpu.memory_space<hbm>> -> memref<512xf32, #tpu.memory_space<hbm>>
    %dma_start3A_203 = arith.constant 6656 : i32
    %dma_start3A_204 = tpu.memref_slice %arg22[%dma_start3A_203] : memref<16384xf32, #tpu.memory_space<vmem>> -> memref<512xf32, #tpu.memory_space<vmem>>
    tpu.enqueue_dma source(%dma_start3A_204 : memref<512xf32, #tpu.memory_space<vmem>>) target(%dma_start3A_202 : memref<512xf32, #tpu.memory_space<hbm>>) target_semaphore(%arg25 : memref<!tpu.dma_semaphore, #tpu.memory_space<semaphore_mem>>)
    %add3A_205 = arith.constant 229376 : i32
    %add3A_206 = arith.addi %add3A_205, %mul3A_2 : i32
    %dma_start3A_207 = arith.constant 7168 : i32
    %dma_start3A_208 = tpu.memref_slice %arg22[%dma_start3A_207] : memref<16384xf32, #tpu.memory_space<vmem>> -> memref<512xf32, #tpu.memory_space<vmem>>
    %dma_start3A_209 = tpu.memref_slice %arg4[%add3A_206] : memref<524288xf32, #tpu.memory_space<hbm>> -> memref<512xf32, #tpu.memory_space<hbm>>
    %dma_start3A_210 = tpu.memref_slice %arg4[%add3A_206] : memref<524288xf32, #tpu.memory_space<hbm>> -> memref<512xf32, #tpu.memory_space<hbm>>
    %dma_start3A_211 = arith.constant 7168 : i32
    %dma_start3A_212 = tpu.memref_slice %arg22[%dma_start3A_211] : memref<16384xf32, #tpu.memory_space<vmem>> -> memref<512xf32, #tpu.memory_space<vmem>>
    tpu.enqueue_dma source(%dma_start3A_212 : memref<512xf32, #tpu.memory_space<vmem>>) target(%dma_start3A_210 : memref<512xf32, #tpu.memory_space<hbm>>) target_semaphore(%arg25 : memref<!tpu.dma_semaphore, #tpu.memory_space<semaphore_mem>>)
    %add3A_213 = arith.constant 245760 : i32
    %add3A_214 = arith.addi %add3A_213, %mul3A_2 : i32
    %dma_start3A_215 = arith.constant 7680 : i32
    %dma_start3A_216 = tpu.memref_slice %arg22[%dma_start3A_215] : memref<16384xf32, #tpu.memory_space<vmem>> -> memref<512xf32, #tpu.memory_space<vmem>>
    %dma_start3A_217 = tpu.memref_slice %arg4[%add3A_214] : memref<524288xf32, #tpu.memory_space<hbm>> -> memref<512xf32, #tpu.memory_space<hbm>>
    %dma_start3A_218 = tpu.memref_slice %arg4[%add3A_214] : memref<524288xf32, #tpu.memory_space<hbm>> -> memref<512xf32, #tpu.memory_space<hbm>>
    %dma_start3A_219 = arith.constant 7680 : i32
    %dma_start3A_220 = tpu.memref_slice %arg22[%dma_start3A_219] : memref<16384xf32, #tpu.memory_space<vmem>> -> memref<512xf32, #tpu.memory_space<vmem>>
    tpu.enqueue_dma source(%dma_start3A_220 : memref<512xf32, #tpu.memory_space<vmem>>) target(%dma_start3A_218 : memref<512xf32, #tpu.memory_space<hbm>>) target_semaphore(%arg25 : memref<!tpu.dma_semaphore, #tpu.memory_space<semaphore_mem>>)
    %add3A_221 = arith.constant 262144 : i32
    %add3A_222 = arith.addi %add3A_221, %mul3A_2 : i32
    %dma_start3A_223 = arith.constant 8192 : i32
    %dma_start3A_224 = tpu.memref_slice %arg22[%dma_start3A_223] : memref<16384xf32, #tpu.memory_space<vmem>> -> memref<512xf32, #tpu.memory_space<vmem>>
    %dma_start3A_225 = tpu.memref_slice %arg4[%add3A_222] : memref<524288xf32, #tpu.memory_space<hbm>> -> memref<512xf32, #tpu.memory_space<hbm>>
    %dma_start3A_226 = tpu.memref_slice %arg4[%add3A_222] : memref<524288xf32, #tpu.memory_space<hbm>> -> memref<512xf32, #tpu.memory_space<hbm>>
    %dma_start3A_227 = arith.constant 8192 : i32
    %dma_start3A_228 = tpu.memref_slice %arg22[%dma_start3A_227] : memref<16384xf32, #tpu.memory_space<vmem>> -> memref<512xf32, #tpu.memory_space<vmem>>
    tpu.enqueue_dma source(%dma_start3A_228 : memref<512xf32, #tpu.memory_space<vmem>>) target(%dma_start3A_226 : memref<512xf32, #tpu.memory_space<hbm>>) target_semaphore(%arg25 : memref<!tpu.dma_semaphore, #tpu.memory_space<semaphore_mem>>)
    %add3A_229 = arith.constant 278528 : i32
    %add3A_230 = arith.addi %add3A_229, %mul3A_2 : i32
    %dma_start3A_231 = arith.constant 8704 : i32
    %dma_start3A_232 = tpu.memref_slice %arg22[%dma_start3A_231] : memref<16384xf32, #tpu.memory_space<vmem>> -> memref<512xf32, #tpu.memory_space<vmem>>
    %dma_start3A_233 = tpu.memref_slice %arg4[%add3A_230] : memref<524288xf32, #tpu.memory_space<hbm>> -> memref<512xf32, #tpu.memory_space<hbm>>
    %dma_start3A_234 = tpu.memref_slice %arg4[%add3A_230] : memref<524288xf32, #tpu.memory_space<hbm>> -> memref<512xf32, #tpu.memory_space<hbm>>
    %dma_start3A_235 = arith.constant 8704 : i32
    %dma_start3A_236 = tpu.memref_slice %arg22[%dma_start3A_235] : memref<16384xf32, #tpu.memory_space<vmem>> -> memref<512xf32, #tpu.memory_space<vmem>>
    tpu.enqueue_dma source(%dma_start3A_236 : memref<512xf32, #tpu.memory_space<vmem>>) target(%dma_start3A_234 : memref<512xf32, #tpu.memory_space<hbm>>) target_semaphore(%arg25 : memref<!tpu.dma_semaphore, #tpu.memory_space<semaphore_mem>>)
    %add3A_237 = arith.constant 294912 : i32
    %add3A_238 = arith.addi %add3A_237, %mul3A_2 : i32
    %dma_start3A_239 = arith.constant 9216 : i32
    %dma_start3A_240 = tpu.memref_slice %arg22[%dma_start3A_239] : memref<16384xf32, #tpu.memory_space<vmem>> -> memref<512xf32, #tpu.memory_space<vmem>>
    %dma_start3A_241 = tpu.memref_slice %arg4[%add3A_238] : memref<524288xf32, #tpu.memory_space<hbm>> -> memref<512xf32, #tpu.memory_space<hbm>>
    %dma_start3A_242 = tpu.memref_slice %arg4[%add3A_238] : memref<524288xf32, #tpu.memory_space<hbm>> -> memref<512xf32, #tpu.memory_space<hbm>>
    %dma_start3A_243 = arith.constant 9216 : i32
    %dma_start3A_244 = tpu.memref_slice %arg22[%dma_start3A_243] : memref<16384xf32, #tpu.memory_space<vmem>> -> memref<512xf32, #tpu.memory_space<vmem>>
    tpu.enqueue_dma source(%dma_start3A_244 : memref<512xf32, #tpu.memory_space<vmem>>) target(%dma_start3A_242 : memref<512xf32, #tpu.memory_space<hbm>>) target_semaphore(%arg25 : memref<!tpu.dma_semaphore, #tpu.memory_space<semaphore_mem>>)
    %add3A_245 = arith.constant 311296 : i32
    %add3A_246 = arith.addi %add3A_245, %mul3A_2 : i32
    %dma_start3A_247 = arith.constant 9728 : i32
    %dma_start3A_248 = tpu.memref_slice %arg22[%dma_start3A_247] : memref<16384xf32, #tpu.memory_space<vmem>> -> memref<512xf32, #tpu.memory_space<vmem>>
    %dma_start3A_249 = tpu.memref_slice %arg4[%add3A_246] : memref<524288xf32, #tpu.memory_space<hbm>> -> memref<512xf32, #tpu.memory_space<hbm>>
    %dma_start3A_250 = tpu.memref_slice %arg4[%add3A_246] : memref<524288xf32, #tpu.memory_space<hbm>> -> memref<512xf32, #tpu.memory_space<hbm>>
    %dma_start3A_251 = arith.constant 9728 : i32
    %dma_start3A_252 = tpu.memref_slice %arg22[%dma_start3A_251] : memref<16384xf32, #tpu.memory_space<vmem>> -> memref<512xf32, #tpu.memory_space<vmem>>
    tpu.enqueue_dma source(%dma_start3A_252 : memref<512xf32, #tpu.memory_space<vmem>>) target(%dma_start3A_250 : memref<512xf32, #tpu.memory_space<hbm>>) target_semaphore(%arg25 : memref<!tpu.dma_semaphore, #tpu.memory_space<semaphore_mem>>)
    %add3A_253 = arith.constant 327680 : i32
    %add3A_254 = arith.addi %add3A_253, %mul3A_2 : i32
    %dma_start3A_255 = arith.constant 10240 : i32
    %dma_start3A_256 = tpu.memref_slice %arg22[%dma_start3A_255] : memref<16384xf32, #tpu.memory_space<vmem>> -> memref<512xf32, #tpu.memory_space<vmem>>
    %dma_start3A_257 = tpu.memref_slice %arg4[%add3A_254] : memref<524288xf32, #tpu.memory_space<hbm>> -> memref<512xf32, #tpu.memory_space<hbm>>
    %dma_start3A_258 = tpu.memref_slice %arg4[%add3A_254] : memref<524288xf32, #tpu.memory_space<hbm>> -> memref<512xf32, #tpu.memory_space<hbm>>
    %dma_start3A_259 = arith.constant 10240 : i32
    %dma_start3A_260 = tpu.memref_slice %arg22[%dma_start3A_259] : memref<16384xf32, #tpu.memory_space<vmem>> -> memref<512xf32, #tpu.memory_space<vmem>>
    tpu.enqueue_dma source(%dma_start3A_260 : memref<512xf32, #tpu.memory_space<vmem>>) target(%dma_start3A_258 : memref<512xf32, #tpu.memory_space<hbm>>) target_semaphore(%arg25 : memref<!tpu.dma_semaphore, #tpu.memory_space<semaphore_mem>>)
    %add3A_261 = arith.constant 344064 : i32
    %add3A_262 = arith.addi %add3A_261, %mul3A_2 : i32
    %dma_start3A_263 = arith.constant 10752 : i32
    %dma_start3A_264 = tpu.memref_slice %arg22[%dma_start3A_263] : memref<16384xf32, #tpu.memory_space<vmem>> -> memref<512xf32, #tpu.memory_space<vmem>>
    %dma_start3A_265 = tpu.memref_slice %arg4[%add3A_262] : memref<524288xf32, #tpu.memory_space<hbm>> -> memref<512xf32, #tpu.memory_space<hbm>>
    %dma_start3A_266 = tpu.memref_slice %arg4[%add3A_262] : memref<524288xf32, #tpu.memory_space<hbm>> -> memref<512xf32, #tpu.memory_space<hbm>>
    %dma_start3A_267 = arith.constant 10752 : i32
    %dma_start3A_268 = tpu.memref_slice %arg22[%dma_start3A_267] : memref<16384xf32, #tpu.memory_space<vmem>> -> memref<512xf32, #tpu.memory_space<vmem>>
    tpu.enqueue_dma source(%dma_start3A_268 : memref<512xf32, #tpu.memory_space<vmem>>) target(%dma_start3A_266 : memref<512xf32, #tpu.memory_space<hbm>>) target_semaphore(%arg25 : memref<!tpu.dma_semaphore, #tpu.memory_space<semaphore_mem>>)
    %add3A_269 = arith.constant 360448 : i32
    %add3A_270 = arith.addi %add3A_269, %mul3A_2 : i32
    %dma_start3A_271 = arith.constant 11264 : i32
    %dma_start3A_272 = tpu.memref_slice %arg22[%dma_start3A_271] : memref<16384xf32, #tpu.memory_space<vmem>> -> memref<512xf32, #tpu.memory_space<vmem>>
    %dma_start3A_273 = tpu.memref_slice %arg4[%add3A_270] : memref<524288xf32, #tpu.memory_space<hbm>> -> memref<512xf32, #tpu.memory_space<hbm>>
    %dma_start3A_274 = tpu.memref_slice %arg4[%add3A_270] : memref<524288xf32, #tpu.memory_space<hbm>> -> memref<512xf32, #tpu.memory_space<hbm>>
    %dma_start3A_275 = arith.constant 11264 : i32
    %dma_start3A_276 = tpu.memref_slice %arg22[%dma_start3A_275] : memref<16384xf32, #tpu.memory_space<vmem>> -> memref<512xf32, #tpu.memory_space<vmem>>
    tpu.enqueue_dma source(%dma_start3A_276 : memref<512xf32, #tpu.memory_space<vmem>>) target(%dma_start3A_274 : memref<512xf32, #tpu.memory_space<hbm>>) target_semaphore(%arg25 : memref<!tpu.dma_semaphore, #tpu.memory_space<semaphore_mem>>)
    %add3A_277 = arith.constant 376832 : i32
    %add3A_278 = arith.addi %add3A_277, %mul3A_2 : i32
    %dma_start3A_279 = arith.constant 11776 : i32
    %dma_start3A_280 = tpu.memref_slice %arg22[%dma_start3A_279] : memref<16384xf32, #tpu.memory_space<vmem>> -> memref<512xf32, #tpu.memory_space<vmem>>
    %dma_start3A_281 = tpu.memref_slice %arg4[%add3A_278] : memref<524288xf32, #tpu.memory_space<hbm>> -> memref<512xf32, #tpu.memory_space<hbm>>
    %dma_start3A_282 = tpu.memref_slice %arg4[%add3A_278] : memref<524288xf32, #tpu.memory_space<hbm>> -> memref<512xf32, #tpu.memory_space<hbm>>
    %dma_start3A_283 = arith.constant 11776 : i32
    %dma_start3A_284 = tpu.memref_slice %arg22[%dma_start3A_283] : memref<16384xf32, #tpu.memory_space<vmem>> -> memref<512xf32, #tpu.memory_space<vmem>>
    tpu.enqueue_dma source(%dma_start3A_284 : memref<512xf32, #tpu.memory_space<vmem>>) target(%dma_start3A_282 : memref<512xf32, #tpu.memory_space<hbm>>) target_semaphore(%arg25 : memref<!tpu.dma_semaphore, #tpu.memory_space<semaphore_mem>>)
    %add3A_285 = arith.constant 393216 : i32
    %add3A_286 = arith.addi %add3A_285, %mul3A_2 : i32
    %dma_start3A_287 = arith.constant 12288 : i32
    %dma_start3A_288 = tpu.memref_slice %arg22[%dma_start3A_287] : memref<16384xf32, #tpu.memory_space<vmem>> -> memref<512xf32, #tpu.memory_space<vmem>>
    %dma_start3A_289 = tpu.memref_slice %arg4[%add3A_286] : memref<524288xf32, #tpu.memory_space<hbm>> -> memref<512xf32, #tpu.memory_space<hbm>>
    %dma_start3A_290 = tpu.memref_slice %arg4[%add3A_286] : memref<524288xf32, #tpu.memory_space<hbm>> -> memref<512xf32, #tpu.memory_space<hbm>>
    %dma_start3A_291 = arith.constant 12288 : i32
    %dma_start3A_292 = tpu.memref_slice %arg22[%dma_start3A_291] : memref<16384xf32, #tpu.memory_space<vmem>> -> memref<512xf32, #tpu.memory_space<vmem>>
    tpu.enqueue_dma source(%dma_start3A_292 : memref<512xf32, #tpu.memory_space<vmem>>) target(%dma_start3A_290 : memref<512xf32, #tpu.memory_space<hbm>>) target_semaphore(%arg25 : memref<!tpu.dma_semaphore, #tpu.memory_space<semaphore_mem>>)
    %add3A_293 = arith.constant 409600 : i32
    %add3A_294 = arith.addi %add3A_293, %mul3A_2 : i32
    %dma_start3A_295 = arith.constant 12800 : i32
    %dma_start3A_296 = tpu.memref_slice %arg22[%dma_start3A_295] : memref<16384xf32, #tpu.memory_space<vmem>> -> memref<512xf32, #tpu.memory_space<vmem>>
    %dma_start3A_297 = tpu.memref_slice %arg4[%add3A_294] : memref<524288xf32, #tpu.memory_space<hbm>> -> memref<512xf32, #tpu.memory_space<hbm>>
    %dma_start3A_298 = tpu.memref_slice %arg4[%add3A_294] : memref<524288xf32, #tpu.memory_space<hbm>> -> memref<512xf32, #tpu.memory_space<hbm>>
    %dma_start3A_299 = arith.constant 12800 : i32
    %dma_start3A_300 = tpu.memref_slice %arg22[%dma_start3A_299] : memref<16384xf32, #tpu.memory_space<vmem>> -> memref<512xf32, #tpu.memory_space<vmem>>
    tpu.enqueue_dma source(%dma_start3A_300 : memref<512xf32, #tpu.memory_space<vmem>>) target(%dma_start3A_298 : memref<512xf32, #tpu.memory_space<hbm>>) target_semaphore(%arg25 : memref<!tpu.dma_semaphore, #tpu.memory_space<semaphore_mem>>)
    %add3A_301 = arith.constant 425984 : i32
    %add3A_302 = arith.addi %add3A_301, %mul3A_2 : i32
    %dma_start3A_303 = arith.constant 13312 : i32
    %dma_start3A_304 = tpu.memref_slice %arg22[%dma_start3A_303] : memref<16384xf32, #tpu.memory_space<vmem>> -> memref<512xf32, #tpu.memory_space<vmem>>
    %dma_start3A_305 = tpu.memref_slice %arg4[%add3A_302] : memref<524288xf32, #tpu.memory_space<hbm>> -> memref<512xf32, #tpu.memory_space<hbm>>
    %dma_start3A_306 = tpu.memref_slice %arg4[%add3A_302] : memref<524288xf32, #tpu.memory_space<hbm>> -> memref<512xf32, #tpu.memory_space<hbm>>
    %dma_start3A_307 = arith.constant 13312 : i32
    %dma_start3A_308 = tpu.memref_slice %arg22[%dma_start3A_307] : memref<16384xf32, #tpu.memory_space<vmem>> -> memref<512xf32, #tpu.memory_space<vmem>>
    tpu.enqueue_dma source(%dma_start3A_308 : memref<512xf32, #tpu.memory_space<vmem>>) target(%dma_start3A_306 : memref<512xf32, #tpu.memory_space<hbm>>) target_semaphore(%arg25 : memref<!tpu.dma_semaphore, #tpu.memory_space<semaphore_mem>>)
    %add3A_309 = arith.constant 442368 : i32
    %add3A_310 = arith.addi %add3A_309, %mul3A_2 : i32
    %dma_start3A_311 = arith.constant 13824 : i32
    %dma_start3A_312 = tpu.memref_slice %arg22[%dma_start3A_311] : memref<16384xf32, #tpu.memory_space<vmem>> -> memref<512xf32, #tpu.memory_space<vmem>>
    %dma_start3A_313 = tpu.memref_slice %arg4[%add3A_310] : memref<524288xf32, #tpu.memory_space<hbm>> -> memref<512xf32, #tpu.memory_space<hbm>>
    %dma_start3A_314 = tpu.memref_slice %arg4[%add3A_310] : memref<524288xf32, #tpu.memory_space<hbm>> -> memref<512xf32, #tpu.memory_space<hbm>>
    %dma_start3A_315 = arith.constant 13824 : i32
    %dma_start3A_316 = tpu.memref_slice %arg22[%dma_start3A_315] : memref<16384xf32, #tpu.memory_space<vmem>> -> memref<512xf32, #tpu.memory_space<vmem>>
    tpu.enqueue_dma source(%dma_start3A_316 : memref<512xf32, #tpu.memory_space<vmem>>) target(%dma_start3A_314 : memref<512xf32, #tpu.memory_space<hbm>>) target_semaphore(%arg25 : memref<!tpu.dma_semaphore, #tpu.memory_space<semaphore_mem>>)
    %add3A_317 = arith.constant 458752 : i32
    %add3A_318 = arith.addi %add3A_317, %mul3A_2 : i32
    %dma_start3A_319 = arith.constant 14336 : i32
    %dma_start3A_320 = tpu.memref_slice %arg22[%dma_start3A_319] : memref<16384xf32, #tpu.memory_space<vmem>> -> memref<512xf32, #tpu.memory_space<vmem>>
    %dma_start3A_321 = tpu.memref_slice %arg4[%add3A_318] : memref<524288xf32, #tpu.memory_space<hbm>> -> memref<512xf32, #tpu.memory_space<hbm>>
    %dma_start3A_322 = tpu.memref_slice %arg4[%add3A_318] : memref<524288xf32, #tpu.memory_space<hbm>> -> memref<512xf32, #tpu.memory_space<hbm>>
    %dma_start3A_323 = arith.constant 14336 : i32
    %dma_start3A_324 = tpu.memref_slice %arg22[%dma_start3A_323] : memref<16384xf32, #tpu.memory_space<vmem>> -> memref<512xf32, #tpu.memory_space<vmem>>
    tpu.enqueue_dma source(%dma_start3A_324 : memref<512xf32, #tpu.memory_space<vmem>>) target(%dma_start3A_322 : memref<512xf32, #tpu.memory_space<hbm>>) target_semaphore(%arg25 : memref<!tpu.dma_semaphore, #tpu.memory_space<semaphore_mem>>)
    %add3A_325 = arith.constant 475136 : i32
    %add3A_326 = arith.addi %add3A_325, %mul3A_2 : i32
    %dma_start3A_327 = arith.constant 14848 : i32
    %dma_start3A_328 = tpu.memref_slice %arg22[%dma_start3A_327] : memref<16384xf32, #tpu.memory_space<vmem>> -> memref<512xf32, #tpu.memory_space<vmem>>
    %dma_start3A_329 = tpu.memref_slice %arg4[%add3A_326] : memref<524288xf32, #tpu.memory_space<hbm>> -> memref<512xf32, #tpu.memory_space<hbm>>
    %dma_start3A_330 = tpu.memref_slice %arg4[%add3A_326] : memref<524288xf32, #tpu.memory_space<hbm>> -> memref<512xf32, #tpu.memory_space<hbm>>
    %dma_start3A_331 = arith.constant 14848 : i32
    %dma_start3A_332 = tpu.memref_slice %arg22[%dma_start3A_331] : memref<16384xf32, #tpu.memory_space<vmem>> -> memref<512xf32, #tpu.memory_space<vmem>>
    tpu.enqueue_dma source(%dma_start3A_332 : memref<512xf32, #tpu.memory_space<vmem>>) target(%dma_start3A_330 : memref<512xf32, #tpu.memory_space<hbm>>) target_semaphore(%arg25 : memref<!tpu.dma_semaphore, #tpu.memory_space<semaphore_mem>>)
    %add3A_333 = arith.constant 491520 : i32
    %add3A_334 = arith.addi %add3A_333, %mul3A_2 : i32
    %dma_start3A_335 = arith.constant 15360 : i32
    %dma_start3A_336 = tpu.memref_slice %arg22[%dma_start3A_335] : memref<16384xf32, #tpu.memory_space<vmem>> -> memref<512xf32, #tpu.memory_space<vmem>>
    %dma_start3A_337 = tpu.memref_slice %arg4[%add3A_334] : memref<524288xf32, #tpu.memory_space<hbm>> -> memref<512xf32, #tpu.memory_space<hbm>>
    %dma_start3A_338 = tpu.memref_slice %arg4[%add3A_334] : memref<524288xf32, #tpu.memory_space<hbm>> -> memref<512xf32, #tpu.memory_space<hbm>>
    %dma_start3A_339 = arith.constant 15360 : i32
    %dma_start3A_340 = tpu.memref_slice %arg22[%dma_start3A_339] : memref<16384xf32, #tpu.memory_space<vmem>> -> memref<512xf32, #tpu.memory_space<vmem>>
    tpu.enqueue_dma source(%dma_start3A_340 : memref<512xf32, #tpu.memory_space<vmem>>) target(%dma_start3A_338 : memref<512xf32, #tpu.memory_space<hbm>>) target_semaphore(%arg25 : memref<!tpu.dma_semaphore, #tpu.memory_space<semaphore_mem>>)
    %add3A_341 = arith.constant 507904 : i32
    %add3A_342 = arith.addi %add3A_341, %mul3A_2 : i32
    %dma_start3A_343 = arith.constant 15872 : i32
    %dma_start3A_344 = tpu.memref_slice %arg22[%dma_start3A_343] : memref<16384xf32, #tpu.memory_space<vmem>> -> memref<512xf32, #tpu.memory_space<vmem>>
    %dma_start3A_345 = tpu.memref_slice %arg4[%add3A_342] : memref<524288xf32, #tpu.memory_space<hbm>> -> memref<512xf32, #tpu.memory_space<hbm>>
    %dma_start3A_346 = tpu.memref_slice %arg4[%add3A_342] : memref<524288xf32, #tpu.memory_space<hbm>> -> memref<512xf32, #tpu.memory_space<hbm>>
    %dma_start3A_347 = arith.constant 15872 : i32
    %dma_start3A_348 = tpu.memref_slice %arg22[%dma_start3A_347] : memref<16384xf32, #tpu.memory_space<vmem>> -> memref<512xf32, #tpu.memory_space<vmem>>
    tpu.enqueue_dma source(%dma_start3A_348 : memref<512xf32, #tpu.memory_space<vmem>>) target(%dma_start3A_346 : memref<512xf32, #tpu.memory_space<hbm>>) target_semaphore(%arg25 : memref<!tpu.dma_semaphore, #tpu.memory_space<semaphore_mem>>)
    %dma_wait3A = arith.constant 0 : i32
    %dma_wait3A_349 = tpu.memref_slice %arg22[%dma_wait3A] : memref<16384xf32, #tpu.memory_space<vmem>> -> memref<512xf32, #tpu.memory_space<vmem>>
    %dma_wait3A_350 = tpu.memref_slice %arg4[%mul3A_2] : memref<524288xf32, #tpu.memory_space<hbm>> -> memref<512xf32, #tpu.memory_space<hbm>>
    %dma_wait3A_351 = tpu.memref_slice %arg4[%mul3A_2] : memref<524288xf32, #tpu.memory_space<hbm>> -> memref<512xf32, #tpu.memory_space<hbm>>
    %dma_wait3A_352 = arith.constant 0 : i32
    %dma_wait3A_353 = tpu.memref_slice %arg22[%dma_wait3A_352] : memref<16384xf32, #tpu.memory_space<vmem>> -> memref<512xf32, #tpu.memory_space<vmem>>
    tpu.wait_dma2 semaphore(%arg25 : memref<!tpu.dma_semaphore, #tpu.memory_space<semaphore_mem>>) src(%dma_wait3A_353 : memref<512xf32, #tpu.memory_space<vmem>>) dst(%dma_wait3A_351 : memref<512xf32, #tpu.memory_space<hbm>>)
    %dma_wait3A_354 = arith.constant 0 : i32
    %dma_wait3A_355 = tpu.memref_slice %arg22[%dma_wait3A_354] : memref<16384xf32, #tpu.memory_space<vmem>> -> memref<512xf32, #tpu.memory_space<vmem>>
    %dma_wait3A_356 = tpu.memref_slice %arg4[%mul3A_2] : memref<524288xf32, #tpu.memory_space<hbm>> -> memref<512xf32, #tpu.memory_space<hbm>>
    %dma_wait3A_357 = tpu.memref_slice %arg4[%mul3A_2] : memref<524288xf32, #tpu.memory_space<hbm>> -> memref<512xf32, #tpu.memory_space<hbm>>
    %dma_wait3A_358 = arith.constant 0 : i32
    %dma_wait3A_359 = tpu.memref_slice %arg22[%dma_wait3A_358] : memref<16384xf32, #tpu.memory_space<vmem>> -> memref<512xf32, #tpu.memory_space<vmem>>
    tpu.wait_dma2 semaphore(%arg25 : memref<!tpu.dma_semaphore, #tpu.memory_space<semaphore_mem>>) src(%dma_wait3A_359 : memref<512xf32, #tpu.memory_space<vmem>>) dst(%dma_wait3A_357 : memref<512xf32, #tpu.memory_space<hbm>>)
    %dma_wait3A_360 = arith.constant 0 : i32
    %dma_wait3A_361 = tpu.memref_slice %arg22[%dma_wait3A_360] : memref<16384xf32, #tpu.memory_space<vmem>> -> memref<512xf32, #tpu.memory_space<vmem>>
    %dma_wait3A_362 = tpu.memref_slice %arg4[%mul3A_2] : memref<524288xf32, #tpu.memory_space<hbm>> -> memref<512xf32, #tpu.memory_space<hbm>>
    %dma_wait3A_363 = tpu.memref_slice %arg4[%mul3A_2] : memref<524288xf32, #tpu.memory_space<hbm>> -> memref<512xf32, #tpu.memory_space<hbm>>
    %dma_wait3A_364 = arith.constant 0 : i32
    %dma_wait3A_365 = tpu.memref_slice %arg22[%dma_wait3A_364] : memref<16384xf32, #tpu.memory_space<vmem>> -> memref<512xf32, #tpu.memory_space<vmem>>
    tpu.wait_dma2 semaphore(%arg25 : memref<!tpu.dma_semaphore, #tpu.memory_space<semaphore_mem>>) src(%dma_wait3A_365 : memref<512xf32, #tpu.memory_space<vmem>>) dst(%dma_wait3A_363 : memref<512xf32, #tpu.memory_space<hbm>>)
    %dma_wait3A_366 = arith.constant 0 : i32
    %dma_wait3A_367 = tpu.memref_slice %arg22[%dma_wait3A_366] : memref<16384xf32, #tpu.memory_space<vmem>> -> memref<512xf32, #tpu.memory_space<vmem>>
    %dma_wait3A_368 = tpu.memref_slice %arg4[%mul3A_2] : memref<524288xf32, #tpu.memory_space<hbm>> -> memref<512xf32, #tpu.memory_space<hbm>>
    %dma_wait3A_369 = tpu.memref_slice %arg4[%mul3A_2] : memref<524288xf32, #tpu.memory_space<hbm>> -> memref<512xf32, #tpu.memory_space<hbm>>
    %dma_wait3A_370 = arith.constant 0 : i32
    %dma_wait3A_371 = tpu.memref_slice %arg22[%dma_wait3A_370] : memref<16384xf32, #tpu.memory_space<vmem>> -> memref<512xf32, #tpu.memory_space<vmem>>
    tpu.wait_dma2 semaphore(%arg25 : memref<!tpu.dma_semaphore, #tpu.memory_space<semaphore_mem>>) src(%dma_wait3A_371 : memref<512xf32, #tpu.memory_space<vmem>>) dst(%dma_wait3A_369 : memref<512xf32, #tpu.memory_space<hbm>>)
    %dma_wait3A_372 = arith.constant 0 : i32
    %dma_wait3A_373 = tpu.memref_slice %arg22[%dma_wait3A_372] : memref<16384xf32, #tpu.memory_space<vmem>> -> memref<512xf32, #tpu.memory_space<vmem>>
    %dma_wait3A_374 = tpu.memref_slice %arg4[%mul3A_2] : memref<524288xf32, #tpu.memory_space<hbm>> -> memref<512xf32, #tpu.memory_space<hbm>>
    %dma_wait3A_375 = tpu.memref_slice %arg4[%mul3A_2] : memref<524288xf32, #tpu.memory_space<hbm>> -> memref<512xf32, #tpu.memory_space<hbm>>
    %dma_wait3A_376 = arith.constant 0 : i32
    %dma_wait3A_377 = tpu.memref_slice %arg22[%dma_wait3A_376] : memref<16384xf32, #tpu.memory_space<vmem>> -> memref<512xf32, #tpu.memory_space<vmem>>
    tpu.wait_dma2 semaphore(%arg25 : memref<!tpu.dma_semaphore, #tpu.memory_space<semaphore_mem>>) src(%dma_wait3A_377 : memref<512xf32, #tpu.memory_space<vmem>>) dst(%dma_wait3A_375 : memref<512xf32, #tpu.memory_space<hbm>>)
    %dma_wait3A_378 = arith.constant 0 : i32
    %dma_wait3A_379 = tpu.memref_slice %arg22[%dma_wait3A_378] : memref<16384xf32, #tpu.memory_space<vmem>> -> memref<512xf32, #tpu.memory_space<vmem>>
    %dma_wait3A_380 = tpu.memref_slice %arg4[%mul3A_2] : memref<524288xf32, #tpu.memory_space<hbm>> -> memref<512xf32, #tpu.memory_space<hbm>>
    %dma_wait3A_381 = tpu.memref_slice %arg4[%mul3A_2] : memref<524288xf32, #tpu.memory_space<hbm>> -> memref<512xf32, #tpu.memory_space<hbm>>
    %dma_wait3A_382 = arith.constant 0 : i32
    %dma_wait3A_383 = tpu.memref_slice %arg22[%dma_wait3A_382] : memref<16384xf32, #tpu.memory_space<vmem>> -> memref<512xf32, #tpu.memory_space<vmem>>
    tpu.wait_dma2 semaphore(%arg25 : memref<!tpu.dma_semaphore, #tpu.memory_space<semaphore_mem>>) src(%dma_wait3A_383 : memref<512xf32, #tpu.memory_space<vmem>>) dst(%dma_wait3A_381 : memref<512xf32, #tpu.memory_space<hbm>>)
    %dma_wait3A_384 = arith.constant 0 : i32
    %dma_wait3A_385 = tpu.memref_slice %arg22[%dma_wait3A_384] : memref<16384xf32, #tpu.memory_space<vmem>> -> memref<512xf32, #tpu.memory_space<vmem>>
    %dma_wait3A_386 = tpu.memref_slice %arg4[%mul3A_2] : memref<524288xf32, #tpu.memory_space<hbm>> -> memref<512xf32, #tpu.memory_space<hbm>>
    %dma_wait3A_387 = tpu.memref_slice %arg4[%mul3A_2] : memref<524288xf32, #tpu.memory_space<hbm>> -> memref<512xf32, #tpu.memory_space<hbm>>
    %dma_wait3A_388 = arith.constant 0 : i32
    %dma_wait3A_389 = tpu.memref_slice %arg22[%dma_wait3A_388] : memref<16384xf32, #tpu.memory_space<vmem>> -> memref<512xf32, #tpu.memory_space<vmem>>
    tpu.wait_dma2 semaphore(%arg25 : memref<!tpu.dma_semaphore, #tpu.memory_space<semaphore_mem>>) src(%dma_wait3A_389 : memref<512xf32, #tpu.memory_space<vmem>>) dst(%dma_wait3A_387 : memref<512xf32, #tpu.memory_space<hbm>>)
    %dma_wait3A_390 = arith.constant 0 : i32
    %dma_wait3A_391 = tpu.memref_slice %arg22[%dma_wait3A_390] : memref<16384xf32, #tpu.memory_space<vmem>> -> memref<512xf32, #tpu.memory_space<vmem>>
    %dma_wait3A_392 = tpu.memref_slice %arg4[%mul3A_2] : memref<524288xf32, #tpu.memory_space<hbm>> -> memref<512xf32, #tpu.memory_space<hbm>>
    %dma_wait3A_393 = tpu.memref_slice %arg4[%mul3A_2] : memref<524288xf32, #tpu.memory_space<hbm>> -> memref<512xf32, #tpu.memory_space<hbm>>
    %dma_wait3A_394 = arith.constant 0 : i32
    %dma_wait3A_395 = tpu.memref_slice %arg22[%dma_wait3A_394] : memref<16384xf32, #tpu.memory_space<vmem>> -> memref<512xf32, #tpu.memory_space<vmem>>
    tpu.wait_dma2 semaphore(%arg25 : memref<!tpu.dma_semaphore, #tpu.memory_space<semaphore_mem>>) src(%dma_wait3A_395 : memref<512xf32, #tpu.memory_space<vmem>>) dst(%dma_wait3A_393 : memref<512xf32, #tpu.memory_space<hbm>>)
    %dma_wait3A_396 = arith.constant 0 : i32
    %dma_wait3A_397 = tpu.memref_slice %arg22[%dma_wait3A_396] : memref<16384xf32, #tpu.memory_space<vmem>> -> memref<512xf32, #tpu.memory_space<vmem>>
    %dma_wait3A_398 = tpu.memref_slice %arg4[%mul3A_2] : memref<524288xf32, #tpu.memory_space<hbm>> -> memref<512xf32, #tpu.memory_space<hbm>>
    %dma_wait3A_399 = tpu.memref_slice %arg4[%mul3A_2] : memref<524288xf32, #tpu.memory_space<hbm>> -> memref<512xf32, #tpu.memory_space<hbm>>
    %dma_wait3A_400 = arith.constant 0 : i32
    %dma_wait3A_401 = tpu.memref_slice %arg22[%dma_wait3A_400] : memref<16384xf32, #tpu.memory_space<vmem>> -> memref<512xf32, #tpu.memory_space<vmem>>
    tpu.wait_dma2 semaphore(%arg25 : memref<!tpu.dma_semaphore, #tpu.memory_space<semaphore_mem>>) src(%dma_wait3A_401 : memref<512xf32, #tpu.memory_space<vmem>>) dst(%dma_wait3A_399 : memref<512xf32, #tpu.memory_space<hbm>>)
    %dma_wait3A_402 = arith.constant 0 : i32
    %dma_wait3A_403 = tpu.memref_slice %arg22[%dma_wait3A_402] : memref<16384xf32, #tpu.memory_space<vmem>> -> memref<512xf32, #tpu.memory_space<vmem>>
    %dma_wait3A_404 = tpu.memref_slice %arg4[%mul3A_2] : memref<524288xf32, #tpu.memory_space<hbm>> -> memref<512xf32, #tpu.memory_space<hbm>>
    %dma_wait3A_405 = tpu.memref_slice %arg4[%mul3A_2] : memref<524288xf32, #tpu.memory_space<hbm>> -> memref<512xf32, #tpu.memory_space<hbm>>
    %dma_wait3A_406 = arith.constant 0 : i32
    %dma_wait3A_407 = tpu.memref_slice %arg22[%dma_wait3A_406] : memref<16384xf32, #tpu.memory_space<vmem>> -> memref<512xf32, #tpu.memory_space<vmem>>
    tpu.wait_dma2 semaphore(%arg25 : memref<!tpu.dma_semaphore, #tpu.memory_space<semaphore_mem>>) src(%dma_wait3A_407 : memref<512xf32, #tpu.memory_space<vmem>>) dst(%dma_wait3A_405 : memref<512xf32, #tpu.memory_space<hbm>>)
    %dma_wait3A_408 = arith.constant 0 : i32
    %dma_wait3A_409 = tpu.memref_slice %arg22[%dma_wait3A_408] : memref<16384xf32, #tpu.memory_space<vmem>> -> memref<512xf32, #tpu.memory_space<vmem>>
    %dma_wait3A_410 = tpu.memref_slice %arg4[%mul3A_2] : memref<524288xf32, #tpu.memory_space<hbm>> -> memref<512xf32, #tpu.memory_space<hbm>>
    %dma_wait3A_411 = tpu.memref_slice %arg4[%mul3A_2] : memref<524288xf32, #tpu.memory_space<hbm>> -> memref<512xf32, #tpu.memory_space<hbm>>
    %dma_wait3A_412 = arith.constant 0 : i32
    %dma_wait3A_413 = tpu.memref_slice %arg22[%dma_wait3A_412] : memref<16384xf32, #tpu.memory_space<vmem>> -> memref<512xf32, #tpu.memory_space<vmem>>
    tpu.wait_dma2 semaphore(%arg25 : memref<!tpu.dma_semaphore, #tpu.memory_space<semaphore_mem>>) src(%dma_wait3A_413 : memref<512xf32, #tpu.memory_space<vmem>>) dst(%dma_wait3A_411 : memref<512xf32, #tpu.memory_space<hbm>>)
    %dma_wait3A_414 = arith.constant 0 : i32
    %dma_wait3A_415 = tpu.memref_slice %arg22[%dma_wait3A_414] : memref<16384xf32, #tpu.memory_space<vmem>> -> memref<512xf32, #tpu.memory_space<vmem>>
    %dma_wait3A_416 = tpu.memref_slice %arg4[%mul3A_2] : memref<524288xf32, #tpu.memory_space<hbm>> -> memref<512xf32, #tpu.memory_space<hbm>>
    %dma_wait3A_417 = tpu.memref_slice %arg4[%mul3A_2] : memref<524288xf32, #tpu.memory_space<hbm>> -> memref<512xf32, #tpu.memory_space<hbm>>
    %dma_wait3A_418 = arith.constant 0 : i32
    %dma_wait3A_419 = tpu.memref_slice %arg22[%dma_wait3A_418] : memref<16384xf32, #tpu.memory_space<vmem>> -> memref<512xf32, #tpu.memory_space<vmem>>
    tpu.wait_dma2 semaphore(%arg25 : memref<!tpu.dma_semaphore, #tpu.memory_space<semaphore_mem>>) src(%dma_wait3A_419 : memref<512xf32, #tpu.memory_space<vmem>>) dst(%dma_wait3A_417 : memref<512xf32, #tpu.memory_space<hbm>>)
    %dma_wait3A_420 = arith.constant 0 : i32
    %dma_wait3A_421 = tpu.memref_slice %arg22[%dma_wait3A_420] : memref<16384xf32, #tpu.memory_space<vmem>> -> memref<512xf32, #tpu.memory_space<vmem>>
    %dma_wait3A_422 = tpu.memref_slice %arg4[%mul3A_2] : memref<524288xf32, #tpu.memory_space<hbm>> -> memref<512xf32, #tpu.memory_space<hbm>>
    %dma_wait3A_423 = tpu.memref_slice %arg4[%mul3A_2] : memref<524288xf32, #tpu.memory_space<hbm>> -> memref<512xf32, #tpu.memory_space<hbm>>
    %dma_wait3A_424 = arith.constant 0 : i32
    %dma_wait3A_425 = tpu.memref_slice %arg22[%dma_wait3A_424] : memref<16384xf32, #tpu.memory_space<vmem>> -> memref<512xf32, #tpu.memory_space<vmem>>
    tpu.wait_dma2 semaphore(%arg25 : memref<!tpu.dma_semaphore, #tpu.memory_space<semaphore_mem>>) src(%dma_wait3A_425 : memref<512xf32, #tpu.memory_space<vmem>>) dst(%dma_wait3A_423 : memref<512xf32, #tpu.memory_space<hbm>>)
    %dma_wait3A_426 = arith.constant 0 : i32
    %dma_wait3A_427 = tpu.memref_slice %arg22[%dma_wait3A_426] : memref<16384xf32, #tpu.memory_space<vmem>> -> memref<512xf32, #tpu.memory_space<vmem>>
    %dma_wait3A_428 = tpu.memref_slice %arg4[%mul3A_2] : memref<524288xf32, #tpu.memory_space<hbm>> -> memref<512xf32, #tpu.memory_space<hbm>>
    %dma_wait3A_429 = tpu.memref_slice %arg4[%mul3A_2] : memref<524288xf32, #tpu.memory_space<hbm>> -> memref<512xf32, #tpu.memory_space<hbm>>
    %dma_wait3A_430 = arith.constant 0 : i32
    %dma_wait3A_431 = tpu.memref_slice %arg22[%dma_wait3A_430] : memref<16384xf32, #tpu.memory_space<vmem>> -> memref<512xf32, #tpu.memory_space<vmem>>
    tpu.wait_dma2 semaphore(%arg25 : memref<!tpu.dma_semaphore, #tpu.memory_space<semaphore_mem>>) src(%dma_wait3A_431 : memref<512xf32, #tpu.memory_space<vmem>>) dst(%dma_wait3A_429 : memref<512xf32, #tpu.memory_space<hbm>>)
    %dma_wait3A_432 = arith.constant 0 : i32
    %dma_wait3A_433 = tpu.memref_slice %arg22[%dma_wait3A_432] : memref<16384xf32, #tpu.memory_space<vmem>> -> memref<512xf32, #tpu.memory_space<vmem>>
    %dma_wait3A_434 = tpu.memref_slice %arg4[%mul3A_2] : memref<524288xf32, #tpu.memory_space<hbm>> -> memref<512xf32, #tpu.memory_space<hbm>>
    %dma_wait3A_435 = tpu.memref_slice %arg4[%mul3A_2] : memref<524288xf32, #tpu.memory_space<hbm>> -> memref<512xf32, #tpu.memory_space<hbm>>
    %dma_wait3A_436 = arith.constant 0 : i32
    %dma_wait3A_437 = tpu.memref_slice %arg22[%dma_wait3A_436] : memref<16384xf32, #tpu.memory_space<vmem>> -> memref<512xf32, #tpu.memory_space<vmem>>
    tpu.wait_dma2 semaphore(%arg25 : memref<!tpu.dma_semaphore, #tpu.memory_space<semaphore_mem>>) src(%dma_wait3A_437 : memref<512xf32, #tpu.memory_space<vmem>>) dst(%dma_wait3A_435 : memref<512xf32, #tpu.memory_space<hbm>>)
    %dma_wait3A_438 = arith.constant 0 : i32
    %dma_wait3A_439 = tpu.memref_slice %arg22[%dma_wait3A_438] : memref<16384xf32, #tpu.memory_space<vmem>> -> memref<512xf32, #tpu.memory_space<vmem>>
    %dma_wait3A_440 = tpu.memref_slice %arg4[%mul3A_2] : memref<524288xf32, #tpu.memory_space<hbm>> -> memref<512xf32, #tpu.memory_space<hbm>>
    %dma_wait3A_441 = tpu.memref_slice %arg4[%mul3A_2] : memref<524288xf32, #tpu.memory_space<hbm>> -> memref<512xf32, #tpu.memory_space<hbm>>
    %dma_wait3A_442 = arith.constant 0 : i32
    %dma_wait3A_443 = tpu.memref_slice %arg22[%dma_wait3A_442] : memref<16384xf32, #tpu.memory_space<vmem>> -> memref<512xf32, #tpu.memory_space<vmem>>
    tpu.wait_dma2 semaphore(%arg25 : memref<!tpu.dma_semaphore, #tpu.memory_space<semaphore_mem>>) src(%dma_wait3A_443 : memref<512xf32, #tpu.memory_space<vmem>>) dst(%dma_wait3A_441 : memref<512xf32, #tpu.memory_space<hbm>>)
    %dma_wait3A_444 = arith.constant 0 : i32
    %dma_wait3A_445 = tpu.memref_slice %arg22[%dma_wait3A_444] : memref<16384xf32, #tpu.memory_space<vmem>> -> memref<512xf32, #tpu.memory_space<vmem>>
    %dma_wait3A_446 = tpu.memref_slice %arg4[%mul3A_2] : memref<524288xf32, #tpu.memory_space<hbm>> -> memref<512xf32, #tpu.memory_space<hbm>>
    %dma_wait3A_447 = tpu.memref_slice %arg4[%mul3A_2] : memref<524288xf32, #tpu.memory_space<hbm>> -> memref<512xf32, #tpu.memory_space<hbm>>
    %dma_wait3A_448 = arith.constant 0 : i32
    %dma_wait3A_449 = tpu.memref_slice %arg22[%dma_wait3A_448] : memref<16384xf32, #tpu.memory_space<vmem>> -> memref<512xf32, #tpu.memory_space<vmem>>
    tpu.wait_dma2 semaphore(%arg25 : memref<!tpu.dma_semaphore, #tpu.memory_space<semaphore_mem>>) src(%dma_wait3A_449 : memref<512xf32, #tpu.memory_space<vmem>>) dst(%dma_wait3A_447 : memref<512xf32, #tpu.memory_space<hbm>>)
    %dma_wait3A_450 = arith.constant 0 : i32
    %dma_wait3A_451 = tpu.memref_slice %arg22[%dma_wait3A_450] : memref<16384xf32, #tpu.memory_space<vmem>> -> memref<512xf32, #tpu.memory_space<vmem>>
    %dma_wait3A_452 = tpu.memref_slice %arg4[%mul3A_2] : memref<524288xf32, #tpu.memory_space<hbm>> -> memref<512xf32, #tpu.memory_space<hbm>>
    %dma_wait3A_453 = tpu.memref_slice %arg4[%mul3A_2] : memref<524288xf32, #tpu.memory_space<hbm>> -> memref<512xf32, #tpu.memory_space<hbm>>
    %dma_wait3A_454 = arith.constant 0 : i32
    %dma_wait3A_455 = tpu.memref_slice %arg22[%dma_wait3A_454] : memref<16384xf32, #tpu.memory_space<vmem>> -> memref<512xf32, #tpu.memory_space<vmem>>
    tpu.wait_dma2 semaphore(%arg25 : memref<!tpu.dma_semaphore, #tpu.memory_space<semaphore_mem>>) src(%dma_wait3A_455 : memref<512xf32, #tpu.memory_space<vmem>>) dst(%dma_wait3A_453 : memref<512xf32, #tpu.memory_space<hbm>>)
    %dma_wait3A_456 = arith.constant 0 : i32
    %dma_wait3A_457 = tpu.memref_slice %arg22[%dma_wait3A_456] : memref<16384xf32, #tpu.memory_space<vmem>> -> memref<512xf32, #tpu.memory_space<vmem>>
    %dma_wait3A_458 = tpu.memref_slice %arg4[%mul3A_2] : memref<524288xf32, #tpu.memory_space<hbm>> -> memref<512xf32, #tpu.memory_space<hbm>>
    %dma_wait3A_459 = tpu.memref_slice %arg4[%mul3A_2] : memref<524288xf32, #tpu.memory_space<hbm>> -> memref<512xf32, #tpu.memory_space<hbm>>
    %dma_wait3A_460 = arith.constant 0 : i32
    %dma_wait3A_461 = tpu.memref_slice %arg22[%dma_wait3A_460] : memref<16384xf32, #tpu.memory_space<vmem>> -> memref<512xf32, #tpu.memory_space<vmem>>
    tpu.wait_dma2 semaphore(%arg25 : memref<!tpu.dma_semaphore, #tpu.memory_space<semaphore_mem>>) src(%dma_wait3A_461 : memref<512xf32, #tpu.memory_space<vmem>>) dst(%dma_wait3A_459 : memref<512xf32, #tpu.memory_space<hbm>>)
    %dma_wait3A_462 = arith.constant 0 : i32
    %dma_wait3A_463 = tpu.memref_slice %arg22[%dma_wait3A_462] : memref<16384xf32, #tpu.memory_space<vmem>> -> memref<512xf32, #tpu.memory_space<vmem>>
    %dma_wait3A_464 = tpu.memref_slice %arg4[%mul3A_2] : memref<524288xf32, #tpu.memory_space<hbm>> -> memref<512xf32, #tpu.memory_space<hbm>>
    %dma_wait3A_465 = tpu.memref_slice %arg4[%mul3A_2] : memref<524288xf32, #tpu.memory_space<hbm>> -> memref<512xf32, #tpu.memory_space<hbm>>
    %dma_wait3A_466 = arith.constant 0 : i32
    %dma_wait3A_467 = tpu.memref_slice %arg22[%dma_wait3A_466] : memref<16384xf32, #tpu.memory_space<vmem>> -> memref<512xf32, #tpu.memory_space<vmem>>
    tpu.wait_dma2 semaphore(%arg25 : memref<!tpu.dma_semaphore, #tpu.memory_space<semaphore_mem>>) src(%dma_wait3A_467 : memref<512xf32, #tpu.memory_space<vmem>>) dst(%dma_wait3A_465 : memref<512xf32, #tpu.memory_space<hbm>>)
    %dma_wait3A_468 = arith.constant 0 : i32
    %dma_wait3A_469 = tpu.memref_slice %arg22[%dma_wait3A_468] : memref<16384xf32, #tpu.memory_space<vmem>> -> memref<512xf32, #tpu.memory_space<vmem>>
    %dma_wait3A_470 = tpu.memref_slice %arg4[%mul3A_2] : memref<524288xf32, #tpu.memory_space<hbm>> -> memref<512xf32, #tpu.memory_space<hbm>>
    %dma_wait3A_471 = tpu.memref_slice %arg4[%mul3A_2] : memref<524288xf32, #tpu.memory_space<hbm>> -> memref<512xf32, #tpu.memory_space<hbm>>
    %dma_wait3A_472 = arith.constant 0 : i32
    %dma_wait3A_473 = tpu.memref_slice %arg22[%dma_wait3A_472] : memref<16384xf32, #tpu.memory_space<vmem>> -> memref<512xf32, #tpu.memory_space<vmem>>
    tpu.wait_dma2 semaphore(%arg25 : memref<!tpu.dma_semaphore, #tpu.memory_space<semaphore_mem>>) src(%dma_wait3A_473 : memref<512xf32, #tpu.memory_space<vmem>>) dst(%dma_wait3A_471 : memref<512xf32, #tpu.memory_space<hbm>>)
    %dma_wait3A_474 = arith.constant 0 : i32
    %dma_wait3A_475 = tpu.memref_slice %arg22[%dma_wait3A_474] : memref<16384xf32, #tpu.memory_space<vmem>> -> memref<512xf32, #tpu.memory_space<vmem>>
    %dma_wait3A_476 = tpu.memref_slice %arg4[%mul3A_2] : memref<524288xf32, #tpu.memory_space<hbm>> -> memref<512xf32, #tpu.memory_space<hbm>>
    %dma_wait3A_477 = tpu.memref_slice %arg4[%mul3A_2] : memref<524288xf32, #tpu.memory_space<hbm>> -> memref<512xf32, #tpu.memory_space<hbm>>
    %dma_wait3A_478 = arith.constant 0 : i32
    %dma_wait3A_479 = tpu.memref_slice %arg22[%dma_wait3A_478] : memref<16384xf32, #tpu.memory_space<vmem>> -> memref<512xf32, #tpu.memory_space<vmem>>
    tpu.wait_dma2 semaphore(%arg25 : memref<!tpu.dma_semaphore, #tpu.memory_space<semaphore_mem>>) src(%dma_wait3A_479 : memref<512xf32, #tpu.memory_space<vmem>>) dst(%dma_wait3A_477 : memref<512xf32, #tpu.memory_space<hbm>>)
    %dma_wait3A_480 = arith.constant 0 : i32
    %dma_wait3A_481 = tpu.memref_slice %arg22[%dma_wait3A_480] : memref<16384xf32, #tpu.memory_space<vmem>> -> memref<512xf32, #tpu.memory_space<vmem>>
    %dma_wait3A_482 = tpu.memref_slice %arg4[%mul3A_2] : memref<524288xf32, #tpu.memory_space<hbm>> -> memref<512xf32, #tpu.memory_space<hbm>>
    %dma_wait3A_483 = tpu.memref_slice %arg4[%mul3A_2] : memref<524288xf32, #tpu.memory_space<hbm>> -> memref<512xf32, #tpu.memory_space<hbm>>
    %dma_wait3A_484 = arith.constant 0 : i32
    %dma_wait3A_485 = tpu.memref_slice %arg22[%dma_wait3A_484] : memref<16384xf32, #tpu.memory_space<vmem>> -> memref<512xf32, #tpu.memory_space<vmem>>
    tpu.wait_dma2 semaphore(%arg25 : memref<!tpu.dma_semaphore, #tpu.memory_space<semaphore_mem>>) src(%dma_wait3A_485 : memref<512xf32, #tpu.memory_space<vmem>>) dst(%dma_wait3A_483 : memref<512xf32, #tpu.memory_space<hbm>>)
    %dma_wait3A_486 = arith.constant 0 : i32
    %dma_wait3A_487 = tpu.memref_slice %arg22[%dma_wait3A_486] : memref<16384xf32, #tpu.memory_space<vmem>> -> memref<512xf32, #tpu.memory_space<vmem>>
    %dma_wait3A_488 = tpu.memref_slice %arg4[%mul3A_2] : memref<524288xf32, #tpu.memory_space<hbm>> -> memref<512xf32, #tpu.memory_space<hbm>>
    %dma_wait3A_489 = tpu.memref_slice %arg4[%mul3A_2] : memref<524288xf32, #tpu.memory_space<hbm>> -> memref<512xf32, #tpu.memory_space<hbm>>
    %dma_wait3A_490 = arith.constant 0 : i32
    %dma_wait3A_491 = tpu.memref_slice %arg22[%dma_wait3A_490] : memref<16384xf32, #tpu.memory_space<vmem>> -> memref<512xf32, #tpu.memory_space<vmem>>
    tpu.wait_dma2 semaphore(%arg25 : memref<!tpu.dma_semaphore, #tpu.memory_space<semaphore_mem>>) src(%dma_wait3A_491 : memref<512xf32, #tpu.memory_space<vmem>>) dst(%dma_wait3A_489 : memref<512xf32, #tpu.memory_space<hbm>>)
    %dma_wait3A_492 = arith.constant 0 : i32
    %dma_wait3A_493 = tpu.memref_slice %arg22[%dma_wait3A_492] : memref<16384xf32, #tpu.memory_space<vmem>> -> memref<512xf32, #tpu.memory_space<vmem>>
    %dma_wait3A_494 = tpu.memref_slice %arg4[%mul3A_2] : memref<524288xf32, #tpu.memory_space<hbm>> -> memref<512xf32, #tpu.memory_space<hbm>>
    %dma_wait3A_495 = tpu.memref_slice %arg4[%mul3A_2] : memref<524288xf32, #tpu.memory_space<hbm>> -> memref<512xf32, #tpu.memory_space<hbm>>
    %dma_wait3A_496 = arith.constant 0 : i32
    %dma_wait3A_497 = tpu.memref_slice %arg22[%dma_wait3A_496] : memref<16384xf32, #tpu.memory_space<vmem>> -> memref<512xf32, #tpu.memory_space<vmem>>
    tpu.wait_dma2 semaphore(%arg25 : memref<!tpu.dma_semaphore, #tpu.memory_space<semaphore_mem>>) src(%dma_wait3A_497 : memref<512xf32, #tpu.memory_space<vmem>>) dst(%dma_wait3A_495 : memref<512xf32, #tpu.memory_space<hbm>>)
    %dma_wait3A_498 = arith.constant 0 : i32
    %dma_wait3A_499 = tpu.memref_slice %arg22[%dma_wait3A_498] : memref<16384xf32, #tpu.memory_space<vmem>> -> memref<512xf32, #tpu.memory_space<vmem>>
    %dma_wait3A_500 = tpu.memref_slice %arg4[%mul3A_2] : memref<524288xf32, #tpu.memory_space<hbm>> -> memref<512xf32, #tpu.memory_space<hbm>>
    %dma_wait3A_501 = tpu.memref_slice %arg4[%mul3A_2] : memref<524288xf32, #tpu.memory_space<hbm>> -> memref<512xf32, #tpu.memory_space<hbm>>
    %dma_wait3A_502 = arith.constant 0 : i32
    %dma_wait3A_503 = tpu.memref_slice %arg22[%dma_wait3A_502] : memref<16384xf32, #tpu.memory_space<vmem>> -> memref<512xf32, #tpu.memory_space<vmem>>
    tpu.wait_dma2 semaphore(%arg25 : memref<!tpu.dma_semaphore, #tpu.memory_space<semaphore_mem>>) src(%dma_wait3A_503 : memref<512xf32, #tpu.memory_space<vmem>>) dst(%dma_wait3A_501 : memref<512xf32, #tpu.memory_space<hbm>>)
    %dma_wait3A_504 = arith.constant 0 : i32
    %dma_wait3A_505 = tpu.memref_slice %arg22[%dma_wait3A_504] : memref<16384xf32, #tpu.memory_space<vmem>> -> memref<512xf32, #tpu.memory_space<vmem>>
    %dma_wait3A_506 = tpu.memref_slice %arg4[%mul3A_2] : memref<524288xf32, #tpu.memory_space<hbm>> -> memref<512xf32, #tpu.memory_space<hbm>>
    %dma_wait3A_507 = tpu.memref_slice %arg4[%mul3A_2] : memref<524288xf32, #tpu.memory_space<hbm>> -> memref<512xf32, #tpu.memory_space<hbm>>
    %dma_wait3A_508 = arith.constant 0 : i32
    %dma_wait3A_509 = tpu.memref_slice %arg22[%dma_wait3A_508] : memref<16384xf32, #tpu.memory_space<vmem>> -> memref<512xf32, #tpu.memory_space<vmem>>
    tpu.wait_dma2 semaphore(%arg25 : memref<!tpu.dma_semaphore, #tpu.memory_space<semaphore_mem>>) src(%dma_wait3A_509 : memref<512xf32, #tpu.memory_space<vmem>>) dst(%dma_wait3A_507 : memref<512xf32, #tpu.memory_space<hbm>>)
    %dma_wait3A_510 = arith.constant 0 : i32
    %dma_wait3A_511 = tpu.memref_slice %arg22[%dma_wait3A_510] : memref<16384xf32, #tpu.memory_space<vmem>> -> memref<512xf32, #tpu.memory_space<vmem>>
    %dma_wait3A_512 = tpu.memref_slice %arg4[%mul3A_2] : memref<524288xf32, #tpu.memory_space<hbm>> -> memref<512xf32, #tpu.memory_space<hbm>>
    %dma_wait3A_513 = tpu.memref_slice %arg4[%mul3A_2] : memref<524288xf32, #tpu.memory_space<hbm>> -> memref<512xf32, #tpu.memory_space<hbm>>
    %dma_wait3A_514 = arith.constant 0 : i32
    %dma_wait3A_515 = tpu.memref_slice %arg22[%dma_wait3A_514] : memref<16384xf32, #tpu.memory_space<vmem>> -> memref<512xf32, #tpu.memory_space<vmem>>
    tpu.wait_dma2 semaphore(%arg25 : memref<!tpu.dma_semaphore, #tpu.memory_space<semaphore_mem>>) src(%dma_wait3A_515 : memref<512xf32, #tpu.memory_space<vmem>>) dst(%dma_wait3A_513 : memref<512xf32, #tpu.memory_space<hbm>>)
    %dma_wait3A_516 = arith.constant 0 : i32
    %dma_wait3A_517 = tpu.memref_slice %arg22[%dma_wait3A_516] : memref<16384xf32, #tpu.memory_space<vmem>> -> memref<512xf32, #tpu.memory_space<vmem>>
    %dma_wait3A_518 = tpu.memref_slice %arg4[%mul3A_2] : memref<524288xf32, #tpu.memory_space<hbm>> -> memref<512xf32, #tpu.memory_space<hbm>>
    %dma_wait3A_519 = tpu.memref_slice %arg4[%mul3A_2] : memref<524288xf32, #tpu.memory_space<hbm>> -> memref<512xf32, #tpu.memory_space<hbm>>
    %dma_wait3A_520 = arith.constant 0 : i32
    %dma_wait3A_521 = tpu.memref_slice %arg22[%dma_wait3A_520] : memref<16384xf32, #tpu.memory_space<vmem>> -> memref<512xf32, #tpu.memory_space<vmem>>
    tpu.wait_dma2 semaphore(%arg25 : memref<!tpu.dma_semaphore, #tpu.memory_space<semaphore_mem>>) src(%dma_wait3A_521 : memref<512xf32, #tpu.memory_space<vmem>>) dst(%dma_wait3A_519 : memref<512xf32, #tpu.memory_space<hbm>>)
    %dma_wait3A_522 = arith.constant 0 : i32
    %dma_wait3A_523 = tpu.memref_slice %arg22[%dma_wait3A_522] : memref<16384xf32, #tpu.memory_space<vmem>> -> memref<512xf32, #tpu.memory_space<vmem>>
    %dma_wait3A_524 = tpu.memref_slice %arg4[%mul3A_2] : memref<524288xf32, #tpu.memory_space<hbm>> -> memref<512xf32, #tpu.memory_space<hbm>>
    %dma_wait3A_525 = tpu.memref_slice %arg4[%mul3A_2] : memref<524288xf32, #tpu.memory_space<hbm>> -> memref<512xf32, #tpu.memory_space<hbm>>
    %dma_wait3A_526 = arith.constant 0 : i32
    %dma_wait3A_527 = tpu.memref_slice %arg22[%dma_wait3A_526] : memref<16384xf32, #tpu.memory_space<vmem>> -> memref<512xf32, #tpu.memory_space<vmem>>
    tpu.wait_dma2 semaphore(%arg25 : memref<!tpu.dma_semaphore, #tpu.memory_space<semaphore_mem>>) src(%dma_wait3A_527 : memref<512xf32, #tpu.memory_space<vmem>>) dst(%dma_wait3A_525 : memref<512xf32, #tpu.memory_space<hbm>>)
    %dma_wait3A_528 = arith.constant 0 : i32
    %dma_wait3A_529 = tpu.memref_slice %arg22[%dma_wait3A_528] : memref<16384xf32, #tpu.memory_space<vmem>> -> memref<512xf32, #tpu.memory_space<vmem>>
    %dma_wait3A_530 = tpu.memref_slice %arg4[%mul3A_2] : memref<524288xf32, #tpu.memory_space<hbm>> -> memref<512xf32, #tpu.memory_space<hbm>>
    %dma_wait3A_531 = tpu.memref_slice %arg4[%mul3A_2] : memref<524288xf32, #tpu.memory_space<hbm>> -> memref<512xf32, #tpu.memory_space<hbm>>
    %dma_wait3A_532 = arith.constant 0 : i32
    %dma_wait3A_533 = tpu.memref_slice %arg22[%dma_wait3A_532] : memref<16384xf32, #tpu.memory_space<vmem>> -> memref<512xf32, #tpu.memory_space<vmem>>
    tpu.wait_dma2 semaphore(%arg25 : memref<!tpu.dma_semaphore, #tpu.memory_space<semaphore_mem>>) src(%dma_wait3A_533 : memref<512xf32, #tpu.memory_space<vmem>>) dst(%dma_wait3A_531 : memref<512xf32, #tpu.memory_space<hbm>>)
    %dma_wait3A_534 = arith.constant 0 : i32
    %dma_wait3A_535 = tpu.memref_slice %arg22[%dma_wait3A_534] : memref<16384xf32, #tpu.memory_space<vmem>> -> memref<512xf32, #tpu.memory_space<vmem>>
    %dma_wait3A_536 = tpu.memref_slice %arg4[%mul3A_2] : memref<524288xf32, #tpu.memory_space<hbm>> -> memref<512xf32, #tpu.memory_space<hbm>>
    %dma_wait3A_537 = tpu.memref_slice %arg4[%mul3A_2] : memref<524288xf32, #tpu.memory_space<hbm>> -> memref<512xf32, #tpu.memory_space<hbm>>
    %dma_wait3A_538 = arith.constant 0 : i32
    %dma_wait3A_539 = tpu.memref_slice %arg22[%dma_wait3A_538] : memref<16384xf32, #tpu.memory_space<vmem>> -> memref<512xf32, #tpu.memory_space<vmem>>
    tpu.wait_dma2 semaphore(%arg25 : memref<!tpu.dma_semaphore, #tpu.memory_space<semaphore_mem>>) src(%dma_wait3A_539 : memref<512xf32, #tpu.memory_space<vmem>>) dst(%dma_wait3A_537 : memref<512xf32, #tpu.memory_space<hbm>>)
    return
  }
}

</mosaic_0001>

<sc_bundles>
// kernel: kernel.3.cloned.1.call-start
scs
__scs_entry_jumppad:
0x0: {  	(pc) =	sbr.rel $0x88, $3  }
0x1: {  	(tag) =	ssettag $0x0;
	lr =	simm.s32 $0x1  }
0x2: {  	[smem:$0x3F9F] =	sst lr;
	_ =	strace $0xD0000000  }
0x3: {  	_ = 	snop  }
0x4: {  	_ = 	snop  }
0x5: {  	_ = 	snop  }
0x6: {  	_ = 	snop  }
0x7: {  	_ = 	snop  }
__scs_overlays_trampoline_lowered:
0x8: {  	[smem:$0x3FAE] =	sst s0  }
0x9: {  	[smem:$0x3FAF] =	sst s1  }
0xa: {  	[smem:$0x3FB0] =	sst s2  }
0xb: {  	[smem:$0x3FB1] =	sst s3  }
0xc: {  	[smem:$0x3FB2] =	sst s4  }
0xd: {  	[smem:$0x3FB3] =	sst s5  }
0xe: {  	[smem:$0x3FB4] =	sst s6  }
0xf: {  	[smem:$0x3FB5] =	sst s7  }
0x10: {  	[smem:$0x3FB6] =	sst s8  }
0x11: {  	[smem:$0x3FB7] =	sst s9;
	s0 =	simm.s32 @!p0 $0x0  }
0x12: {  	s1 =	sld [smem:$0x3F9D];
	s0 =	simm.s32 @p0 $0x1  }
0x13: {  	[smem:$0x3FB8] =	sst s0;
	s0 =	simm.s32 @!p1 $0x0  }
0x14: {  	s2 =	sld [smem:$0x3F9C];
	s0 =	simm.s32 @p1 $0x1  }
0x15: {  	[smem:$0x3FB9] =	sst s0;
	s0 =	simm.s32 @!p2 $0x0  }
0x16: {  	s3 =	sld [smem:$0x3FDB];
	s0 =	simm.s32 @p2 $0x1  }
0x17: {  	s4 =	simm.s32 $0x1BF5;
	[smem:$0x3FBB] =	sst s0  }
0x18: {  	s0 =	sld [smem:$0x3F9E];
	_ =	swait.ge [sflag:s4], $0x0  }
0x19: {  	s7 =	sld [smem:$0x3F9F]  }
0x1a: {  	s8 =	sadd.s32 $0xFFFFE003, lr  }
0x1b: {  	s9 =	sadd.s32 $0xFFFFFEF7, lr;
	s5 =	simm.s32 $0xFFFFFFFF;
	p2 =	slt.u32 s8, $0xFFFFF086  }
0x1c: {  	p1 =	slt.u32 s9, $0xF7A;
	s5 =	simm.s32 @!p2 $0x0  }
0x1d: {  	s5 =	simm.s32 @p1 $0x1;
	p0 =	seq.s32 s7, s2  }
0x1e: {  	s7 =	smul.u32 @!p0 $0xF7A, s2;
	p2 =	seq.s32 @!p0 s5, $0x0  }
0x1f: {  	s9 =	smul.u32 $0xF7A, s1;
	s8 =	simm.s32 @!p0 $0x1BF5;
	p2 =	por !p2, p0  }
0x20: {  	[sflag:s8] =	ssyncset.s32 @!p0 $0xFFFFF086;
	s6 =	sadd.s32 @!p0 s3, s7;
	s7 =	simm.s32 @!p0 $0x108  }
0x21: {  	s3 =	sadd.s32 s3, s9;
	s6 =	sadd.s32 @!p0 $0x88, s6;
	s7 =	simm.s32 @p2 $0x1082  }
0x22: {  	[simem:s7], [sflag:s8] =	dma.local @!p0 [hbm:s6], $0xF7A  }
0x23: {  	s9 =	sor.u32 $0xD0000000, s2;
	s6 =	simm.s32 $0x108;
	_ =	swait.ge @!p0 [sflag:s8], $0x0  }
0x24: {  	s3 =	sadd.s32 $0x88, s3;
	s6 =	simm.s32 @!p1 $0x1082;
	[sflag:s4] =	ssyncset.s32 $0xFFFFF086  }
0x25: {  	[simem:s6], [sflag:s4] =	dma.local [hbm:s3], $0xF7A  }
0x26: {  	[smem:$0x3F9F] =	sst s1;
	(tag) =	ssettag s2;
	_ =	strace s9  }
0x27: {  	s1 =	sld [smem:$0x3FAF]  }
0x28: {  	s2 =	sld [smem:$0x3FB0]  }
0x29: {  	s4 =	sld [smem:$0x3FB2]  }
0x2a: {  	p0 =	seq.s32 s5, $0x0;
	s5 =	sld [smem:$0x3FB3]  }
0x2b: {  	s6 =	sld [smem:$0x3FB4]  }
0x2c: {  	s7 =	sld [smem:$0x3FB5]  }
0x2d: {  	s3 =	simm.s32 $0x108;
	s8 =	sld [smem:$0x3FB6]  }
0x2e: {  	s3 =	simm.s32 @!p0 $0x1082;
	s9 =	sld [smem:$0x3FB7]  }
0x2f: {  	lr =	sadd.s32 s0, s3;
	s0 =	sld [smem:$0x3FAE]  }
0x30: {  	s3 =	sld [smem:$0x3FB1]  }
0x31: {  	[smem:$0x3FBA] =	sst s10  }
0x32: {  	s10 =	sld [smem:$0x3FB8];
	_ =	sdelay $0x3  }
0x33: {  	p0 =	seq.s32 s10, $0x1;
	s10 =	sld [smem:$0x3FBA];
	_ =	sdelay $0x3  }
0x34: {  	[smem:$0x3FBA] =	sst s10  }
0x35: {  	s10 =	sld [smem:$0x3FB9];
	_ =	sdelay $0x3  }
0x36: {  	p1 =	seq.s32 s10, $0x1;
	s10 =	sld [smem:$0x3FBA];
	_ =	sdelay $0x3  }
0x37: {  	[smem:$0x3FBA] =	sst s10  }
0x38: {  	s10 =	sld [smem:$0x3FBB]  }
0x39: {  	_ = 	snop;
	(pc) =	sbr.ind lr, $3  }
0x3a: {  	_ = 	snop  }
0x3b: {  	_ = 	snop  }
0x3c: {  	p2 =	seq.s32 s10, $0x1;
	s10 =	sld [smem:$0x3FBA]  }
0x3d: {  	_ =	shalt  }
0x3e: {  	_ =	shalt  }
0x3f: {  	_ =	shalt  }
0x40: {  	_ =	shalt  }
0x41: {  	_ =	shalt  }
0x42: {  	_ =	shalt  }
0x43: {  	_ =	shalt  }
0x44: {  	_ =	shalt  }
0x45: {  	_ =	shalt  }
0x46: {  	_ =	shalt  }
0x47: {  	_ =	shalt  }
0x48: {  	_ =	shalt  }
0x49: {  	_ =	shalt  }
0x4a: {  	_ =	shalt  }
0x4b: {  	_ =	shalt  }
0x4c: {  	_ =	shalt  }
0x4d: {  	_ =	shalt  }
0x4e: {  	_ =	shalt  }
0x4f: {  	_ =	shalt  }
0x50: {  	_ =	shalt  }
0x51: {  	_ =	shalt  }
0x52: {  	_ =	shalt  }
0x53: {  	_ =	shalt  }
0x54: {  	_ =	shalt  }
0x55: {  	_ =	shalt  }
0x56: {  	_ =	shalt  }
0x57: {  	_ =	shalt  }
0x58: {  	_ =	shalt  }
0x59: {  	_ =	shalt  }
0x5a: {  	_ =	shalt  }
0x5b: {  	_ =	shalt  }
0x5c: {  	_ =	shalt  }
0x5d: {  	_ =	shalt  }
0x5e: {  	_ =	shalt  }
0x5f: {  	_ =	shalt  }
0x60: {  	_ =	shalt  }
0x61: {  	_ =	shalt  }
0x62: {  	_ =	shalt  }
0x63: {  	_ =	shalt  }
0x64: {  	_ =	shalt  }
0x65: {  	_ =	shalt  }
0x66: {  	_ =	shalt  }
0x67: {  	_ =	shalt  }
0x68: {  	_ =	shalt  }
0x69: {  	_ =	shalt  }
0x6a: {  	_ =	shalt  }
0x6b: {  	_ =	shalt  }
0x6c: {  	_ =	shalt  }
0x6d: {  	_ =	shalt  }
0x6e: {  	_ =	shalt  }
0x6f: {  	_ =	shalt  }
0x70: {  	_ =	shalt  }
0x71: {  	_ =	shalt  }
0x72: {  	_ =	shalt  }
0x73: {  	_ =	shalt  }
0x74: {  	_ =	shalt  }
0x75: {  	_ =	shalt  }
0x76: {  	_ =	shalt  }
0x77: {  	_ =	shalt  }
0x78: {  	_ =	shalt  }
0x79: {  	_ =	shalt  }
0x7a: {  	_ =	shalt  }
0x7b: {  	_ =	shalt  }
0x7c: {  	_ =	shalt  }
0x7d: {  	_ =	shalt  }
0x7e: {  	_ =	shalt  }
0x7f: {  	_ =	shalt  }
0x80: {  	_ =	shalt  }
0x81: {  	_ =	shalt  }
0x82: {  	_ =	shalt  }
0x83: {  	_ =	shalt  }
0x84: {  	_ =	shalt  }
0x85: {  	_ =	shalt  }
0x86: {  	_ =	shalt  }
0x87: {  	_ =	shalt  }
.Lfunc_end0:
.L_simem_size_0:
called_computation_lowered:
.L_overlay_start_0:
0x88: {  	s2 =	sld [smem:$0x3FD9]  }
0x89: {  	s3 =	sld [smem:$0x3FFE];
	_ =	sdelay $0x1  }
0x8a: {  	s1 =	srdreg.scid  }
0x8b: {  	s0 =	sand.u32 $0x1, s1  }
0x8c: {  	s17 =	sshll.u32 s0, $0xA;
	s2 =	sadd.s32 s3, s2  }
0x8d: {  	s2 =	sadd.s32 s2, s17  }
0x8e: {  	[smem:$0x3FC6] =	sst s2  }
0x8f: {  	_ = 	snop  }
0x90: {  	s2 =	sld [smem:$0x3FC9]  }
0x91: {  	s18 =	sld [smem:$0x3FC8];
	(tm) =	ssettm $0x1  }
0x92: {  	s4 =	sld [smem:$0x3FFB];
	_ =	sdelay $0x3  }
0x93: {  	_ =	strace s4  }
0x94: {  	s4 =	sld [smem:$0x3FFC];
	_ =	sdelay $0x3  }
0x95: {  	_ =	strace s4  }
0x96: {  	s4 =	sld [smem:$0x3FFD];
	_ =	sdelay $0x3  }
0x97: {  	_ =	strace s4  }
0x98: {  	_ =	strace $0x8FFFFFFF  }
0x99: {  	s19 =	sld [smem:$0x3FDB];
	_ =	sdelay $0x1  }
0x9a: {  	s5 =	simm.s32 $_scs_section_size  }
0x9b: {  	s6 =	simm.s32 $_size__tile_overlayer_lowered;
	s7 =	simm.s32 $_tile_overlayer_lowered  }
0x9c: {  	s22 =	simm.s32 $0x1BFF;
	s21 =	sshll.u32 s7, $0x1;
	s4 =	sadd.s32 s5, s19  }
0x9d: {  	s8 =	simm.s32 $0x0;
	s20 =	sshll.u32 s6, $0x1;
	s6 =	sadd.s32 s21, s4  }
0x9e: {  	[timem:s8], [sflag:s22] =	dma.local [hbm:s6], s20  }
0x9f: {  	_ =	swait.ge [sflag:s22], s20  }
0xa0: {  	s5 =	ssub.s32 $0x0, s20;
	[sflag:s22] =	ssyncset.done $0x0  }
0xa1: {  	[sflag:s22] =	ssyncadd.s32 s5;
	_ =	sdelay $0x1  }
0xa2: {  	s23 =	simm.s32 $0x1B8B  }
0xa3: {  	_ =	swait.ge [sflag:s23], $0x1  }
0xa4: {  	[sflag:s23] =	ssyncset.done $0x0  }
0xa5: {  	s25 =	simm.s32 $0x1B8E;
	s24 =	sld [smem:$0x3FFE];
	[sflag:s23] =	ssyncadd.s32 $0xFFFFFFFF  }
0xa6: {  	s26 =	simm.s32 $execute0_lowered;
	[smem:$0x3FD2] =	sst s25  }
0xa7: {  	s6 =	sshll.u32 s26, $0x1;
	_ =	strace $0x80000046;
	[dreg:$0x1] =	wrdreg $0xFFFFFFFF  }
0xa8: {  	s28 =	simm.s32 $_size_execute0_lowered;
	s4 =	sadd.s32 s4, s6;
	[dreg:$0x0] =	wrdreg $0x0  }
0xa9: {  	s6 =	sshll.u32 s28, $0x1;
	[dreg:$0x2] =	wrdreg s4  }
0xaa: {  	[dreg:$0x3] =	wrdreg s6  }
0xab: {  	[dreg:$0x4] =	wrdreg $0xC0  }
0xac: {  	_ =	task [dreg:s8], $0x5FFFF  }
0xad: {  	[dreg:$0x1] =	wrdreg $0xFFFFFFFF  }
0xae: {  	[dreg:$0x0] =	wrdreg $0x60  }
0xaf: {  	[dreg:$0x2] =	wrdreg s2  }
0xb0: {  	[dreg:$0x3] =	wrdreg s18  }
0xb1: {  	[dreg:$0x4] =	wrdreg s24  }
0xb2: {  	[dreg:$0x5] =	wrdreg $0x9  }
0xb3: {  	_ =	task.clear_ibuf [dreg:s8], $0x6FFFF;
	_ =	strace $0x90000046  }
0xb4: {  	s29 =	simm.s32 $0x9;
	_ =	strace $0x80000048  }
0xb5: {  	_ =	swait.ge [sflag:s29], $0x1  }
0xb6: {  	[sflag:s29] =	ssyncadd.s32 $0xFFFFFFFF  }
0xb7: {  	_ =	strace $0x90000048  }
0xb8: {  	_ =	sfence  }
0xb9: {  	s30 =	sld [smem:$0x0];
	_ =	sdelay $0x2  }
0xba: {  	s31 =	sshll.u32 s1, $0xD;
	s1 =	sshrl.u32 s1, $0x2  }
0xbb: {  	s3 =	sand.u32 $0x4000, s31;
	s1 =	sadd.s32 s1, s30  }
0xbc: {  	s0 =	sor.u32 s3, s0;
	s1 =	sshll.u32 s1, $0x11  }
0xbd: {  	s0 =	sor.u32 s1, s0  }
0xbe: {  	s0 =	sadd.s32 $0x8F2B, s0  }
0xbf: {  	[sflag:s0] =	ssyncadd.remote.s32 $0x1  }
0xc0: {  	_ =	sfence.sel $0xFFFF  }
0xc1: {  	[dreg:$0x0] =	wrdreg $0xFFFFFFFF;
	(pc) =	sbr.abs _section_cstart, $3  }
0xc2: {  	[dreg:$0x1] =	wrdreg $0xFFFFFFFF  }
0xc3: {  	_ =	task.clear_ibuf [dreg:s8], $0x2FFFF;
	_ =	strace $0x9FFFFFFF  }
0xc4: {  	(tm) =	ssettm $0x7FFFFFFF  }
0xc5: {  	_ =	shalt  }
tec
execute0_lowered:
.L_overlay_start_1:
0x0: {  	(tag) =	ssettag $0x1  }
0x1: {  	s3 =	srdreg.scid  }
0x2: {  	s0 =	rddreg [dreg:$0x0];
	s5 =	stileid.u32;
	s4 =	sand.u32 $0x1, s3  }
0x3: {  	s2 =	rddreg [dreg:$0x1];
	s5 =	sshll.u32 s5, $0x7;
	s6 =	sshll.u32 s4, $0x6  }
0x4: {  	s1 =	rddreg [dreg:$0x2];
	s3 =	simm.s32 $0x0;
	s5 =	sor.u32 s6, s5  }
0x5: {  	[smem:$0x7FF] =	sst s3;
	s1 =	sadd.s32 s5, s1;
	s0 =	sadd.s32 s0, s5  }
0x6: {  	_ =	strace $0x80000047;
	[dreg:$0x4] =	wrdreg s0;
	s17 =	sadd.s32 $0x400, s1  }
0x7: {  	s18 =	sadd.s32 $0xC00, s1;
	[dreg:$0x5] =	wrdreg s17  }
0x8: {  	s19 =	sadd.s32 $0x1400, s1;
	[dreg:$0x6] =	wrdreg s18  }
0x9: {  	s20 =	sadd.s32 $0x1C00, s1;
	[dreg:$0x7] =	wrdreg s19  }
0xa: {  	s21 =	sadd.s32 $0x2400, s1;
	[dreg:$0x8] =	wrdreg s20  }
0xb: {  	s22 =	sadd.s32 $0x2C00, s1;
	[dreg:$0x9] =	wrdreg s21  }
0xc: {  	s23 =	sadd.s32 $0x3400, s1;
	[dreg:$0xa] =	wrdreg s22  }
0xd: {  	s24 =	sadd.s32 $0x3C00, s1;
	[dreg:$0xb] =	wrdreg s23  }
0xe: {  	s25 =	sadd.s32 $0x4400, s1;
	[dreg:$0xc] =	wrdreg s24  }
0xf: {  	s26 =	sadd.s32 $0x4C00, s1;
	[dreg:$0xd] =	wrdreg s25  }
0x10: {  	s5 =	sadd.s32 $0x5400, s1;
	[dreg:$0xe] =	wrdreg s26  }
0x11: {  	s6 =	sadd.s32 $0x5C00, s1;
	[dreg:$0xf] =	wrdreg s5  }
0x12: {  	s7 =	sadd.s32 $0x6400, s1;
	[dreg:$0x10] =	wrdreg s6  }
0x13: {  	s8 =	sadd.s32 $0x6C00, s1;
	[dreg:$0x11] =	wrdreg s7  }
0x14: {  	s28 =	simm.s32 $0xF280;
	s9 =	sadd.s32 $0x7400, s1;
	[dreg:$0x12] =	wrdreg s8  }
0x15: {  	s29 =	simm.s32 $0x1;
	s10 =	sadd.s32 $0x7C00, s1;
	[dreg:$0x13] =	wrdreg s9  }
0x16: {  	s30 =	simm.s32 $0x10280;
	s11 =	sadd.s32 $0x8400, s1;
	[dreg:$0x14] =	wrdreg s10  }
0x17: {  	s31 =	simm.s32 $0x2;
	s12 =	sadd.s32 $0x8C00, s1;
	[dreg:$0x15] =	wrdreg s11  }
0x18: {  	s4 =	ssub.s32 $0x2, s4;
	s13 =	sadd.s32 $0x9400, s1;
	[dreg:$0x16] =	wrdreg s12  }
0x19: {  	s16 =	sshrl.u32 s4, $0x1;
	s14 =	sadd.s32 $0x9C00, s1;
	[dreg:$0x17] =	wrdreg s13  }
0x1a: {  	s4 =	ssub.s32 s4, s16;
	s15 =	sadd.s32 $0xA400, s1;
	[dreg:$0x18] =	wrdreg s14  }
0x1b: {  	s16 =	sadd.s32 $0xAC00, s1;
	s0 =	simm.s32 $0x3;
	[dreg:$0x19] =	wrdreg s15  }
0x1c: {  	[dreg:$0x1a] =	wrdreg s16;
	s17 =	sadd.s32 $0xB400, s1;
	s18 =	sadd.s32 $0xBC00, s1  }
0x1d: {  	s19 =	sadd.s32 $0xC400, s1;
	s20 =	sadd.s32 $0xCC00, s1;
	[dreg:$0x1b] =	wrdreg s17  }
0x1e: {  	s21 =	sadd.s32 $0xD400, s1;
	s22 =	sadd.s32 $0xDC00, s1;
	[dreg:$0x1c] =	wrdreg s18  }
0x1f: {  	s23 =	sadd.s32 $0xE400, s1;
	s24 =	sadd.s32 $0xEC00, s1;
	[dreg:$0x1d] =	wrdreg s19  }
0x20: {  	s25 =	sadd.s32 $0xF400, s1;
	s26 =	sadd.s32 $0xFC00, s1;
	[dreg:$0x1e] =	wrdreg s20  }
0x21: {  	s8 =	smax.u32 s4, $0x1;
	s9 =	simm.s32 $0x4;
	[dreg:$0x1f] =	wrdreg s21  }
0x22: {  	s10 =	simm.s32 $0x400;
	s11 =	simm.s32 $0x7A1400;
	[smem:$0x7F9] =	sst s22  }
0x23: {  	s12 =	simm.s32 $0x280;
	s13 =	simm.s32 $0x1280;
	[smem:$0x7FA] =	sst s23  }
0x24: {  	s14 =	simm.s32 $0x2280;
	s15 =	simm.s32 $0x3280;
	[smem:$0x7FB] =	sst s24  }
.Ltmp0:
0x25: {  	s16 =	simm.s32 $0x4280;
	[smem:$0x7FC] =	sst s25;
	(pc) =	sbr.rel .LBB2_1-.Ltmp0, $4  }
0x26: {  	v1 =	vlaneseq.u32;
	s1 =	simm.s32 $0x0;
	[smem:$0x7FD] =	sst s26;
	s17 =	simm.s32 $0x5280  }
0x27: {  	v0 =	vmul.u32 $0x80, v1;
	v1 =	vmul.u32 $0x200, v1;
	s18 =	simm.s32 $0x6280;
	s19 =	simm.s32 $0x7280;
	s20 =	simm.s32 $0x8280  }
0x28: {  	s21 =	simm.s32 $0x9280;
	s22 =	simm.s32 $0xA280;
	s23 =	simm.s32 $0xB280  }
0x29: {  	v2 =	vor.u32 $0x800, v0;
	v3 =	vor.u32 $0x2000, v1;
	s24 =	simm.s32 $0xC280;
	s25 =	simm.s32 $0xD280;
	s26 =	simm.s32 $0xE280  }
.LBB2_5:
0x2a: {  	s4 =	rddreg [dreg:$0x5]  }
0x2b: {  	[hbm4b:s4+s3] =	stream.linear.scatter [tilespmem:s30], [sflag:$0x3], $0x200, $0x38;
	[tilespmem:$0x14280] =	vst v63  }
0x2c: {  	s7 =	rddreg [dreg:$0x6];
	s5 =	simm.s32 $0x10480  }
0x2d: {  	[hbm4b:s7+s3] =	stream.linear.scatter [tilespmem:s5], [sflag:$0x3], $0x200, $0x38;
	[tilespmem:$0x14280] =	vst v63  }
0x2e: {  	s6 =	rddreg [dreg:$0x7];
	s7 =	simm.s32 $0x10680  }
0x2f: {  	[hbm4b:s6+s3] =	stream.linear.scatter [tilespmem:s7], [sflag:$0x3], $0x200, $0x38;
	[tilespmem:$0x14280] =	vst v63  }
0x30: {  	s6 =	rddreg [dreg:$0x8];
	s7 =	simm.s32 $0x10880  }
0x31: {  	[hbm4b:s6+s3] =	stream.linear.scatter [tilespmem:s7], [sflag:$0x3], $0x200, $0x38;
	[tilespmem:$0x14280] =	vst v63  }
0x32: {  	s6 =	rddreg [dreg:$0x9];
	s7 =	simm.s32 $0x10A80  }
0x33: {  	[hbm4b:s6+s3] =	stream.linear.scatter [tilespmem:s7], [sflag:$0x3], $0x200, $0x38;
	[tilespmem:$0x14280] =	vst v63  }
0x34: {  	s6 =	rddreg [dreg:$0xa];
	s7 =	simm.s32 $0x10C80  }
0x35: {  	[hbm4b:s6+s3] =	stream.linear.scatter [tilespmem:s7], [sflag:$0x3], $0x200, $0x38;
	[tilespmem:$0x14280] =	vst v63  }
0x36: {  	s6 =	rddreg [dreg:$0xb];
	s7 =	simm.s32 $0x10E80  }
0x37: {  	[hbm4b:s6+s3] =	stream.linear.scatter [tilespmem:s7], [sflag:$0x3], $0x200, $0x38;
	[tilespmem:$0x14280] =	vst v63  }
0x38: {  	s6 =	rddreg [dreg:$0xc];
	s7 =	simm.s32 $0x11080  }
0x39: {  	[hbm4b:s6+s3] =	stream.linear.scatter [tilespmem:s7], [sflag:$0x3], $0x200, $0x38;
	[tilespmem:$0x14280] =	vst v63  }
0x3a: {  	s6 =	rddreg [dreg:$0xd];
	s7 =	simm.s32 $0x11280  }
0x3b: {  	[hbm4b:s6+s3] =	stream.linear.scatter [tilespmem:s7], [sflag:$0x3], $0x200, $0x38;
	[tilespmem:$0x14280] =	vst v63  }
0x3c: {  	s6 =	rddreg [dreg:$0xe];
	s7 =	simm.s32 $0x11480  }
0x3d: {  	[hbm4b:s6+s3] =	stream.linear.scatter [tilespmem:s7], [sflag:$0x3], $0x200, $0x38;
	[tilespmem:$0x14280] =	vst v63  }
0x3e: {  	s6 =	rddreg [dreg:$0xf];
	s7 =	simm.s32 $0x11680  }
0x3f: {  	[hbm4b:s6+s3] =	stream.linear.scatter [tilespmem:s7], [sflag:$0x3], $0x200, $0x38;
	[tilespmem:$0x14280] =	vst v63  }
0x40: {  	s6 =	rddreg [dreg:$0x10];
	s7 =	simm.s32 $0x11880  }
0x41: {  	[hbm4b:s6+s3] =	stream.linear.scatter [tilespmem:s7], [sflag:$0x3], $0x200, $0x38;
	[tilespmem:$0x14280] =	vst v63  }
0x42: {  	s6 =	rddreg [dreg:$0x11];
	s7 =	simm.s32 $0x11A80  }
0x43: {  	[hbm4b:s6+s3] =	stream.linear.scatter [tilespmem:s7], [sflag:$0x3], $0x200, $0x38;
	[tilespmem:$0x14280] =	vst v63  }
0x44: {  	s6 =	rddreg [dreg:$0x12];
	s7 =	simm.s32 $0x11C80  }
0x45: {  	[hbm4b:s6+s3] =	stream.linear.scatter [tilespmem:s7], [sflag:$0x3], $0x200, $0x38;
	[tilespmem:$0x14280] =	vst v63  }
0x46: {  	s6 =	rddreg [dreg:$0x13];
	s7 =	simm.s32 $0x11E80  }
0x47: {  	[hbm4b:s6+s3] =	stream.linear.scatter [tilespmem:s7], [sflag:$0x3], $0x200, $0x38;
	[tilespmem:$0x14280] =	vst v63  }
0x48: {  	s6 =	rddreg [dreg:$0x14];
	s7 =	simm.s32 $0x12080  }
0x49: {  	[hbm4b:s6+s3] =	stream.linear.scatter [tilespmem:s7], [sflag:$0x3], $0x200, $0x38;
	[tilespmem:$0x14280] =	vst v63  }
0x4a: {  	s6 =	rddreg [dreg:$0x15];
	s7 =	simm.s32 $0x12280  }
0x4b: {  	[hbm4b:s6+s3] =	stream.linear.scatter [tilespmem:s7], [sflag:$0x3], $0x200, $0x38;
	[tilespmem:$0x14280] =	vst v63  }
0x4c: {  	s6 =	rddreg [dreg:$0x16];
	s7 =	simm.s32 $0x12480  }
0x4d: {  	[hbm4b:s6+s3] =	stream.linear.scatter [tilespmem:s7], [sflag:$0x3], $0x200, $0x38;
	[tilespmem:$0x14280] =	vst v63  }
0x4e: {  	s6 =	rddreg [dreg:$0x17];
	s7 =	simm.s32 $0x12680  }
0x4f: {  	[hbm4b:s6+s3] =	stream.linear.scatter [tilespmem:s7], [sflag:$0x3], $0x200, $0x38;
	[tilespmem:$0x14280] =	vst v63  }
0x50: {  	s6 =	rddreg [dreg:$0x18];
	s7 =	simm.s32 $0x12880  }
0x51: {  	[hbm4b:s6+s3] =	stream.linear.scatter [tilespmem:s7], [sflag:$0x3], $0x200, $0x38;
	[tilespmem:$0x14280] =	vst v63  }
0x52: {  	s6 =	rddreg [dreg:$0x19];
	s7 =	simm.s32 $0x12A80  }
0x53: {  	[hbm4b:s6+s3] =	stream.linear.scatter [tilespmem:s7], [sflag:$0x3], $0x200, $0x38;
	[tilespmem:$0x14280] =	vst v63  }
0x54: {  	s6 =	rddreg [dreg:$0x1a];
	s7 =	simm.s32 $0x12C80  }
0x55: {  	[hbm4b:s6+s3] =	stream.linear.scatter [tilespmem:s7], [sflag:$0x3], $0x200, $0x38;
	[tilespmem:$0x14280] =	vst v63  }
0x56: {  	s6 =	rddreg [dreg:$0x1b];
	s7 =	simm.s32 $0x12E80  }
0x57: {  	[hbm4b:s6+s3] =	stream.linear.scatter [tilespmem:s7], [sflag:$0x3], $0x200, $0x38;
	[tilespmem:$0x14280] =	vst v63  }
0x58: {  	s6 =	rddreg [dreg:$0x1c];
	s7 =	simm.s32 $0x13080  }
0x59: {  	[hbm4b:s6+s3] =	stream.linear.scatter [tilespmem:s7], [sflag:$0x3], $0x200, $0x38;
	[tilespmem:$0x14280] =	vst v63  }
0x5a: {  	s6 =	rddreg [dreg:$0x1d];
	s7 =	simm.s32 $0x13280  }
0x5b: {  	[hbm4b:s6+s3] =	stream.linear.scatter [tilespmem:s7], [sflag:$0x3], $0x200, $0x38;
	[tilespmem:$0x14280] =	vst v63  }
0x5c: {  	s6 =	rddreg [dreg:$0x1e];
	s7 =	simm.s32 $0x13480  }
0x5d: {  	[hbm4b:s6+s3] =	stream.linear.scatter [tilespmem:s7], [sflag:$0x3], $0x200, $0x38;
	[tilespmem:$0x14280] =	vst v63  }
0x5e: {  	s6 =	rddreg [dreg:$0x1f];
	s7 =	simm.s32 $0x13680  }
0x5f: {  	[hbm4b:s6+s3] =	stream.linear.scatter [tilespmem:s7], [sflag:$0x3], $0x200, $0x38;
	[tilespmem:$0x14280] =	vst v63  }
0x60: {  	s6 =	sld [smem:$0x7F9];
	_ =	sdelay $0x1  }
0x61: {  	s7 =	simm.s32 $0x13880  }
0x62: {  	[hbm4b:s6+s3] =	stream.linear.scatter [tilespmem:s7], [sflag:$0x3], $0x200, $0x38;
	[tilespmem:$0x14280] =	vst v63  }
0x63: {  	s6 =	sld [smem:$0x7FA];
	_ =	sdelay $0x1  }
0x64: {  	s7 =	simm.s32 $0x13A80  }
0x65: {  	[hbm4b:s6+s3] =	stream.linear.scatter [tilespmem:s7], [sflag:$0x3], $0x200, $0x38;
	[tilespmem:$0x14280] =	vst v63  }
0x66: {  	s6 =	sld [smem:$0x7FB];
	_ =	sdelay $0x1  }
0x67: {  	s7 =	simm.s32 $0x13C80  }
0x68: {  	[hbm4b:s6+s3] =	stream.linear.scatter [tilespmem:s7], [sflag:$0x3], $0x200, $0x38;
	[tilespmem:$0x14280] =	vst v63  }
0x69: {  	s6 =	sld [smem:$0x7FC];
	_ =	sdelay $0x1  }
0x6a: {  	s7 =	simm.s32 $0x13E80  }
0x6b: {  	[hbm4b:s6+s3] =	stream.linear.scatter [tilespmem:s7], [sflag:$0x3], $0x200, $0x38;
	[tilespmem:$0x14280] =	vst v63  }
0x6c: {  	s6 =	sld [smem:$0x7FD];
	_ =	sdelay $0x1  }
0x6d: {  	s7 =	simm.s32 $0x14080  }
0x6e: {  	[hbm4b:s6+s3] =	stream.linear.scatter [tilespmem:s7], [sflag:$0x3], $0x200, $0x38;
	[tilespmem:$0x14280] =	vst v63  }
0x6f: {  	_ =	swait.ge [sflag:s0], $0x200  }
0x70: {  	[sflag:s0] =	ssyncset.done $0x0  }
0x71: {  	[sflag:s0] =	ssyncadd.s32 $0xFFFFFE00  }
0x72: {  	_ =	swait.ge [sflag:s0], $0x200  }
0x73: {  	[sflag:s0] =	ssyncset.done $0x0  }
0x74: {  	[sflag:s0] =	ssyncadd.s32 $0xFFFFFE00  }
0x75: {  	_ =	swait.ge [sflag:s0], $0x200  }
0x76: {  	[sflag:s0] =	ssyncset.done $0x0  }
0x77: {  	[sflag:s0] =	ssyncadd.s32 $0xFFFFFE00  }
0x78: {  	_ =	swait.ge [sflag:s0], $0x200  }
0x79: {  	[sflag:s0] =	ssyncset.done $0x0  }
0x7a: {  	[sflag:s0] =	ssyncadd.s32 $0xFFFFFE00  }
0x7b: {  	_ =	swait.ge [sflag:s0], $0x200  }
0x7c: {  	[sflag:s0] =	ssyncset.done $0x0  }
0x7d: {  	[sflag:s0] =	ssyncadd.s32 $0xFFFFFE00  }
0x7e: {  	_ =	swait.ge [sflag:s0], $0x200  }
0x7f: {  	[sflag:s0] =	ssyncset.done $0x0  }
0x80: {  	[sflag:s0] =	ssyncadd.s32 $0xFFFFFE00  }
0x81: {  	_ =	swait.ge [sflag:s0], $0x200  }
0x82: {  	[sflag:s0] =	ssyncset.done $0x0  }
0x83: {  	[sflag:s0] =	ssyncadd.s32 $0xFFFFFE00  }
0x84: {  	_ =	swait.ge [sflag:s0], $0x200  }
0x85: {  	[sflag:s0] =	ssyncset.done $0x0  }
0x86: {  	[sflag:s0] =	ssyncadd.s32 $0xFFFFFE00  }
0x87: {  	_ =	swait.ge [sflag:s0], $0x200  }
0x88: {  	[sflag:s0] =	ssyncset.done $0x0  }
0x89: {  	[sflag:s0] =	ssyncadd.s32 $0xFFFFFE00  }
0x8a: {  	_ =	swait.ge [sflag:s0], $0x200  }
0x8b: {  	[sflag:s0] =	ssyncset.done $0x0  }
0x8c: {  	[sflag:s0] =	ssyncadd.s32 $0xFFFFFE00  }
0x8d: {  	_ =	swait.ge [sflag:s0], $0x200  }
0x8e: {  	[sflag:s0] =	ssyncset.done $0x0  }
0x8f: {  	[sflag:s0] =	ssyncadd.s32 $0xFFFFFE00  }
0x90: {  	_ =	swait.ge [sflag:s0], $0x200  }
0x91: {  	[sflag:s0] =	ssyncset.done $0x0  }
0x92: {  	[sflag:s0] =	ssyncadd.s32 $0xFFFFFE00  }
0x93: {  	_ =	swait.ge [sflag:s0], $0x200  }
0x94: {  	[sflag:s0] =	ssyncset.done $0x0  }
0x95: {  	[sflag:s0] =	ssyncadd.s32 $0xFFFFFE00  }
0x96: {  	_ =	swait.ge [sflag:s0], $0x200  }
0x97: {  	[sflag:s0] =	ssyncset.done $0x0  }
0x98: {  	[sflag:s0] =	ssyncadd.s32 $0xFFFFFE00  }
0x99: {  	_ =	swait.ge [sflag:s0], $0x200  }
0x9a: {  	[sflag:s0] =	ssyncset.done $0x0  }
0x9b: {  	[sflag:s0] =	ssyncadd.s32 $0xFFFFFE00  }
0x9c: {  	_ =	swait.ge [sflag:s0], $0x200  }
0x9d: {  	[sflag:s0] =	ssyncset.done $0x0  }
0x9e: {  	[sflag:s0] =	ssyncadd.s32 $0xFFFFFE00  }
0x9f: {  	_ =	swait.ge [sflag:s0], $0x200  }
0xa0: {  	[sflag:s0] =	ssyncset.done $0x0  }
0xa1: {  	[sflag:s0] =	ssyncadd.s32 $0xFFFFFE00  }
0xa2: {  	_ =	swait.ge [sflag:s0], $0x200  }
0xa3: {  	[sflag:s0] =	ssyncset.done $0x0  }
0xa4: {  	[sflag:s0] =	ssyncadd.s32 $0xFFFFFE00  }
0xa5: {  	_ =	swait.ge [sflag:s0], $0x200  }
0xa6: {  	[sflag:s0] =	ssyncset.done $0x0  }
0xa7: {  	[sflag:s0] =	ssyncadd.s32 $0xFFFFFE00  }
0xa8: {  	_ =	swait.ge [sflag:s0], $0x200  }
0xa9: {  	[sflag:s0] =	ssyncset.done $0x0  }
0xaa: {  	[sflag:s0] =	ssyncadd.s32 $0xFFFFFE00  }
0xab: {  	_ =	swait.ge [sflag:s0], $0x200  }
0xac: {  	[sflag:s0] =	ssyncset.done $0x0  }
0xad: {  	[sflag:s0] =	ssyncadd.s32 $0xFFFFFE00  }
0xae: {  	_ =	swait.ge [sflag:s0], $0x200  }
0xaf: {  	[sflag:s0] =	ssyncset.done $0x0  }
0xb0: {  	[sflag:s0] =	ssyncadd.s32 $0xFFFFFE00  }
0xb1: {  	_ =	swait.ge [sflag:s0], $0x200  }
0xb2: {  	[sflag:s0] =	ssyncset.done $0x0  }
0xb3: {  	[sflag:s0] =	ssyncadd.s32 $0xFFFFFE00  }
0xb4: {  	_ =	swait.ge [sflag:s0], $0x200  }
0xb5: {  	[sflag:s0] =	ssyncset.done $0x0  }
0xb6: {  	[sflag:s0] =	ssyncadd.s32 $0xFFFFFE00  }
0xb7: {  	_ =	swait.ge [sflag:s0], $0x200  }
0xb8: {  	[sflag:s0] =	ssyncset.done $0x0  }
0xb9: {  	[sflag:s0] =	ssyncadd.s32 $0xFFFFFE00  }
0xba: {  	_ =	swait.ge [sflag:s0], $0x200  }
0xbb: {  	[sflag:s0] =	ssyncset.done $0x0  }
0xbc: {  	[sflag:s0] =	ssyncadd.s32 $0xFFFFFE00  }
0xbd: {  	_ =	swait.ge [sflag:s0], $0x200  }
0xbe: {  	[sflag:s0] =	ssyncset.done $0x0  }
0xbf: {  	[sflag:s0] =	ssyncadd.s32 $0xFFFFFE00  }
0xc0: {  	_ =	swait.ge [sflag:s0], $0x200  }
0xc1: {  	[sflag:s0] =	ssyncset.done $0x0  }
0xc2: {  	[sflag:s0] =	ssyncadd.s32 $0xFFFFFE00  }
0xc3: {  	_ =	swait.ge [sflag:s0], $0x200  }
0xc4: {  	[sflag:s0] =	ssyncset.done $0x0  }
0xc5: {  	[sflag:s0] =	ssyncadd.s32 $0xFFFFFE00  }
0xc6: {  	_ =	swait.ge [sflag:s0], $0x200  }
0xc7: {  	[sflag:s0] =	ssyncset.done $0x0  }
0xc8: {  	s1 =	sadd.s32 $0x1, s1;
	[sflag:s0] =	ssyncadd.s32 $0xFFFFFE00  }
0xc9: {  	p0 =	sne.s32 s1, s8;
	_ =	swait.ge [sflag:s0], $0x200  }
.Ltmp1:
0xca: {  	[sflag:s0] =	ssyncset.done $0x0;
	(pc) =	sbr.rel @!p0 .LBB2_6-.Ltmp1, $4  }
0xcb: {  	[sflag:s0] =	ssyncadd.s32 $0xFFFFFE00  }
0xcc: {  	_ =	swait.ge [sflag:s0], $0x200  }
0xcd: {  	[sflag:s0] =	ssyncset.done $0x0  }
0xce: {  	[sflag:s0] =	ssyncadd.s32 $0xFFFFFE00  }
.LBB2_1:
0xcf: {  	s4 =	rddreg [dreg:$0x4]  }
0xd0: {  	[tilespmem:s3], [sflag:$0x4] =	stream.linear.gather [hbm4b:s4+s3], $0x200, $0x38;
	[tilespmem:$0x14280] =	vst v63  }
0xd1: {  	_ =	swait.ge [sflag:s9], $0x200  }
0xd2: {  	[sflag:s9] =	ssyncset.done $0x0  }
0xd3: {  	[sflag:s9] =	ssyncadd.s32 $0xFFFFFE00  }
0xd4: {  	v4 =	vld [tilespmem:$0x0];
	_ =	sdelay $0x4  }
0xd5: {  	(v2sf) =	vpush v4, $0x0;
	_ =	sdelay $0x2  }
0xd6: {  	(v2sf) =	vpush v4, $0x1;
	_ =	sdelay $0x3  }
0xd7: {  	(v2sf) =	vpush v4, $0x2;
	_ =	sdelay $0x7  }
0xd8: {  	s7 =	spop (v2sf);
	(v2sf) =	vpush v4, $0x3  }
0xd9: {  	s5 =	sshra.s32 s7, $0x1F  }
0xda: {  	s5 =	sshrl.u32 s5, $0x19  }
0xdb: {  	s6 =	spop (v2sf);
	(v2sf) =	vpush v4, $0x4;
	s4 =	sadd.s32 s5, s7  }
0xdc: {  	s7 =	sshra.s32 s6, $0x1F;
	s4 =	sand.u32 $0x1FFFFF80, s4  }
0xdd: {  	s5 =	sshrl.u32 s7, $0x19;
	s4 =	sadd.s32 s2, s4  }
0xde: {  	[tilespmem:s12], [sflag:$0x1] =	stream.strided.gather [hbm4b:s4+s10], $0x1000, s11, s10, $0x38;
	[tilespmem:$0x14280] =	vst v63  }
0xdf: {  	s4 =	sadd.s32 s5, s6;
	s6 =	spop (v2sf)  }
0xe0: {  	(v2sf) =	vpush v4, $0x5;
	s4 =	sand.u32 $0x1FFFFF80, s4;
	s7 =	sshra.s32 s6, $0x1F  }
0xe1: {  	s4 =	sadd.s32 s2, s4;
	s5 =	sshrl.u32 s7, $0x19  }
0xe2: {  	[tilespmem:s13], [sflag:$0x1] =	stream.strided.gather [hbm4b:s4+s10], $0x1000, s11, s10, $0x38;
	[tilespmem:$0x14280] =	vst v63  }
0xe3: {  	s4 =	sadd.s32 s5, s6  }
0xe4: {  	s4 =	sand.u32 $0x1FFFFF80, s4  }
0xe5: {  	s4 =	sadd.s32 s2, s4  }
0xe6: {  	[tilespmem:s14], [sflag:$0x1] =	stream.strided.gather [hbm4b:s4+s10], $0x1000, s11, s10, $0x38;
	[tilespmem:$0x14280] =	vst v63  }
0xe7: {  	s6 =	spop (v2sf)  }
0xe8: {  	(v2sf) =	vpush v4, $0x6;
	s7 =	sshra.s32 s6, $0x1F  }
0xe9: {  	s5 =	sshrl.u32 s7, $0x19  }
0xea: {  	s4 =	sadd.s32 s5, s6;
	s6 =	spop (v2sf)  }
0xeb: {  	(v2sf) =	vpush v4, $0x7;
	s4 =	sand.u32 $0x1FFFFF80, s4;
	s7 =	sshra.s32 s6, $0x1F  }
0xec: {  	s4 =	sadd.s32 s2, s4;
	s5 =	sshrl.u32 s7, $0x19  }
0xed: {  	[tilespmem:s15], [sflag:$0x1] =	stream.strided.gather [hbm4b:s4+s10], $0x1000, s11, s10, $0x38;
	[tilespmem:$0x14280] =	vst v63  }
0xee: {  	s4 =	sadd.s32 s5, s6  }
0xef: {  	s6 =	spop (v2sf);
	s4 =	sand.u32 $0x1FFFFF80, s4  }
0xf0: {  	s7 =	sshra.s32 s6, $0x1F;
	s4 =	sadd.s32 s2, s4  }
0xf1: {  	[tilespmem:s16], [sflag:$0x1] =	stream.strided.gather [hbm4b:s4+s10], $0x1000, s11, s10, $0x38;
	[tilespmem:$0x14280] =	vst v63  }
0xf2: {  	s4 =	sshrl.u32 s7, $0x19  }
0xf3: {  	s4 =	sadd.s32 s4, s6  }
0xf4: {  	s4 =	sand.u32 $0x1FFFFF80, s4  }
0xf5: {  	s4 =	sadd.s32 s2, s4  }
0xf6: {  	[tilespmem:s17], [sflag:$0x1] =	stream.strided.gather [hbm4b:s4+s10], $0x1000, s11, s10, $0x38;
	[tilespmem:$0x14280] =	vst v63  }
0xf7: {  	s6 =	spop (v2sf)  }
0xf8: {  	s7 =	sshra.s32 s6, $0x1F  }
0xf9: {  	s4 =	sshrl.u32 s7, $0x19  }
0xfa: {  	s4 =	sadd.s32 s4, s6;
	s6 =	spop (v2sf)  }
0xfb: {  	s4 =	sand.u32 $0x1FFFFF80, s4;
	s7 =	sshra.s32 s6, $0x1F  }
0xfc: {  	s4 =	sadd.s32 s2, s4;
	s5 =	sshrl.u32 s7, $0x19  }
0xfd: {  	[tilespmem:s18], [sflag:$0x1] =	stream.strided.gather [hbm4b:s4+s10], $0x1000, s11, s10, $0x38;
	[tilespmem:$0x14280] =	vst v63  }
.Ltmp2:
0xfe: {  	s4 =	sadd.s32 s5, s6;
	(pc) =	sbr.rel .LBB2_2-.Ltmp2, $4  }
0xff: {  	s4 =	sand.u32 $0x1FFFFF80, s4  }
0x100: {  	s4 =	sadd.s32 s2, s4  }
0x101: {  	[tilespmem:s19], [sflag:$0x1] =	stream.strided.gather [hbm4b:s4+s10], $0x1000, s11, s10, $0x38;
	[tilespmem:$0x14280] =	vst v63  }
0x102: {  	s5 =	simm.s32 $0x0;
	s4 =	simm.s32 $0x8  }
.LBB2_4:
0x103: {  	_ =	swait.ge [sflag:s31], $0x1000  }
0x104: {  	[sflag:s31] =	ssyncset.done $0x0  }
0x105: {  	[sflag:s31] =	ssyncadd.s32 $0xFFFFF000  }
0x106: {  	_ =	swait.ge [sflag:s31], $0x1000  }
0x107: {  	[sflag:s31] =	ssyncset.done $0x0  }
0x108: {  	[sflag:s31] =	ssyncadd.s32 $0xFFFFF000  }
0x109: {  	_ =	swait.ge [sflag:s31], $0x1000  }
0x10a: {  	[sflag:s31] =	ssyncset.done $0x0  }
0x10b: {  	[sflag:s31] =	ssyncadd.s32 $0xFFFFF000  }
0x10c: {  	_ =	swait.ge [sflag:s31], $0x1000  }
0x10d: {  	[sflag:s31] =	ssyncset.done $0x0  }
0x10e: {  	[sflag:s31] =	ssyncadd.s32 $0xFFFFF000  }
0x10f: {  	_ =	swait.ge [sflag:s31], $0x1000  }
0x110: {  	[sflag:s31] =	ssyncset.done $0x0  }
0x111: {  	[sflag:s31] =	ssyncadd.s32 $0xFFFFF000  }
0x112: {  	_ =	swait.ge [sflag:s31], $0x1000  }
0x113: {  	[sflag:s31] =	ssyncset.done $0x0  }
0x114: {  	[sflag:s31] =	ssyncadd.s32 $0xFFFFF000  }
0x115: {  	_ =	swait.ge [sflag:s31], $0x1000  }
0x116: {  	[sflag:s31] =	ssyncset.done $0x0  }
0x117: {  	[sflag:s31] =	ssyncadd.s32 $0xFFFFF000  }
0x118: {  	_ =	swait.ge [sflag:s31], $0x1000  }
0x119: {  	[sflag:s31] =	ssyncset.done $0x0  }
0x11a: {  	[sflag:s31] =	ssyncadd.s32 $0xFFFFF000  }
0x11b: {  	v4 =	vld [tilespmem:s4+$0x0];
	_ =	sdelay $0x4  }
0x11c: {  	(v2sf) =	vpush v4, $0x0;
	_ =	sdelay $0x6  }
0x11d: {  	(v2sf) =	vpush v4, $0x1;
	_ =	sdelay $0x6  }
0x11e: {  	(v2sf) =	vpush v4, $0x2  }
0x11f: {  	s6 =	spop (v2sf)  }
0x120: {  	s6 =	sand.u32 $0x7F, s6  }
0x121: {  	v5 =	vor.u32 s6, v0  }
0x122: {  	v6 =	vor.u32 s6, v2;
	_ =	sdelay $0x2  }
0x123: {  	(v2sf) =	vpush v4, $0x3;
	s6 =	sadd.s32 $0x8, s5  }
0x124: {  	s7 =	spop (v2sf);
	v7 =	vor.u32 s6, v1;
	v5 =	vld.idx.msk [tilespmem:v5+s20+$0x0], $0xffff  }
0x125: {  	s7 =	sand.u32 $0x7F, s7;
	v8 =	vor.u32 s6, v3;
	v6 =	vld.idx.msk [tilespmem:v6+s20+$0x0], $0xffff  }
0x126: {  	v9 =	vor.u32 s7, v0  }
0x127: {  	v10 =	vor.u32 s7, v2;
	_ =	sdelay $0x1  }
0x128: {  	[tilespmem:v7+s30+$0x0] =	vst.idx.msk $0xffff, v5  }
0x129: {  	(v2sf) =	vpush v4, $0x4;
	s6 =	sadd.s32 $0x9, s5;
	[tilespmem:v8+s30+$0x0] =	vst.idx.msk $0xffff, v6  }
0x12a: {  	s7 =	spop (v2sf);
	v42 =	vor.u32 s6, v1;
	v5 =	vld.idx.msk [tilespmem:v9+s21+$0x0], $0xffff  }
0x12b: {  	v43 =	vor.u32 s6, v3;
	s7 =	sand.u32 $0x7F, s7;
	v7 =	vld.idx.msk [tilespmem:v10+s21+$0x0], $0xffff  }
0x12c: {  	v44 =	vor.u32 s7, v0  }
0x12d: {  	v45 =	vor.u32 s7, v2;
	_ =	sdelay $0x1  }
0x12e: {  	[tilespmem:v42+s30+$0x0] =	vst.idx.msk $0xffff, v5  }
0x12f: {  	(v2sf) =	vpush v4, $0x5;
	s6 =	sadd.s32 $0xA, s5;
	[tilespmem:v43+s30+$0x0] =	vst.idx.msk $0xffff, v7  }
0x130: {  	v46 =	vor.u32 s6, v1;
	s7 =	spop (v2sf);
	v5 =	vld.idx.msk [tilespmem:v44+s22+$0x0], $0xffff  }
0x131: {  	v47 =	vor.u32 s6, v3;
	s7 =	sand.u32 $0x7F, s7;
	v7 =	vld.idx.msk [tilespmem:v45+s22+$0x0], $0xffff  }
0x132: {  	v48 =	vor.u32 s7, v0  }
0x133: {  	v49 =	vor.u32 s7, v2;
	_ =	sdelay $0x1  }
0x134: {  	[tilespmem:v46+s30+$0x0] =	vst.idx.msk $0xffff, v5  }
0x135: {  	s6 =	sadd.s32 $0xB, s5;
	(v2sf) =	vpush v4, $0x6;
	[tilespmem:v47+s30+$0x0] =	vst.idx.msk $0xffff, v7  }
0x136: {  	v50 =	vor.u32 s6, v1;
	s7 =	spop (v2sf);
	v5 =	vld.idx.msk [tilespmem:v48+s23+$0x0], $0xffff  }
0x137: {  	v51 =	vor.u32 s6, v3;
	s7 =	sand.u32 $0x7F, s7;
	v7 =	vld.idx.msk [tilespmem:v49+s23+$0x0], $0xffff  }
0x138: {  	v52 =	vor.u32 s7, v0  }
0x139: {  	v53 =	vor.u32 s7, v2;
	_ =	sdelay $0x1  }
0x13a: {  	[tilespmem:v50+s30+$0x0] =	vst.idx.msk $0xffff, v5  }
0x13b: {  	s6 =	sadd.s32 $0xC, s5;
	(v2sf) =	vpush v4, $0x7;
	[tilespmem:v51+s30+$0x0] =	vst.idx.msk $0xffff, v7  }
0x13c: {  	s7 =	spop (v2sf);
	v5 =	vor.u32 s6, v1;
	v4 =	vld.idx.msk [tilespmem:v52+s24+$0x0], $0xffff  }
0x13d: {  	v54 =	vor.u32 s6, v3;
	s7 =	sand.u32 $0x7F, s7;
	v6 =	vld.idx.msk [tilespmem:v53+s24+$0x0], $0xffff  }
0x13e: {  	v55 =	vor.u32 s7, v0  }
0x13f: {  	v56 =	vor.u32 s7, v2;
	_ =	sdelay $0x1  }
0x140: {  	[tilespmem:v5+s30+$0x0] =	vst.idx.msk $0xffff, v4  }
0x141: {  	s6 =	sadd.s32 $0xD, s5;
	[tilespmem:v54+s30+$0x0] =	vst.idx.msk $0xffff, v6  }
0x142: {  	s7 =	spop (v2sf);
	v5 =	vor.u32 s6, v1;
	v4 =	vld.idx.msk [tilespmem:v55+s25+$0x0], $0xffff  }
0x143: {  	s7 =	sand.u32 $0x7F, s7;
	v57 =	vor.u32 s6, v3;
	v6 =	vld.idx.msk [tilespmem:v56+s25+$0x0], $0xffff  }
0x144: {  	v58 =	vor.u32 s7, v0  }
0x145: {  	v59 =	vor.u32 s7, v2;
	_ =	sdelay $0x1  }
0x146: {  	[tilespmem:v5+s30+$0x0] =	vst.idx.msk $0xffff, v4  }
0x147: {  	s6 =	sadd.s32 $0xE, s5;
	[tilespmem:v57+s30+$0x0] =	vst.idx.msk $0xffff, v6  }
0x148: {  	s7 =	spop (v2sf);
	v5 =	vor.u32 s6, v1;
	v4 =	vld.idx.msk [tilespmem:v58+s26+$0x0], $0xffff  }
0x149: {  	s7 =	sand.u32 $0x7F, s7;
	v60 =	vor.u32 s6, v3;
	v6 =	vld.idx.msk [tilespmem:v59+s26+$0x0], $0xffff  }
0x14a: {  	v61 =	vor.u32 s7, v0  }
0x14b: {  	v62 =	vor.u32 s7, v2;
	_ =	sdelay $0x1  }
0x14c: {  	[tilespmem:v5+s30+$0x0] =	vst.idx.msk $0xffff, v4  }
0x14d: {  	s7 =	sadd.s32 $0xF, s5;
	[tilespmem:v60+s30+$0x0] =	vst.idx.msk $0xffff, v6  }
0x14e: {  	s5 =	sadd.s32 $0x10, s5;
	v5 =	vor.u32 s7, v1;
	v4 =	vld.idx.msk [tilespmem:v61+s28+$0x0], $0xffff  }
0x14f: {  	v63 =	vor.u32 s7, v3;
	p0 =	sne.s32 s5, $0x200;
	v6 =	vld.idx.msk [tilespmem:v62+s28+$0x0], $0xffff  }
.Ltmp3:
0x150: {  	_ = 	snop;
	(pc) =	sbr.rel @!p0 .LBB2_5-.Ltmp3, $3  }
0x151: {  	_ =	sdelay $0x1  }
0x152: {  	[tilespmem:v5+s30+$0x0] =	vst.idx.msk $0xffff, v4  }
0x153: {  	s4 =	sadd.s32 $0x10, s4;
	[tilespmem:v63+s30+$0x0] =	vst.idx.msk $0xffff, v6  }
.LBB2_2:
0x154: {  	v4 =	vld [tilespmem:s4+$0x0];
	_ =	sdelay $0x4  }
0x155: {  	(v2sf) =	vpush v4, $0x0;
	_ =	sdelay $0x6  }
0x156: {  	(v2sf) =	vpush v4, $0x1;
	_ =	sdelay $0x6  }
0x157: {  	(v2sf) =	vpush v4, $0x2  }
0x158: {  	s6 =	spop (v2sf)  }
0x159: {  	s7 =	sshra.s32 s6, $0x1F  }
0x15a: {  	s7 =	sshrl.u32 s7, $0x19  }
0x15b: {  	s6 =	sadd.s32 s7, s6  }
0x15c: {  	s6 =	sand.u32 $0x1FFFFF80, s6  }
0x15d: {  	s6 =	sadd.s32 s2, s6  }
0x15e: {  	(v2sf) =	vpush v4, $0x3;
	[tilespmem:s20], [sflag:$0x2] =	stream.strided.gather [hbm4b:s6+s10], $0x1000, s11, s10, $0x38;
	[tilespmem:$0x14280] =	vst v63  }
0x15f: {  	s6 =	spop (v2sf)  }
0x160: {  	s7 =	sshra.s32 s6, $0x1F  }
0x161: {  	s7 =	sshrl.u32 s7, $0x19  }
0x162: {  	s6 =	sadd.s32 s7, s6  }
0x163: {  	s6 =	sand.u32 $0x1FFFFF80, s6  }
0x164: {  	s6 =	sadd.s32 s2, s6  }
0x165: {  	(v2sf) =	vpush v4, $0x4;
	[tilespmem:s21], [sflag:$0x2] =	stream.strided.gather [hbm4b:s6+s10], $0x1000, s11, s10, $0x38;
	[tilespmem:$0x14280] =	vst v63  }
0x166: {  	s6 =	spop (v2sf)  }
0x167: {  	s7 =	sshra.s32 s6, $0x1F  }
0x168: {  	s7 =	sshrl.u32 s7, $0x19  }
0x169: {  	s6 =	sadd.s32 s7, s6  }
0x16a: {  	s6 =	sand.u32 $0x1FFFFF80, s6  }
0x16b: {  	s6 =	sadd.s32 s2, s6  }
0x16c: {  	(v2sf) =	vpush v4, $0x5;
	[tilespmem:s22], [sflag:$0x2] =	stream.strided.gather [hbm4b:s6+s10], $0x1000, s11, s10, $0x38;
	[tilespmem:$0x14280] =	vst v63  }
0x16d: {  	s6 =	spop (v2sf)  }
0x16e: {  	s7 =	sshra.s32 s6, $0x1F  }
0x16f: {  	s7 =	sshrl.u32 s7, $0x19  }
0x170: {  	s6 =	sadd.s32 s7, s6  }
0x171: {  	s6 =	sand.u32 $0x1FFFFF80, s6  }
0x172: {  	s6 =	sadd.s32 s2, s6  }
0x173: {  	(v2sf) =	vpush v4, $0x6;
	[tilespmem:s23], [sflag:$0x2] =	stream.strided.gather [hbm4b:s6+s10], $0x1000, s11, s10, $0x38;
	[tilespmem:$0x14280] =	vst v63  }
0x174: {  	s6 =	spop (v2sf)  }
0x175: {  	s7 =	sshra.s32 s6, $0x1F  }
0x176: {  	s7 =	sshrl.u32 s7, $0x19  }
0x177: {  	s6 =	sadd.s32 s7, s6  }
0x178: {  	s6 =	sand.u32 $0x1FFFFF80, s6  }
0x179: {  	s6 =	sadd.s32 s2, s6  }
0x17a: {  	(v2sf) =	vpush v4, $0x7;
	[tilespmem:s24], [sflag:$0x2] =	stream.strided.gather [hbm4b:s6+s10], $0x1000, s11, s10, $0x38;
	[tilespmem:$0x14280] =	vst v63  }
0x17b: {  	s6 =	spop (v2sf)  }
0x17c: {  	s7 =	sshra.s32 s6, $0x1F  }
0x17d: {  	s7 =	sshrl.u32 s7, $0x19  }
0x17e: {  	s6 =	sadd.s32 s7, s6  }
0x17f: {  	s6 =	sand.u32 $0x1FFFFF80, s6  }
0x180: {  	s6 =	sadd.s32 s2, s6  }
0x181: {  	[tilespmem:s25], [sflag:$0x2] =	stream.strided.gather [hbm4b:s6+s10], $0x1000, s11, s10, $0x38;
	[tilespmem:$0x14280] =	vst v63  }
0x182: {  	s6 =	spop (v2sf)  }
0x183: {  	s7 =	sshra.s32 s6, $0x1F  }
0x184: {  	s7 =	sshrl.u32 s7, $0x19  }
0x185: {  	s6 =	sadd.s32 s7, s6  }
0x186: {  	s6 =	sand.u32 $0x1FFFFF80, s6  }
0x187: {  	s6 =	sadd.s32 s2, s6  }
0x188: {  	[tilespmem:s26], [sflag:$0x2] =	stream.strided.gather [hbm4b:s6+s10], $0x1000, s11, s10, $0x38;
	[tilespmem:$0x14280] =	vst v63  }
0x189: {  	s6 =	spop (v2sf)  }
0x18a: {  	s7 =	sshra.s32 s6, $0x1F  }
0x18b: {  	s7 =	sshrl.u32 s7, $0x19  }
0x18c: {  	s6 =	sadd.s32 s7, s6  }
0x18d: {  	s6 =	sand.u32 $0x1FFFFF80, s6  }
0x18e: {  	s6 =	sadd.s32 s2, s6  }
0x18f: {  	[tilespmem:s28], [sflag:$0x2] =	stream.strided.gather [hbm4b:s6+s10], $0x1000, s11, s10, $0x38;
	[tilespmem:$0x14280] =	vst v63  }
0x190: {  	_ =	swait.ge [sflag:s29], $0x1000  }
0x191: {  	[sflag:s29] =	ssyncset.done $0x0  }
0x192: {  	[sflag:s29] =	ssyncadd.s32 $0xFFFFF000  }
0x193: {  	_ =	swait.ge [sflag:s29], $0x1000  }
0x194: {  	[sflag:s29] =	ssyncset.done $0x0  }
0x195: {  	[sflag:s29] =	ssyncadd.s32 $0xFFFFF000  }
0x196: {  	_ =	swait.ge [sflag:s29], $0x1000  }
0x197: {  	[sflag:s29] =	ssyncset.done $0x0  }
0x198: {  	[sflag:s29] =	ssyncadd.s32 $0xFFFFF000  }
0x199: {  	_ =	swait.ge [sflag:s29], $0x1000  }
0x19a: {  	[sflag:s29] =	ssyncset.done $0x0  }
0x19b: {  	[sflag:s29] =	ssyncadd.s32 $0xFFFFF000  }
0x19c: {  	_ =	swait.ge [sflag:s29], $0x1000  }
0x19d: {  	[sflag:s29] =	ssyncset.done $0x0  }
0x19e: {  	[sflag:s29] =	ssyncadd.s32 $0xFFFFF000  }
0x19f: {  	_ =	swait.ge [sflag:s29], $0x1000  }
0x1a0: {  	[sflag:s29] =	ssyncset.done $0x0  }
0x1a1: {  	[sflag:s29] =	ssyncadd.s32 $0xFFFFF000  }
0x1a2: {  	_ =	swait.ge [sflag:s29], $0x1000  }
0x1a3: {  	[sflag:s29] =	ssyncset.done $0x0  }
0x1a4: {  	[sflag:s29] =	ssyncadd.s32 $0xFFFFF000  }
0x1a5: {  	_ =	swait.ge [sflag:s29], $0x1000  }
0x1a6: {  	[sflag:s29] =	ssyncset.done $0x0  }
0x1a7: {  	[sflag:s29] =	ssyncadd.s32 $0xFFFFF000  }
0x1a8: {  	v4 =	vld [tilespmem:s4+$0xFFFFFFF8];
	_ =	sdelay $0x4  }
0x1a9: {  	(v2sf) =	vpush v4, $0x0;
	_ =	sdelay $0x6  }
0x1aa: {  	(v2sf) =	vpush v4, $0x1;
	_ =	sdelay $0x6  }
0x1ab: {  	(v2sf) =	vpush v4, $0x2  }
0x1ac: {  	s7 =	spop (v2sf)  }
0x1ad: {  	s6 =	sand.u32 $0x7F, s7  }
0x1ae: {  	v5 =	vor.u32 s6, v0  }
0x1af: {  	v6 =	vor.u32 s6, v2;
	_ =	sdelay $0x2  }
0x1b0: {  	(v2sf) =	vpush v4, $0x3  }
0x1b1: {  	v7 =	vor.u32 s5, v1;
	s7 =	spop (v2sf);
	v5 =	vld.idx.msk [tilespmem:v5+s12+$0x0], $0xffff  }
0x1b2: {  	v8 =	vor.u32 s5, v3;
	s6 =	sand.u32 $0x7F, s7;
	v6 =	vld.idx.msk [tilespmem:v6+s12+$0x0], $0xffff  }
0x1b3: {  	v9 =	vor.u32 s6, v0  }
0x1b4: {  	v10 =	vor.u32 s6, v2;
	_ =	sdelay $0x1  }
0x1b5: {  	[tilespmem:v7+s30+$0x0] =	vst.idx.msk $0xffff, v5  }
0x1b6: {  	(v2sf) =	vpush v4, $0x4;
	s6 =	sadd.s32 $0x1, s5;
	[tilespmem:v8+s30+$0x0] =	vst.idx.msk $0xffff, v6  }
0x1b7: {  	s7 =	spop (v2sf);
	v42 =	vor.u32 s6, v1;
	v5 =	vld.idx.msk [tilespmem:v9+s13+$0x0], $0xffff  }
0x1b8: {  	s7 =	sand.u32 $0x7F, s7;
	v43 =	vor.u32 s6, v3;
	v7 =	vld.idx.msk [tilespmem:v10+s13+$0x0], $0xffff  }
0x1b9: {  	v44 =	vor.u32 s7, v0  }
0x1ba: {  	v45 =	vor.u32 s7, v2;
	_ =	sdelay $0x1  }
0x1bb: {  	[tilespmem:v42+s30+$0x0] =	vst.idx.msk $0xffff, v5  }
0x1bc: {  	(v2sf) =	vpush v4, $0x5;
	s6 =	sadd.s32 $0x2, s5;
	[tilespmem:v43+s30+$0x0] =	vst.idx.msk $0xffff, v7  }
0x1bd: {  	v46 =	vor.u32 s6, v1;
	s7 =	spop (v2sf);
	v5 =	vld.idx.msk [tilespmem:v44+s14+$0x0], $0xffff  }
0x1be: {  	v47 =	vor.u32 s6, v3;
	s7 =	sand.u32 $0x7F, s7;
	v7 =	vld.idx.msk [tilespmem:v45+s14+$0x0], $0xffff  }
0x1bf: {  	v48 =	vor.u32 s7, v0  }
0x1c0: {  	v49 =	vor.u32 s7, v2;
	_ =	sdelay $0x1  }
0x1c1: {  	[tilespmem:v46+s30+$0x0] =	vst.idx.msk $0xffff, v5  }
0x1c2: {  	s6 =	sadd.s32 $0x3, s5;
	(v2sf) =	vpush v4, $0x6;
	[tilespmem:v47+s30+$0x0] =	vst.idx.msk $0xffff, v7  }
0x1c3: {  	v50 =	vor.u32 s6, v1;
	s7 =	spop (v2sf);
	v5 =	vld.idx.msk [tilespmem:v48+s15+$0x0], $0xffff  }
0x1c4: {  	v51 =	vor.u32 s6, v3;
	s7 =	sand.u32 $0x7F, s7;
	v7 =	vld.idx.msk [tilespmem:v49+s15+$0x0], $0xffff  }
0x1c5: {  	v52 =	vor.u32 s7, v0  }
0x1c6: {  	v53 =	vor.u32 s7, v2;
	_ =	sdelay $0x1  }
0x1c7: {  	[tilespmem:v50+s30+$0x0] =	vst.idx.msk $0xffff, v5  }
0x1c8: {  	s6 =	sadd.s32 $0x4, s5;
	(v2sf) =	vpush v4, $0x7;
	[tilespmem:v51+s30+$0x0] =	vst.idx.msk $0xffff, v7  }
0x1c9: {  	s7 =	spop (v2sf);
	v5 =	vor.u32 s6, v1;
	v4 =	vld.idx.msk [tilespmem:v52+s16+$0x0], $0xffff  }
0x1ca: {  	v54 =	vor.u32 s6, v3;
	s7 =	sand.u32 $0x7F, s7;
	v6 =	vld.idx.msk [tilespmem:v53+s16+$0x0], $0xffff  }
0x1cb: {  	v55 =	vor.u32 s7, v0  }
0x1cc: {  	v56 =	vor.u32 s7, v2;
	_ =	sdelay $0x1  }
0x1cd: {  	[tilespmem:v5+s30+$0x0] =	vst.idx.msk $0xffff, v4  }
0x1ce: {  	s6 =	sadd.s32 $0x5, s5;
	[tilespmem:v54+s30+$0x0] =	vst.idx.msk $0xffff, v6  }
0x1cf: {  	s7 =	spop (v2sf);
	v5 =	vor.u32 s6, v1;
	v4 =	vld.idx.msk [tilespmem:v55+s17+$0x0], $0xffff  }
0x1d0: {  	s7 =	sand.u32 $0x7F, s7;
	v57 =	vor.u32 s6, v3;
	v6 =	vld.idx.msk [tilespmem:v56+s17+$0x0], $0xffff  }
0x1d1: {  	v58 =	vor.u32 s7, v0  }
0x1d2: {  	v59 =	vor.u32 s7, v2;
	_ =	sdelay $0x1  }
0x1d3: {  	[tilespmem:v5+s30+$0x0] =	vst.idx.msk $0xffff, v4  }
0x1d4: {  	s6 =	sadd.s32 $0x6, s5;
	[tilespmem:v57+s30+$0x0] =	vst.idx.msk $0xffff, v6  }
0x1d5: {  	s7 =	spop (v2sf);
	v5 =	vor.u32 s6, v1;
	v4 =	vld.idx.msk [tilespmem:v58+s18+$0x0], $0xffff  }
0x1d6: {  	s7 =	sand.u32 $0x7F, s7;
	v60 =	vor.u32 s6, v3;
	v6 =	vld.idx.msk [tilespmem:v59+s18+$0x0], $0xffff  }
0x1d7: {  	v61 =	vor.u32 s7, v0  }
0x1d8: {  	v62 =	vor.u32 s7, v2;
	_ =	sdelay $0x1  }
0x1d9: {  	[tilespmem:v5+s30+$0x0] =	vst.idx.msk $0xffff, v4  }
0x1da: {  	s7 =	sadd.s32 $0x7, s5;
	[tilespmem:v60+s30+$0x0] =	vst.idx.msk $0xffff, v6  }
0x1db: {  	v5 =	vor.u32 s7, v1;
	v4 =	vld.idx.msk [tilespmem:v61+s19+$0x0], $0xffff  }
0x1dc: {  	p0 =	seq.s32 s5, $0x1F0;
	v63 =	vor.u32 s7, v3;
	v6 =	vld.idx.msk [tilespmem:v62+s19+$0x0], $0xffff  }
.Ltmp4:
0x1dd: {  	_ = 	snop;
	(pc) =	sbr.rel @p0 .LBB2_4-.Ltmp4, $3  }
0x1de: {  	_ =	sdelay $0x1  }
0x1df: {  	[tilespmem:v5+s30+$0x0] =	vst.idx.msk $0xffff, v4  }
0x1e0: {  	[tilespmem:v63+s30+$0x0] =	vst.idx.msk $0xffff, v6  }
0x1e1: {  	v4 =	vld [tilespmem:s4+$0x8];
	_ =	sdelay $0x4  }
0x1e2: {  	(v2sf) =	vpush v4, $0x0;
	_ =	sdelay $0x6  }
0x1e3: {  	(v2sf) =	vpush v4, $0x1;
	_ =	sdelay $0x6  }
0x1e4: {  	(v2sf) =	vpush v4, $0x2  }
0x1e5: {  	s6 =	spop (v2sf)  }
0x1e6: {  	s7 =	sshra.s32 s6, $0x1F  }
0x1e7: {  	s7 =	sshrl.u32 s7, $0x19  }
0x1e8: {  	s6 =	sadd.s32 s7, s6  }
0x1e9: {  	s6 =	sand.u32 $0x1FFFFF80, s6  }
0x1ea: {  	s6 =	sadd.s32 s2, s6  }
0x1eb: {  	(v2sf) =	vpush v4, $0x3;
	[tilespmem:s12], [sflag:$0x1] =	stream.strided.gather [hbm4b:s6+s10], $0x1000, s11, s10, $0x38;
	[tilespmem:$0x14280] =	vst v63  }
0x1ec: {  	s6 =	spop (v2sf)  }
0x1ed: {  	s7 =	sshra.s32 s6, $0x1F  }
0x1ee: {  	s7 =	sshrl.u32 s7, $0x19  }
0x1ef: {  	s6 =	sadd.s32 s7, s6  }
0x1f0: {  	s6 =	sand.u32 $0x1FFFFF80, s6  }
0x1f1: {  	s6 =	sadd.s32 s2, s6  }
0x1f2: {  	(v2sf) =	vpush v4, $0x4;
	[tilespmem:s13], [sflag:$0x1] =	stream.strided.gather [hbm4b:s6+s10], $0x1000, s11, s10, $0x38;
	[tilespmem:$0x14280] =	vst v63  }
0x1f3: {  	s6 =	spop (v2sf)  }
0x1f4: {  	s7 =	sshra.s32 s6, $0x1F  }
0x1f5: {  	s7 =	sshrl.u32 s7, $0x19  }
0x1f6: {  	s6 =	sadd.s32 s7, s6  }
0x1f7: {  	(v2sf) =	vpush v4, $0x5;
	s6 =	sand.u32 $0x1FFFFF80, s6  }
0x1f8: {  	s6 =	sadd.s32 s2, s6  }
0x1f9: {  	[tilespmem:s14], [sflag:$0x1] =	stream.strided.gather [hbm4b:s6+s10], $0x1000, s11, s10, $0x38;
	[tilespmem:$0x14280] =	vst v63  }
0x1fa: {  	s6 =	spop (v2sf)  }
0x1fb: {  	s7 =	sshra.s32 s6, $0x1F  }
0x1fc: {  	s7 =	sshrl.u32 s7, $0x19  }
0x1fd: {  	(v2sf) =	vpush v4, $0x6;
	s6 =	sadd.s32 s7, s6  }
0x1fe: {  	s6 =	sand.u32 $0x1FFFFF80, s6  }
0x1ff: {  	s6 =	sadd.s32 s2, s6  }
0x200: {  	[tilespmem:s15], [sflag:$0x1] =	stream.strided.gather [hbm4b:s6+s10], $0x1000, s11, s10, $0x38;
	[tilespmem:$0x14280] =	vst v63  }
0x201: {  	s6 =	spop (v2sf)  }
0x202: {  	s7 =	sshra.s32 s6, $0x1F  }
0x203: {  	s7 =	sshrl.u32 s7, $0x19  }
0x204: {  	s6 =	sadd.s32 s7, s6  }
0x205: {  	(v2sf) =	vpush v4, $0x7;
	s6 =	sand.u32 $0x1FFFFF80, s6  }
0x206: {  	s7 =	spop (v2sf);
	s6 =	sadd.s32 s2, s6  }
0x207: {  	[tilespmem:s16], [sflag:$0x1] =	stream.strided.gather [hbm4b:s6+s10], $0x1000, s11, s10, $0x38;
	[tilespmem:$0x14280] =	vst v63  }
0x208: {  	s6 =	sshra.s32 s7, $0x1F  }
0x209: {  	s6 =	sshrl.u32 s6, $0x19  }
0x20a: {  	s6 =	sadd.s32 s6, s7  }
0x20b: {  	s6 =	sand.u32 $0x1FFFFF80, s6  }
0x20c: {  	s7 =	spop (v2sf);
	s6 =	sadd.s32 s2, s6  }
0x20d: {  	[tilespmem:s17], [sflag:$0x1] =	stream.strided.gather [hbm4b:s6+s10], $0x1000, s11, s10, $0x38;
	[tilespmem:$0x14280] =	vst v63  }
0x20e: {  	s6 =	sshra.s32 s7, $0x1F  }
0x20f: {  	s6 =	sshrl.u32 s6, $0x19  }
0x210: {  	s6 =	sadd.s32 s6, s7  }
0x211: {  	s6 =	sand.u32 $0x1FFFFF80, s6  }
0x212: {  	s6 =	sadd.s32 s2, s6  }
0x213: {  	[tilespmem:s18], [sflag:$0x1] =	stream.strided.gather [hbm4b:s6+s10], $0x1000, s11, s10, $0x38;
	[tilespmem:$0x14280] =	vst v63  }
0x214: {  	s6 =	spop (v2sf)  }
0x215: {  	s7 =	sshra.s32 s6, $0x1F  }
.Ltmp5:
0x216: {  	s7 =	sshrl.u32 s7, $0x19;
	(pc) =	sbr.rel .LBB2_4-.Ltmp5, $4  }
0x217: {  	s6 =	sadd.s32 s7, s6  }
0x218: {  	s6 =	sand.u32 $0x1FFFFF80, s6  }
0x219: {  	s6 =	sadd.s32 s2, s6  }
0x21a: {  	[tilespmem:s19], [sflag:$0x1] =	stream.strided.gather [hbm4b:s6+s10], $0x1000, s11, s10, $0x38;
	[tilespmem:$0x14280] =	vst v63  }
.LBB2_6:
0x21b: {  	_ =	sfence.sel $0x180000  }
0x21c: {  	[bflag:$0x0] =	sbarrier.arrive $0xFFFF  }
0x21d: {  	_ =	strace $0x90000047  }
0x21e: {  	s0 =	stileid.u32;
	[bflag:$0x2] =	sbarrier.arrive $0xFFFF  }
0x21f: {  	p0 =	sne.s32 s0, $0x0;
	s0 =	rddreg [dreg:$0x3]  }
0x220: {  	s0 =	sadd.s32 @!p0 $0x100000, s0  }
0x221: {  	[sflag:s0] =	ssyncadd.tile.s32 @!p0 $0x1;
	_ =	shalt  }
.Lfunc_end2:
_tile_overlayer_lowered:
.L_overlay_start_2:
0x222: {  	(tag) =	ssettag $0x2  }
0x223: {  	s0 =	rddreg [dreg:$0x0];
	s2 =	stileid.u32  }
0x224: {  	s1 =	rddreg [dreg:$0x1];
	p0 =	sne.s32 s2, $0x0  }
0x225: {  	s3 =	rddreg [dreg:$0x2];
	[bflag:$0x3] =	sbarrier.arrive $0xFFFF;
	s2 =	simm.s32 @!p0 $0x1C04  }
0x226: {  	[timem:s3], [sflag:s2] =	dma.local @!p0 [hbm:s0], s1  }
0x227: {  	s0 =	simm.s32 @!p0 $0x4  }
0x228: {  	_ =	swait.ge @!p0 [sflag:s0], s1  }
0x229: {  	s1 =	ssub.s32 @!p0 $0x0, s1;
	[sflag:s0] =	ssyncset.done @!p0 $0x0  }
0x22a: {  	[sflag:s0] =	ssyncadd.s32 @!p0 s1  }
0x22b: {  	[bflag:$0x3] =	sbarrier.arrive $0xFFFF  }
0x22c: {  	_ =	shalt  }

</sc_bundles>
